<compile_context>
chip_gen: v7x
topology: tpu7x:2x2x1
jax: 0.10.2.dev20260603
libtpu: 0.0.44.dev20260713+nightly
codegen_flags: <defaults>
</compile_context>

<pallas_src>
import dataclasses
import functools

import jax
import jax.numpy as jnp
from jax import lax
from jax.experimental import pallas as pl
from jax.experimental.pallas import tpu as pltpu
from jax.experimental.pallas import tpu_sc as plsc

N = 10000
E = 160000
FEAT = 256
D_MODEL = 256
DEGREE = 256

NC = 2
NS = 16
NW = NC * NS
LANES = 16
HR = 80
BN = 5000


def _sc_bincount(edge_index):
    ntiles = edge_index.shape[1] // 128
    tpw = ntiles // NW
    rem = ntiles - tpw * NW

    mesh = plsc.VectorSubcoreMesh(core_axis_name="c", subcore_axis_name="s")
    cp = pltpu.CompilerParams()
    if "needs_layout_passes" in pltpu.CompilerParams.__dataclass_fields__:
        cp = dataclasses.replace(cp, needs_layout_passes=False)

    @functools.partial(
        pl.kernel,
        mesh=mesh,
        compiler_params=cp,
        out_type=jax.ShapeDtypeStruct((NC, HR, 128), jnp.int32),
        scratch_types=[
            pltpu.VMEM((tpw + 1, 2, 128), jnp.int32),
            pltpu.VMEM((HR, 128), jnp.int32),
            pltpu.VMEM((HR,), jnp.int32),
            pltpu.VMEM_SHARED((HR, 128), jnp.int32),
            pltpu.SemaphoreType.DMA,
        ],
    )
    def bincount_kernel(edge_hbm, out_hbm, tiles_v, hist_v, rowidx_v, acc_sh,
                        sem):
        cid = lax.axis_index("c")
        sid = lax.axis_index("s")
        wid = sid * NC + cid
        t0 = wid * tpw
        zeros16 = jnp.zeros((LANES,), jnp.int32)
        ones16 = jnp.ones((LANES,), jnp.int32)
        lane = lax.iota(jnp.int32, LANES)

        copies = [
            pltpu.async_copy(
                edge_hbm.at[:, pl.ds((t0 + k) * 128, 128)], tiles_v.at[k], sem)
            for k in range(tpw)
        ]
        extra = wid < rem
        extra_cp = pltpu.make_async_copy(
            edge_hbm.at[:, pl.ds((NW * tpw + jnp.minimum(wid, rem - 1)) * 128,
                                 128)],
            tiles_v.at[tpw], sem)

        @pl.when(extra)
        def _():
            extra_cp.start()

        @pl.loop(0, HR)
        def _(r):
            for c in range(128 // LANES):
                hist_v[r, pl.ds(c * LANES, LANES)] = zeros16

        for c in range(HR // LANES):
            rowidx_v[pl.ds(c * LANES, LANES)] = lane + (c * LANES)

        @pl.when(sid == 0)
        def _():
            pltpu.sync_copy(hist_v, acc_sh)

        plsc.subcore_barrier()

        for c in copies:
            c.wait()

        @pl.loop(0, tpw)
        def _(k):
            for j in range(8):
                v = tiles_v[k, 1, pl.ds(j * LANES, LANES)]
                plsc.addupdate_scatter(hist_v, [v >> 7, v & 127], ones16)

        @pl.when(extra)
        def _():
            extra_cp.wait()
            for j in range(8):
                v = tiles_v[tpw, 1, pl.ds(j * LANES, LANES)]
                plsc.addupdate_scatter(hist_v, [v >> 7, v & 127], ones16)

        pltpu.sync_copy(hist_v, acc_sh.at[rowidx_v], add=True)
        plsc.subcore_barrier()

        @pl.when(sid == 0)
        def _():
            pltpu.sync_copy(acc_sh, out_hbm.at[cid])

    return bincount_kernel(edge_index)


def _tc_body(x_ref, deg_ref, w_ref, b_ref, t_ref, o_ref):
    deg = deg_ref[0, 0]
    iota_d = lax.broadcasted_iota(jnp.int32, (DEGREE, BN), 0)
    onehot_t = (iota_d == deg[None, :]).astype(jnp.float32)
    add = lax.dot_general(onehot_t, t_ref[...], (((0,), (0,)), ((), ())),
                          preferred_element_type=jnp.float32)
    node = lax.dot_general(x_ref[...], w_ref[...], (((1,), (1,)), ((), ())),
                           preferred_element_type=jnp.float32)
    o_ref[...] = node + add + b_ref[...]


def _tc_combine(x, deg3, W, b2, deg_table):
    nb = x.shape[0] // BN
    return pl.pallas_call(
        _tc_body,
        grid=(nb,),
        in_specs=[
            pl.BlockSpec((BN, FEAT), lambda i: (i, 0)),
            pl.BlockSpec((1, 1, BN), lambda i: (i, 0, 0)),
            pl.BlockSpec((D_MODEL, FEAT), lambda i: (0, 0)),
            pl.BlockSpec((1, D_MODEL), lambda i: (0, 0)),
            pl.BlockSpec((DEGREE, D_MODEL), lambda i: (0, 0)),
        ],
        out_specs=pl.BlockSpec((BN, D_MODEL), lambda i: (i, 0)),
        out_shape=jax.ShapeDtypeStruct((x.shape[0], D_MODEL), jnp.float32),
    )(x, deg3, W, b2, deg_table)


def kernel(x, edge_index, W, b, deg_table):
    hist = _sc_bincount(edge_index)
    deg = jnp.minimum(hist[0] + hist[1], DEGREE - 1)
    deg3 = deg.reshape(HR * 128)[:N].reshape(-1, 1, BN)
    return _tc_combine(x, deg3, W, b.reshape(1, D_MODEL), deg_table)

# --- scband reference (transcript-rebuilt; emitter-appended) ---
"""Pipeline reference for scband-node-features-89859305767432 (READ-ONLY COPY).

The authoritative reference and input builder live on the scoring server;
editing this copy changes nothing except your own understanding.
"""

import jax, jax.numpy as jnp
import numpy as np

N = 10000
E = 160000
FEAT = 256
D_MODEL = 256
DEGREE = 256

def setup_inputs(seed: int = 0) -> dict:
    key = jax.random.key(seed)
    k1, k2, k3, k4 = jax.random.split(key, 4)
    x = jax.random.normal(k1, (N, FEAT), dtype=jnp.float32)
    edge_index = jax.random.randint(k2, (2, E), 0, N, dtype=jnp.int32)
    # Linear(feat_dim, d_model): weight normal(0, 0.02/sqrt(layers=2)), bias zero
    W = jax.random.normal(k3, (D_MODEL, FEAT), dtype=jnp.float32) * (0.02 / np.sqrt(2.0))
    b = jnp.zeros((D_MODEL,), dtype=jnp.float32)
    # Embedding(degree, d_model, padding_idx=0): weight normal(0, 0.02), row 0 zeroed
    deg_table = jax.random.normal(k4, (DEGREE, D_MODEL), dtype=jnp.float32) * 0.02
    deg_table = deg_table.at[0].set(0.0)
    return {"x": x, "edge_index": edge_index, "W": W, "b": b, "deg_table": deg_table}

def reference(x, edge_index, W, b, deg_table):
    # deg = degree(col, N) -- count of incoming edges per node
    col = edge_index[1]
    deg = jnp.bincount(col, length=x.shape[0])
    deg = jnp.clip(deg, 0, deg_table.shape[0] - 1).astype(jnp.int32)
    # node_enc(x) + deg_enc(deg)
    node = x @ W.T + b
    return node + jnp.take(deg_table, deg, axis=0)

if __name__ == "__main__":
    import jax
    _d = setup_inputs()
    print(jax.jit(kernel)(*tuple(_d.values())))

</pallas_src>

<mosaic_0001>
#map = affine_map<(d0, d1) -> (0, 0)>
#map1 = affine_map<(d0, d1) -> (0, 0, 0)>
module attributes {stable_mosaic.version = 14 : i64} {
  func.func @bincount_kernel(%arg0: i32, %arg1: i32, %arg2: memref<2x160000xi32, #tpu.memory_space<hbm>>, %arg3: memref<2x80x128xi32, #tpu.memory_space<hbm>>, %arg4: memref<40x2x128xi32, #tpu.memory_space<vmem>>, %arg5: memref<80x128xi32, #tpu.memory_space<vmem>>, %arg6: memref<80xi32, #tpu.memory_space<vmem>>, %arg7: memref<80x128xi32, #tpu.memory_space<vmem_shared>>, %arg8: memref<!tpu.dma_semaphore, #tpu.memory_space<semaphore_mem>>) attributes {dimension_semantics = [#tpu.dimension_semantics<core_parallel>, #tpu.dimension_semantics<subcore_parallel>], iteration_bounds = array<i64: 2, 16>, scalar_prefetch = 0 : i64, scratch_operands = 5 : i64, tpu.core_type = #tpu.core_type<sc_vector_subcore>, window_params = [{transform_indices = #map}, {transform_indices = #map1}]} {
    %mul3A = arith.constant 2 : i32
    %mul3A_0 = arith.muli %arg1, %mul3A : i32
    %add3A = arith.addi %mul3A_0, %arg0 : i32
    %mul3A_1 = arith.constant 39 : i32
    %mul3A_2 = arith.muli %add3A, %mul3A_1 : i32
    %broadcast_in_dim3A = arith.constant 0 : i32
    %broadcast_in_dim3A_3 = vector.broadcast %broadcast_in_dim3A : i32 to vector<16xi32>
    %broadcast_in_dim3A_4 = arith.constant 1 : i32
    %broadcast_in_dim3A_5 = vector.broadcast %broadcast_in_dim3A_4 : i32 to vector<16xi32>
    %iota3A = tpu.iota {dimensions = array<i32: 0>} : vector<16xi32>
    %add3A_6 = arith.constant 0 : i32
    %add3A_7 = arith.addi %mul3A_2, %add3A_6 : i32
    %mul3A_8 = arith.constant 128 : i32
    %mul3A_9 = arith.muli %add3A_7, %mul3A_8 : i32
    %dma_start3A = arith.constant 0 : i32
    %dma_start3A_10 = arith.constant 0 : i32
    %dma_start3A_11 = arith.constant 0 : i32
    %dma_start3A_12 = tpu.memref_slice %arg4[%dma_start3A, %dma_start3A_10, %dma_start3A_11] : memref<40x2x128xi32, #tpu.memory_space<vmem>> -> memref<1x2x128xi32, #tpu.memory_space<vmem>>
    %dma_start3A_13 = tpu.memref_squeeze %dma_start3A_12 : memref<1x2x128xi32, #tpu.memory_space<vmem>> -> memref<2x128xi32, #tpu.memory_space<vmem>>
    %dma_start3A_14 = arith.constant 0 : i32
    %dma_start3A_15 = tpu.memref_slice %arg2[%dma_start3A_14, %mul3A_9] : memref<2x160000xi32, #tpu.memory_space<hbm>> -> memref<2x128xi32, #tpu.memory_space<hbm>>
    %dma_start3A_16 = arith.constant 0 : i32
    %dma_start3A_17 = arith.constant 0 : i32
    %dma_start3A_18 = tpu.memref_slice %arg4[%dma_start3A, %dma_start3A_16, %dma_start3A_17] : memref<40x2x128xi32, #tpu.memory_space<vmem>> -> memref<1x2x128xi32, #tpu.memory_space<vmem>>
    %dma_start3A_19 = tpu.memref_squeeze %dma_start3A_18 : memref<1x2x128xi32, #tpu.memory_space<vmem>> -> memref<2x128xi32, #tpu.memory_space<vmem>>
    %dma_start3A_20 = arith.constant 0 : i32
    %dma_start3A_21 = tpu.memref_slice %arg2[%dma_start3A_20, %mul3A_9] : memref<2x160000xi32, #tpu.memory_space<hbm>> -> memref<2x128xi32, #tpu.memory_space<hbm>>
    tpu.enqueue_dma source(%dma_start3A_21 : memref<2x128xi32, #tpu.memory_space<hbm>>) target(%dma_start3A_19 : memref<2x128xi32, #tpu.memory_space<vmem>>) target_semaphore(%arg8 : memref<!tpu.dma_semaphore, #tpu.memory_space<semaphore_mem>>)
    %add3A_22 = arith.constant 1 : i32
    %add3A_23 = arith.addi %mul3A_2, %add3A_22 : i32
    %mul3A_24 = arith.constant 128 : i32
    %mul3A_25 = arith.muli %add3A_23, %mul3A_24 : i32
    %dma_start3A_26 = arith.constant 1 : i32
    %dma_start3A_27 = arith.constant 0 : i32
    %dma_start3A_28 = arith.constant 0 : i32
    %dma_start3A_29 = tpu.memref_slice %arg4[%dma_start3A_26, %dma_start3A_27, %dma_start3A_28] : memref<40x2x128xi32, #tpu.memory_space<vmem>> -> memref<1x2x128xi32, #tpu.memory_space<vmem>>
    %dma_start3A_30 = tpu.memref_squeeze %dma_start3A_29 : memref<1x2x128xi32, #tpu.memory_space<vmem>> -> memref<2x128xi32, #tpu.memory_space<vmem>>
    %dma_start3A_31 = arith.constant 0 : i32
    %dma_start3A_32 = tpu.memref_slice %arg2[%dma_start3A_31, %mul3A_25] : memref<2x160000xi32, #tpu.memory_space<hbm>> -> memref<2x128xi32, #tpu.memory_space<hbm>>
    %dma_start3A_33 = arith.constant 0 : i32
    %dma_start3A_34 = arith.constant 0 : i32
    %dma_start3A_35 = tpu.memref_slice %arg4[%dma_start3A_26, %dma_start3A_33, %dma_start3A_34] : memref<40x2x128xi32, #tpu.memory_space<vmem>> -> memref<1x2x128xi32, #tpu.memory_space<vmem>>
    %dma_start3A_36 = tpu.memref_squeeze %dma_start3A_35 : memref<1x2x128xi32, #tpu.memory_space<vmem>> -> memref<2x128xi32, #tpu.memory_space<vmem>>
    %dma_start3A_37 = arith.constant 0 : i32
    %dma_start3A_38 = tpu.memref_slice %arg2[%dma_start3A_37, %mul3A_25] : memref<2x160000xi32, #tpu.memory_space<hbm>> -> memref<2x128xi32, #tpu.memory_space<hbm>>
    tpu.enqueue_dma source(%dma_start3A_38 : memref<2x128xi32, #tpu.memory_space<hbm>>) target(%dma_start3A_36 : memref<2x128xi32, #tpu.memory_space<vmem>>) target_semaphore(%arg8 : memref<!tpu.dma_semaphore, #tpu.memory_space<semaphore_mem>>)
    %add3A_39 = arith.constant 2 : i32
    %add3A_40 = arith.addi %mul3A_2, %add3A_39 : i32
    %mul3A_41 = arith.constant 128 : i32
    %mul3A_42 = arith.muli %add3A_40, %mul3A_41 : i32
    %dma_start3A_43 = arith.constant 2 : i32
    %dma_start3A_44 = arith.constant 0 : i32
    %dma_start3A_45 = arith.constant 0 : i32
    %dma_start3A_46 = tpu.memref_slice %arg4[%dma_start3A_43, %dma_start3A_44, %dma_start3A_45] : memref<40x2x128xi32, #tpu.memory_space<vmem>> -> memref<1x2x128xi32, #tpu.memory_space<vmem>>
    %dma_start3A_47 = tpu.memref_squeeze %dma_start3A_46 : memref<1x2x128xi32, #tpu.memory_space<vmem>> -> memref<2x128xi32, #tpu.memory_space<vmem>>
    %dma_start3A_48 = arith.constant 0 : i32
    %dma_start3A_49 = tpu.memref_slice %arg2[%dma_start3A_48, %mul3A_42] : memref<2x160000xi32, #tpu.memory_space<hbm>> -> memref<2x128xi32, #tpu.memory_space<hbm>>
    %dma_start3A_50 = arith.constant 0 : i32
    %dma_start3A_51 = arith.constant 0 : i32
    %dma_start3A_52 = tpu.memref_slice %arg4[%dma_start3A_43, %dma_start3A_50, %dma_start3A_51] : memref<40x2x128xi32, #tpu.memory_space<vmem>> -> memref<1x2x128xi32, #tpu.memory_space<vmem>>
    %dma_start3A_53 = tpu.memref_squeeze %dma_start3A_52 : memref<1x2x128xi32, #tpu.memory_space<vmem>> -> memref<2x128xi32, #tpu.memory_space<vmem>>
    %dma_start3A_54 = arith.constant 0 : i32
    %dma_start3A_55 = tpu.memref_slice %arg2[%dma_start3A_54, %mul3A_42] : memref<2x160000xi32, #tpu.memory_space<hbm>> -> memref<2x128xi32, #tpu.memory_space<hbm>>
    tpu.enqueue_dma source(%dma_start3A_55 : memref<2x128xi32, #tpu.memory_space<hbm>>) target(%dma_start3A_53 : memref<2x128xi32, #tpu.memory_space<vmem>>) target_semaphore(%arg8 : memref<!tpu.dma_semaphore, #tpu.memory_space<semaphore_mem>>)
    %add3A_56 = arith.constant 3 : i32
    %add3A_57 = arith.addi %mul3A_2, %add3A_56 : i32
    %mul3A_58 = arith.constant 128 : i32
    %mul3A_59 = arith.muli %add3A_57, %mul3A_58 : i32
    %dma_start3A_60 = arith.constant 3 : i32
    %dma_start3A_61 = arith.constant 0 : i32
    %dma_start3A_62 = arith.constant 0 : i32
    %dma_start3A_63 = tpu.memref_slice %arg4[%dma_start3A_60, %dma_start3A_61, %dma_start3A_62] : memref<40x2x128xi32, #tpu.memory_space<vmem>> -> memref<1x2x128xi32, #tpu.memory_space<vmem>>
    %dma_start3A_64 = tpu.memref_squeeze %dma_start3A_63 : memref<1x2x128xi32, #tpu.memory_space<vmem>> -> memref<2x128xi32, #tpu.memory_space<vmem>>
    %dma_start3A_65 = arith.constant 0 : i32
    %dma_start3A_66 = tpu.memref_slice %arg2[%dma_start3A_65, %mul3A_59] : memref<2x160000xi32, #tpu.memory_space<hbm>> -> memref<2x128xi32, #tpu.memory_space<hbm>>
    %dma_start3A_67 = arith.constant 0 : i32
    %dma_start3A_68 = arith.constant 0 : i32
    %dma_start3A_69 = tpu.memref_slice %arg4[%dma_start3A_60, %dma_start3A_67, %dma_start3A_68] : memref<40x2x128xi32, #tpu.memory_space<vmem>> -> memref<1x2x128xi32, #tpu.memory_space<vmem>>
    %dma_start3A_70 = tpu.memref_squeeze %dma_start3A_69 : memref<1x2x128xi32, #tpu.memory_space<vmem>> -> memref<2x128xi32, #tpu.memory_space<vmem>>
    %dma_start3A_71 = arith.constant 0 : i32
    %dma_start3A_72 = tpu.memref_slice %arg2[%dma_start3A_71, %mul3A_59] : memref<2x160000xi32, #tpu.memory_space<hbm>> -> memref<2x128xi32, #tpu.memory_space<hbm>>
    tpu.enqueue_dma source(%dma_start3A_72 : memref<2x128xi32, #tpu.memory_space<hbm>>) target(%dma_start3A_70 : memref<2x128xi32, #tpu.memory_space<vmem>>) target_semaphore(%arg8 : memref<!tpu.dma_semaphore, #tpu.memory_space<semaphore_mem>>)
    %add3A_73 = arith.constant 4 : i32
    %add3A_74 = arith.addi %mul3A_2, %add3A_73 : i32
    %mul3A_75 = arith.constant 128 : i32
    %mul3A_76 = arith.muli %add3A_74, %mul3A_75 : i32
    %dma_start3A_77 = arith.constant 4 : i32
    %dma_start3A_78 = arith.constant 0 : i32
    %dma_start3A_79 = arith.constant 0 : i32
    %dma_start3A_80 = tpu.memref_slice %arg4[%dma_start3A_77, %dma_start3A_78, %dma_start3A_79] : memref<40x2x128xi32, #tpu.memory_space<vmem>> -> memref<1x2x128xi32, #tpu.memory_space<vmem>>
    %dma_start3A_81 = tpu.memref_squeeze %dma_start3A_80 : memref<1x2x128xi32, #tpu.memory_space<vmem>> -> memref<2x128xi32, #tpu.memory_space<vmem>>
    %dma_start3A_82 = arith.constant 0 : i32
    %dma_start3A_83 = tpu.memref_slice %arg2[%dma_start3A_82, %mul3A_76] : memref<2x160000xi32, #tpu.memory_space<hbm>> -> memref<2x128xi32, #tpu.memory_space<hbm>>
    %dma_start3A_84 = arith.constant 0 : i32
    %dma_start3A_85 = arith.constant 0 : i32
    %dma_start3A_86 = tpu.memref_slice %arg4[%dma_start3A_77, %dma_start3A_84, %dma_start3A_85] : memref<40x2x128xi32, #tpu.memory_space<vmem>> -> memref<1x2x128xi32, #tpu.memory_space<vmem>>
    %dma_start3A_87 = tpu.memref_squeeze %dma_start3A_86 : memref<1x2x128xi32, #tpu.memory_space<vmem>> -> memref<2x128xi32, #tpu.memory_space<vmem>>
    %dma_start3A_88 = arith.constant 0 : i32
    %dma_start3A_89 = tpu.memref_slice %arg2[%dma_start3A_88, %mul3A_76] : memref<2x160000xi32, #tpu.memory_space<hbm>> -> memref<2x128xi32, #tpu.memory_space<hbm>>
    tpu.enqueue_dma source(%dma_start3A_89 : memref<2x128xi32, #tpu.memory_space<hbm>>) target(%dma_start3A_87 : memref<2x128xi32, #tpu.memory_space<vmem>>) target_semaphore(%arg8 : memref<!tpu.dma_semaphore, #tpu.memory_space<semaphore_mem>>)
    %add3A_90 = arith.constant 5 : i32
    %add3A_91 = arith.addi %mul3A_2, %add3A_90 : i32
    %mul3A_92 = arith.constant 128 : i32
    %mul3A_93 = arith.muli %add3A_91, %mul3A_92 : i32
    %dma_start3A_94 = arith.constant 5 : i32
    %dma_start3A_95 = arith.constant 0 : i32
    %dma_start3A_96 = arith.constant 0 : i32
    %dma_start3A_97 = tpu.memref_slice %arg4[%dma_start3A_94, %dma_start3A_95, %dma_start3A_96] : memref<40x2x128xi32, #tpu.memory_space<vmem>> -> memref<1x2x128xi32, #tpu.memory_space<vmem>>
    %dma_start3A_98 = tpu.memref_squeeze %dma_start3A_97 : memref<1x2x128xi32, #tpu.memory_space<vmem>> -> memref<2x128xi32, #tpu.memory_space<vmem>>
    %dma_start3A_99 = arith.constant 0 : i32
    %dma_start3A_100 = tpu.memref_slice %arg2[%dma_start3A_99, %mul3A_93] : memref<2x160000xi32, #tpu.memory_space<hbm>> -> memref<2x128xi32, #tpu.memory_space<hbm>>
    %dma_start3A_101 = arith.constant 0 : i32
    %dma_start3A_102 = arith.constant 0 : i32
    %dma_start3A_103 = tpu.memref_slice %arg4[%dma_start3A_94, %dma_start3A_101, %dma_start3A_102] : memref<40x2x128xi32, #tpu.memory_space<vmem>> -> memref<1x2x128xi32, #tpu.memory_space<vmem>>
    %dma_start3A_104 = tpu.memref_squeeze %dma_start3A_103 : memref<1x2x128xi32, #tpu.memory_space<vmem>> -> memref<2x128xi32, #tpu.memory_space<vmem>>
    %dma_start3A_105 = arith.constant 0 : i32
    %dma_start3A_106 = tpu.memref_slice %arg2[%dma_start3A_105, %mul3A_93] : memref<2x160000xi32, #tpu.memory_space<hbm>> -> memref<2x128xi32, #tpu.memory_space<hbm>>
    tpu.enqueue_dma source(%dma_start3A_106 : memref<2x128xi32, #tpu.memory_space<hbm>>) target(%dma_start3A_104 : memref<2x128xi32, #tpu.memory_space<vmem>>) target_semaphore(%arg8 : memref<!tpu.dma_semaphore, #tpu.memory_space<semaphore_mem>>)
    %add3A_107 = arith.constant 6 : i32
    %add3A_108 = arith.addi %mul3A_2, %add3A_107 : i32
    %mul3A_109 = arith.constant 128 : i32
    %mul3A_110 = arith.muli %add3A_108, %mul3A_109 : i32
    %dma_start3A_111 = arith.constant 6 : i32
    %dma_start3A_112 = arith.constant 0 : i32
    %dma_start3A_113 = arith.constant 0 : i32
    %dma_start3A_114 = tpu.memref_slice %arg4[%dma_start3A_111, %dma_start3A_112, %dma_start3A_113] : memref<40x2x128xi32, #tpu.memory_space<vmem>> -> memref<1x2x128xi32, #tpu.memory_space<vmem>>
    %dma_start3A_115 = tpu.memref_squeeze %dma_start3A_114 : memref<1x2x128xi32, #tpu.memory_space<vmem>> -> memref<2x128xi32, #tpu.memory_space<vmem>>
    %dma_start3A_116 = arith.constant 0 : i32
    %dma_start3A_117 = tpu.memref_slice %arg2[%dma_start3A_116, %mul3A_110] : memref<2x160000xi32, #tpu.memory_space<hbm>> -> memref<2x128xi32, #tpu.memory_space<hbm>>
    %dma_start3A_118 = arith.constant 0 : i32
    %dma_start3A_119 = arith.constant 0 : i32
    %dma_start3A_120 = tpu.memref_slice %arg4[%dma_start3A_111, %dma_start3A_118, %dma_start3A_119] : memref<40x2x128xi32, #tpu.memory_space<vmem>> -> memref<1x2x128xi32, #tpu.memory_space<vmem>>
    %dma_start3A_121 = tpu.memref_squeeze %dma_start3A_120 : memref<1x2x128xi32, #tpu.memory_space<vmem>> -> memref<2x128xi32, #tpu.memory_space<vmem>>
    %dma_start3A_122 = arith.constant 0 : i32
    %dma_start3A_123 = tpu.memref_slice %arg2[%dma_start3A_122, %mul3A_110] : memref<2x160000xi32, #tpu.memory_space<hbm>> -> memref<2x128xi32, #tpu.memory_space<hbm>>
    tpu.enqueue_dma source(%dma_start3A_123 : memref<2x128xi32, #tpu.memory_space<hbm>>) target(%dma_start3A_121 : memref<2x128xi32, #tpu.memory_space<vmem>>) target_semaphore(%arg8 : memref<!tpu.dma_semaphore, #tpu.memory_space<semaphore_mem>>)
    %add3A_124 = arith.constant 7 : i32
    %add3A_125 = arith.addi %mul3A_2, %add3A_124 : i32
    %mul3A_126 = arith.constant 128 : i32
    %mul3A_127 = arith.muli %add3A_125, %mul3A_126 : i32
    %dma_start3A_128 = arith.constant 7 : i32
    %dma_start3A_129 = arith.constant 0 : i32
    %dma_start3A_130 = arith.constant 0 : i32
    %dma_start3A_131 = tpu.memref_slice %arg4[%dma_start3A_128, %dma_start3A_129, %dma_start3A_130] : memref<40x2x128xi32, #tpu.memory_space<vmem>> -> memref<1x2x128xi32, #tpu.memory_space<vmem>>
    %dma_start3A_132 = tpu.memref_squeeze %dma_start3A_131 : memref<1x2x128xi32, #tpu.memory_space<vmem>> -> memref<2x128xi32, #tpu.memory_space<vmem>>
    %dma_start3A_133 = arith.constant 0 : i32
    %dma_start3A_134 = tpu.memref_slice %arg2[%dma_start3A_133, %mul3A_127] : memref<2x160000xi32, #tpu.memory_space<hbm>> -> memref<2x128xi32, #tpu.memory_space<hbm>>
    %dma_start3A_135 = arith.constant 0 : i32
    %dma_start3A_136 = arith.constant 0 : i32
    %dma_start3A_137 = tpu.memref_slice %arg4[%dma_start3A_128, %dma_start3A_135, %dma_start3A_136] : memref<40x2x128xi32, #tpu.memory_space<vmem>> -> memref<1x2x128xi32, #tpu.memory_space<vmem>>
    %dma_start3A_138 = tpu.memref_squeeze %dma_start3A_137 : memref<1x2x128xi32, #tpu.memory_space<vmem>> -> memref<2x128xi32, #tpu.memory_space<vmem>>
    %dma_start3A_139 = arith.constant 0 : i32
    %dma_start3A_140 = tpu.memref_slice %arg2[%dma_start3A_139, %mul3A_127] : memref<2x160000xi32, #tpu.memory_space<hbm>> -> memref<2x128xi32, #tpu.memory_space<hbm>>
    tpu.enqueue_dma source(%dma_start3A_140 : memref<2x128xi32, #tpu.memory_space<hbm>>) target(%dma_start3A_138 : memref<2x128xi32, #tpu.memory_space<vmem>>) target_semaphore(%arg8 : memref<!tpu.dma_semaphore, #tpu.memory_space<semaphore_mem>>)
    %add3A_141 = arith.constant 8 : i32
    %add3A_142 = arith.addi %mul3A_2, %add3A_141 : i32
    %mul3A_143 = arith.constant 128 : i32
    %mul3A_144 = arith.muli %add3A_142, %mul3A_143 : i32
    %dma_start3A_145 = arith.constant 8 : i32
    %dma_start3A_146 = arith.constant 0 : i32
    %dma_start3A_147 = arith.constant 0 : i32
    %dma_start3A_148 = tpu.memref_slice %arg4[%dma_start3A_145, %dma_start3A_146, %dma_start3A_147] : memref<40x2x128xi32, #tpu.memory_space<vmem>> -> memref<1x2x128xi32, #tpu.memory_space<vmem>>
    %dma_start3A_149 = tpu.memref_squeeze %dma_start3A_148 : memref<1x2x128xi32, #tpu.memory_space<vmem>> -> memref<2x128xi32, #tpu.memory_space<vmem>>
    %dma_start3A_150 = arith.constant 0 : i32
    %dma_start3A_151 = tpu.memref_slice %arg2[%dma_start3A_150, %mul3A_144] : memref<2x160000xi32, #tpu.memory_space<hbm>> -> memref<2x128xi32, #tpu.memory_space<hbm>>
    %dma_start3A_152 = arith.constant 0 : i32
    %dma_start3A_153 = arith.constant 0 : i32
    %dma_start3A_154 = tpu.memref_slice %arg4[%dma_start3A_145, %dma_start3A_152, %dma_start3A_153] : memref<40x2x128xi32, #tpu.memory_space<vmem>> -> memref<1x2x128xi32, #tpu.memory_space<vmem>>
    %dma_start3A_155 = tpu.memref_squeeze %dma_start3A_154 : memref<1x2x128xi32, #tpu.memory_space<vmem>> -> memref<2x128xi32, #tpu.memory_space<vmem>>
    %dma_start3A_156 = arith.constant 0 : i32
    %dma_start3A_157 = tpu.memref_slice %arg2[%dma_start3A_156, %mul3A_144] : memref<2x160000xi32, #tpu.memory_space<hbm>> -> memref<2x128xi32, #tpu.memory_space<hbm>>
    tpu.enqueue_dma source(%dma_start3A_157 : memref<2x128xi32, #tpu.memory_space<hbm>>) target(%dma_start3A_155 : memref<2x128xi32, #tpu.memory_space<vmem>>) target_semaphore(%arg8 : memref<!tpu.dma_semaphore, #tpu.memory_space<semaphore_mem>>)
    %add3A_158 = arith.constant 9 : i32
    %add3A_159 = arith.addi %mul3A_2, %add3A_158 : i32
    %mul3A_160 = arith.constant 128 : i32
    %mul3A_161 = arith.muli %add3A_159, %mul3A_160 : i32
    %dma_start3A_162 = arith.constant 9 : i32
    %dma_start3A_163 = arith.constant 0 : i32
    %dma_start3A_164 = arith.constant 0 : i32
    %dma_start3A_165 = tpu.memref_slice %arg4[%dma_start3A_162, %dma_start3A_163, %dma_start3A_164] : memref<40x2x128xi32, #tpu.memory_space<vmem>> -> memref<1x2x128xi32, #tpu.memory_space<vmem>>
    %dma_start3A_166 = tpu.memref_squeeze %dma_start3A_165 : memref<1x2x128xi32, #tpu.memory_space<vmem>> -> memref<2x128xi32, #tpu.memory_space<vmem>>
    %dma_start3A_167 = arith.constant 0 : i32
    %dma_start3A_168 = tpu.memref_slice %arg2[%dma_start3A_167, %mul3A_161] : memref<2x160000xi32, #tpu.memory_space<hbm>> -> memref<2x128xi32, #tpu.memory_space<hbm>>
    %dma_start3A_169 = arith.constant 0 : i32
    %dma_start3A_170 = arith.constant 0 : i32
    %dma_start3A_171 = tpu.memref_slice %arg4[%dma_start3A_162, %dma_start3A_169, %dma_start3A_170] : memref<40x2x128xi32, #tpu.memory_space<vmem>> -> memref<1x2x128xi32, #tpu.memory_space<vmem>>
    %dma_start3A_172 = tpu.memref_squeeze %dma_start3A_171 : memref<1x2x128xi32, #tpu.memory_space<vmem>> -> memref<2x128xi32, #tpu.memory_space<vmem>>
    %dma_start3A_173 = arith.constant 0 : i32
    %dma_start3A_174 = tpu.memref_slice %arg2[%dma_start3A_173, %mul3A_161] : memref<2x160000xi32, #tpu.memory_space<hbm>> -> memref<2x128xi32, #tpu.memory_space<hbm>>
    tpu.enqueue_dma source(%dma_start3A_174 : memref<2x128xi32, #tpu.memory_space<hbm>>) target(%dma_start3A_172 : memref<2x128xi32, #tpu.memory_space<vmem>>) target_semaphore(%arg8 : memref<!tpu.dma_semaphore, #tpu.memory_space<semaphore_mem>>)
    %add3A_175 = arith.constant 10 : i32
    %add3A_176 = arith.addi %mul3A_2, %add3A_175 : i32
    %mul3A_177 = arith.constant 128 : i32
    %mul3A_178 = arith.muli %add3A_176, %mul3A_177 : i32
    %dma_start3A_179 = arith.constant 10 : i32
    %dma_start3A_180 = arith.constant 0 : i32
    %dma_start3A_181 = arith.constant 0 : i32
    %dma_start3A_182 = tpu.memref_slice %arg4[%dma_start3A_179, %dma_start3A_180, %dma_start3A_181] : memref<40x2x128xi32, #tpu.memory_space<vmem>> -> memref<1x2x128xi32, #tpu.memory_space<vmem>>
    %dma_start3A_183 = tpu.memref_squeeze %dma_start3A_182 : memref<1x2x128xi32, #tpu.memory_space<vmem>> -> memref<2x128xi32, #tpu.memory_space<vmem>>
    %dma_start3A_184 = arith.constant 0 : i32
    %dma_start3A_185 = tpu.memref_slice %arg2[%dma_start3A_184, %mul3A_178] : memref<2x160000xi32, #tpu.memory_space<hbm>> -> memref<2x128xi32, #tpu.memory_space<hbm>>
    %dma_start3A_186 = arith.constant 0 : i32
    %dma_start3A_187 = arith.constant 0 : i32
    %dma_start3A_188 = tpu.memref_slice %arg4[%dma_start3A_179, %dma_start3A_186, %dma_start3A_187] : memref<40x2x128xi32, #tpu.memory_space<vmem>> -> memref<1x2x128xi32, #tpu.memory_space<vmem>>
    %dma_start3A_189 = tpu.memref_squeeze %dma_start3A_188 : memref<1x2x128xi32, #tpu.memory_space<vmem>> -> memref<2x128xi32, #tpu.memory_space<vmem>>
    %dma_start3A_190 = arith.constant 0 : i32
    %dma_start3A_191 = tpu.memref_slice %arg2[%dma_start3A_190, %mul3A_178] : memref<2x160000xi32, #tpu.memory_space<hbm>> -> memref<2x128xi32, #tpu.memory_space<hbm>>
    tpu.enqueue_dma source(%dma_start3A_191 : memref<2x128xi32, #tpu.memory_space<hbm>>) target(%dma_start3A_189 : memref<2x128xi32, #tpu.memory_space<vmem>>) target_semaphore(%arg8 : memref<!tpu.dma_semaphore, #tpu.memory_space<semaphore_mem>>)
    %add3A_192 = arith.constant 11 : i32
    %add3A_193 = arith.addi %mul3A_2, %add3A_192 : i32
    %mul3A_194 = arith.constant 128 : i32
    %mul3A_195 = arith.muli %add3A_193, %mul3A_194 : i32
    %dma_start3A_196 = arith.constant 11 : i32
    %dma_start3A_197 = arith.constant 0 : i32
    %dma_start3A_198 = arith.constant 0 : i32
    %dma_start3A_199 = tpu.memref_slice %arg4[%dma_start3A_196, %dma_start3A_197, %dma_start3A_198] : memref<40x2x128xi32, #tpu.memory_space<vmem>> -> memref<1x2x128xi32, #tpu.memory_space<vmem>>
    %dma_start3A_200 = tpu.memref_squeeze %dma_start3A_199 : memref<1x2x128xi32, #tpu.memory_space<vmem>> -> memref<2x128xi32, #tpu.memory_space<vmem>>
    %dma_start3A_201 = arith.constant 0 : i32
    %dma_start3A_202 = tpu.memref_slice %arg2[%dma_start3A_201, %mul3A_195] : memref<2x160000xi32, #tpu.memory_space<hbm>> -> memref<2x128xi32, #tpu.memory_space<hbm>>
    %dma_start3A_203 = arith.constant 0 : i32
    %dma_start3A_204 = arith.constant 0 : i32
    %dma_start3A_205 = tpu.memref_slice %arg4[%dma_start3A_196, %dma_start3A_203, %dma_start3A_204] : memref<40x2x128xi32, #tpu.memory_space<vmem>> -> memref<1x2x128xi32, #tpu.memory_space<vmem>>
    %dma_start3A_206 = tpu.memref_squeeze %dma_start3A_205 : memref<1x2x128xi32, #tpu.memory_space<vmem>> -> memref<2x128xi32, #tpu.memory_space<vmem>>
    %dma_start3A_207 = arith.constant 0 : i32
    %dma_start3A_208 = tpu.memref_slice %arg2[%dma_start3A_207, %mul3A_195] : memref<2x160000xi32, #tpu.memory_space<hbm>> -> memref<2x128xi32, #tpu.memory_space<hbm>>
    tpu.enqueue_dma source(%dma_start3A_208 : memref<2x128xi32, #tpu.memory_space<hbm>>) target(%dma_start3A_206 : memref<2x128xi32, #tpu.memory_space<vmem>>) target_semaphore(%arg8 : memref<!tpu.dma_semaphore, #tpu.memory_space<semaphore_mem>>)
    %add3A_209 = arith.constant 12 : i32
    %add3A_210 = arith.addi %mul3A_2, %add3A_209 : i32
    %mul3A_211 = arith.constant 128 : i32
    %mul3A_212 = arith.muli %add3A_210, %mul3A_211 : i32
    %dma_start3A_213 = arith.constant 12 : i32
    %dma_start3A_214 = arith.constant 0 : i32
    %dma_start3A_215 = arith.constant 0 : i32
    %dma_start3A_216 = tpu.memref_slice %arg4[%dma_start3A_213, %dma_start3A_214, %dma_start3A_215] : memref<40x2x128xi32, #tpu.memory_space<vmem>> -> memref<1x2x128xi32, #tpu.memory_space<vmem>>
    %dma_start3A_217 = tpu.memref_squeeze %dma_start3A_216 : memref<1x2x128xi32, #tpu.memory_space<vmem>> -> memref<2x128xi32, #tpu.memory_space<vmem>>
    %dma_start3A_218 = arith.constant 0 : i32
    %dma_start3A_219 = tpu.memref_slice %arg2[%dma_start3A_218, %mul3A_212] : memref<2x160000xi32, #tpu.memory_space<hbm>> -> memref<2x128xi32, #tpu.memory_space<hbm>>
    %dma_start3A_220 = arith.constant 0 : i32
    %dma_start3A_221 = arith.constant 0 : i32
    %dma_start3A_222 = tpu.memref_slice %arg4[%dma_start3A_213, %dma_start3A_220, %dma_start3A_221] : memref<40x2x128xi32, #tpu.memory_space<vmem>> -> memref<1x2x128xi32, #tpu.memory_space<vmem>>
    %dma_start3A_223 = tpu.memref_squeeze %dma_start3A_222 : memref<1x2x128xi32, #tpu.memory_space<vmem>> -> memref<2x128xi32, #tpu.memory_space<vmem>>
    %dma_start3A_224 = arith.constant 0 : i32
    %dma_start3A_225 = tpu.memref_slice %arg2[%dma_start3A_224, %mul3A_212] : memref<2x160000xi32, #tpu.memory_space<hbm>> -> memref<2x128xi32, #tpu.memory_space<hbm>>
    tpu.enqueue_dma source(%dma_start3A_225 : memref<2x128xi32, #tpu.memory_space<hbm>>) target(%dma_start3A_223 : memref<2x128xi32, #tpu.memory_space<vmem>>) target_semaphore(%arg8 : memref<!tpu.dma_semaphore, #tpu.memory_space<semaphore_mem>>)
    %add3A_226 = arith.constant 13 : i32
    %add3A_227 = arith.addi %mul3A_2, %add3A_226 : i32
    %mul3A_228 = arith.constant 128 : i32
    %mul3A_229 = arith.muli %add3A_227, %mul3A_228 : i32
    %dma_start3A_230 = arith.constant 13 : i32
    %dma_start3A_231 = arith.constant 0 : i32
    %dma_start3A_232 = arith.constant 0 : i32
    %dma_start3A_233 = tpu.memref_slice %arg4[%dma_start3A_230, %dma_start3A_231, %dma_start3A_232] : memref<40x2x128xi32, #tpu.memory_space<vmem>> -> memref<1x2x128xi32, #tpu.memory_space<vmem>>
    %dma_start3A_234 = tpu.memref_squeeze %dma_start3A_233 : memref<1x2x128xi32, #tpu.memory_space<vmem>> -> memref<2x128xi32, #tpu.memory_space<vmem>>
    %dma_start3A_235 = arith.constant 0 : i32
    %dma_start3A_236 = tpu.memref_slice %arg2[%dma_start3A_235, %mul3A_229] : memref<2x160000xi32, #tpu.memory_space<hbm>> -> memref<2x128xi32, #tpu.memory_space<hbm>>
    %dma_start3A_237 = arith.constant 0 : i32
    %dma_start3A_238 = arith.constant 0 : i32
    %dma_start3A_239 = tpu.memref_slice %arg4[%dma_start3A_230, %dma_start3A_237, %dma_start3A_238] : memref<40x2x128xi32, #tpu.memory_space<vmem>> -> memref<1x2x128xi32, #tpu.memory_space<vmem>>
    %dma_start3A_240 = tpu.memref_squeeze %dma_start3A_239 : memref<1x2x128xi32, #tpu.memory_space<vmem>> -> memref<2x128xi32, #tpu.memory_space<vmem>>
    %dma_start3A_241 = arith.constant 0 : i32
    %dma_start3A_242 = tpu.memref_slice %arg2[%dma_start3A_241, %mul3A_229] : memref<2x160000xi32, #tpu.memory_space<hbm>> -> memref<2x128xi32, #tpu.memory_space<hbm>>
    tpu.enqueue_dma source(%dma_start3A_242 : memref<2x128xi32, #tpu.memory_space<hbm>>) target(%dma_start3A_240 : memref<2x128xi32, #tpu.memory_space<vmem>>) target_semaphore(%arg8 : memref<!tpu.dma_semaphore, #tpu.memory_space<semaphore_mem>>)
    %add3A_243 = arith.constant 14 : i32
    %add3A_244 = arith.addi %mul3A_2, %add3A_243 : i32
    %mul3A_245 = arith.constant 128 : i32
    %mul3A_246 = arith.muli %add3A_244, %mul3A_245 : i32
    %dma_start3A_247 = arith.constant 14 : i32
    %dma_start3A_248 = arith.constant 0 : i32
    %dma_start3A_249 = arith.constant 0 : i32
    %dma_start3A_250 = tpu.memref_slice %arg4[%dma_start3A_247, %dma_start3A_248, %dma_start3A_249] : memref<40x2x128xi32, #tpu.memory_space<vmem>> -> memref<1x2x128xi32, #tpu.memory_space<vmem>>
    %dma_start3A_251 = tpu.memref_squeeze %dma_start3A_250 : memref<1x2x128xi32, #tpu.memory_space<vmem>> -> memref<2x128xi32, #tpu.memory_space<vmem>>
    %dma_start3A_252 = arith.constant 0 : i32
    %dma_start3A_253 = tpu.memref_slice %arg2[%dma_start3A_252, %mul3A_246] : memref<2x160000xi32, #tpu.memory_space<hbm>> -> memref<2x128xi32, #tpu.memory_space<hbm>>
    %dma_start3A_254 = arith.constant 0 : i32
    %dma_start3A_255 = arith.constant 0 : i32
    %dma_start3A_256 = tpu.memref_slice %arg4[%dma_start3A_247, %dma_start3A_254, %dma_start3A_255] : memref<40x2x128xi32, #tpu.memory_space<vmem>> -> memref<1x2x128xi32, #tpu.memory_space<vmem>>
    %dma_start3A_257 = tpu.memref_squeeze %dma_start3A_256 : memref<1x2x128xi32, #tpu.memory_space<vmem>> -> memref<2x128xi32, #tpu.memory_space<vmem>>
    %dma_start3A_258 = arith.constant 0 : i32
    %dma_start3A_259 = tpu.memref_slice %arg2[%dma_start3A_258, %mul3A_246] : memref<2x160000xi32, #tpu.memory_space<hbm>> -> memref<2x128xi32, #tpu.memory_space<hbm>>
    tpu.enqueue_dma source(%dma_start3A_259 : memref<2x128xi32, #tpu.memory_space<hbm>>) target(%dma_start3A_257 : memref<2x128xi32, #tpu.memory_space<vmem>>) target_semaphore(%arg8 : memref<!tpu.dma_semaphore, #tpu.memory_space<semaphore_mem>>)
    %add3A_260 = arith.constant 15 : i32
    %add3A_261 = arith.addi %mul3A_2, %add3A_260 : i32
    %mul3A_262 = arith.constant 128 : i32
    %mul3A_263 = arith.muli %add3A_261, %mul3A_262 : i32
    %dma_start3A_264 = arith.constant 15 : i32
    %dma_start3A_265 = arith.constant 0 : i32
    %dma_start3A_266 = arith.constant 0 : i32
    %dma_start3A_267 = tpu.memref_slice %arg4[%dma_start3A_264, %dma_start3A_265, %dma_start3A_266] : memref<40x2x128xi32, #tpu.memory_space<vmem>> -> memref<1x2x128xi32, #tpu.memory_space<vmem>>
    %dma_start3A_268 = tpu.memref_squeeze %dma_start3A_267 : memref<1x2x128xi32, #tpu.memory_space<vmem>> -> memref<2x128xi32, #tpu.memory_space<vmem>>
    %dma_start3A_269 = arith.constant 0 : i32
    %dma_start3A_270 = tpu.memref_slice %arg2[%dma_start3A_269, %mul3A_263] : memref<2x160000xi32, #tpu.memory_space<hbm>> -> memref<2x128xi32, #tpu.memory_space<hbm>>
    %dma_start3A_271 = arith.constant 0 : i32
    %dma_start3A_272 = arith.constant 0 : i32
    %dma_start3A_273 = tpu.memref_slice %arg4[%dma_start3A_264, %dma_start3A_271, %dma_start3A_272] : memref<40x2x128xi32, #tpu.memory_space<vmem>> -> memref<1x2x128xi32, #tpu.memory_space<vmem>>
    %dma_start3A_274 = tpu.memref_squeeze %dma_start3A_273 : memref<1x2x128xi32, #tpu.memory_space<vmem>> -> memref<2x128xi32, #tpu.memory_space<vmem>>
    %dma_start3A_275 = arith.constant 0 : i32
    %dma_start3A_276 = tpu.memref_slice %arg2[%dma_start3A_275, %mul3A_263] : memref<2x160000xi32, #tpu.memory_space<hbm>> -> memref<2x128xi32, #tpu.memory_space<hbm>>
    tpu.enqueue_dma source(%dma_start3A_276 : memref<2x128xi32, #tpu.memory_space<hbm>>) target(%dma_start3A_274 : memref<2x128xi32, #tpu.memory_space<vmem>>) target_semaphore(%arg8 : memref<!tpu.dma_semaphore, #tpu.memory_space<semaphore_mem>>)
    %add3A_277 = arith.constant 16 : i32
    %add3A_278 = arith.addi %mul3A_2, %add3A_277 : i32
    %mul3A_279 = arith.constant 128 : i32
    %mul3A_280 = arith.muli %add3A_278, %mul3A_279 : i32
    %dma_start3A_281 = arith.constant 16 : i32
    %dma_start3A_282 = arith.constant 0 : i32
    %dma_start3A_283 = arith.constant 0 : i32
    %dma_start3A_284 = tpu.memref_slice %arg4[%dma_start3A_281, %dma_start3A_282, %dma_start3A_283] : memref<40x2x128xi32, #tpu.memory_space<vmem>> -> memref<1x2x128xi32, #tpu.memory_space<vmem>>
    %dma_start3A_285 = tpu.memref_squeeze %dma_start3A_284 : memref<1x2x128xi32, #tpu.memory_space<vmem>> -> memref<2x128xi32, #tpu.memory_space<vmem>>
    %dma_start3A_286 = arith.constant 0 : i32
    %dma_start3A_287 = tpu.memref_slice %arg2[%dma_start3A_286, %mul3A_280] : memref<2x160000xi32, #tpu.memory_space<hbm>> -> memref<2x128xi32, #tpu.memory_space<hbm>>
    %dma_start3A_288 = arith.constant 0 : i32
    %dma_start3A_289 = arith.constant 0 : i32
    %dma_start3A_290 = tpu.memref_slice %arg4[%dma_start3A_281, %dma_start3A_288, %dma_start3A_289] : memref<40x2x128xi32, #tpu.memory_space<vmem>> -> memref<1x2x128xi32, #tpu.memory_space<vmem>>
    %dma_start3A_291 = tpu.memref_squeeze %dma_start3A_290 : memref<1x2x128xi32, #tpu.memory_space<vmem>> -> memref<2x128xi32, #tpu.memory_space<vmem>>
    %dma_start3A_292 = arith.constant 0 : i32
    %dma_start3A_293 = tpu.memref_slice %arg2[%dma_start3A_292, %mul3A_280] : memref<2x160000xi32, #tpu.memory_space<hbm>> -> memref<2x128xi32, #tpu.memory_space<hbm>>
    tpu.enqueue_dma source(%dma_start3A_293 : memref<2x128xi32, #tpu.memory_space<hbm>>) target(%dma_start3A_291 : memref<2x128xi32, #tpu.memory_space<vmem>>) target_semaphore(%arg8 : memref<!tpu.dma_semaphore, #tpu.memory_space<semaphore_mem>>)
    %add3A_294 = arith.constant 17 : i32
    %add3A_295 = arith.addi %mul3A_2, %add3A_294 : i32
    %mul3A_296 = arith.constant 128 : i32
    %mul3A_297 = arith.muli %add3A_295, %mul3A_296 : i32
    %dma_start3A_298 = arith.constant 17 : i32
    %dma_start3A_299 = arith.constant 0 : i32
    %dma_start3A_300 = arith.constant 0 : i32
    %dma_start3A_301 = tpu.memref_slice %arg4[%dma_start3A_298, %dma_start3A_299, %dma_start3A_300] : memref<40x2x128xi32, #tpu.memory_space<vmem>> -> memref<1x2x128xi32, #tpu.memory_space<vmem>>
    %dma_start3A_302 = tpu.memref_squeeze %dma_start3A_301 : memref<1x2x128xi32, #tpu.memory_space<vmem>> -> memref<2x128xi32, #tpu.memory_space<vmem>>
    %dma_start3A_303 = arith.constant 0 : i32
    %dma_start3A_304 = tpu.memref_slice %arg2[%dma_start3A_303, %mul3A_297] : memref<2x160000xi32, #tpu.memory_space<hbm>> -> memref<2x128xi32, #tpu.memory_space<hbm>>
    %dma_start3A_305 = arith.constant 0 : i32
    %dma_start3A_306 = arith.constant 0 : i32
    %dma_start3A_307 = tpu.memref_slice %arg4[%dma_start3A_298, %dma_start3A_305, %dma_start3A_306] : memref<40x2x128xi32, #tpu.memory_space<vmem>> -> memref<1x2x128xi32, #tpu.memory_space<vmem>>
    %dma_start3A_308 = tpu.memref_squeeze %dma_start3A_307 : memref<1x2x128xi32, #tpu.memory_space<vmem>> -> memref<2x128xi32, #tpu.memory_space<vmem>>
    %dma_start3A_309 = arith.constant 0 : i32
    %dma_start3A_310 = tpu.memref_slice %arg2[%dma_start3A_309, %mul3A_297] : memref<2x160000xi32, #tpu.memory_space<hbm>> -> memref<2x128xi32, #tpu.memory_space<hbm>>
    tpu.enqueue_dma source(%dma_start3A_310 : memref<2x128xi32, #tpu.memory_space<hbm>>) target(%dma_start3A_308 : memref<2x128xi32, #tpu.memory_space<vmem>>) target_semaphore(%arg8 : memref<!tpu.dma_semaphore, #tpu.memory_space<semaphore_mem>>)
    %add3A_311 = arith.constant 18 : i32
    %add3A_312 = arith.addi %mul3A_2, %add3A_311 : i32
    %mul3A_313 = arith.constant 128 : i32
    %mul3A_314 = arith.muli %add3A_312, %mul3A_313 : i32
    %dma_start3A_315 = arith.constant 18 : i32
    %dma_start3A_316 = arith.constant 0 : i32
    %dma_start3A_317 = arith.constant 0 : i32
    %dma_start3A_318 = tpu.memref_slice %arg4[%dma_start3A_315, %dma_start3A_316, %dma_start3A_317] : memref<40x2x128xi32, #tpu.memory_space<vmem>> -> memref<1x2x128xi32, #tpu.memory_space<vmem>>
    %dma_start3A_319 = tpu.memref_squeeze %dma_start3A_318 : memref<1x2x128xi32, #tpu.memory_space<vmem>> -> memref<2x128xi32, #tpu.memory_space<vmem>>
    %dma_start3A_320 = arith.constant 0 : i32
    %dma_start3A_321 = tpu.memref_slice %arg2[%dma_start3A_320, %mul3A_314] : memref<2x160000xi32, #tpu.memory_space<hbm>> -> memref<2x128xi32, #tpu.memory_space<hbm>>
    %dma_start3A_322 = arith.constant 0 : i32
    %dma_start3A_323 = arith.constant 0 : i32
    %dma_start3A_324 = tpu.memref_slice %arg4[%dma_start3A_315, %dma_start3A_322, %dma_start3A_323] : memref<40x2x128xi32, #tpu.memory_space<vmem>> -> memref<1x2x128xi32, #tpu.memory_space<vmem>>
    %dma_start3A_325 = tpu.memref_squeeze %dma_start3A_324 : memref<1x2x128xi32, #tpu.memory_space<vmem>> -> memref<2x128xi32, #tpu.memory_space<vmem>>
    %dma_start3A_326 = arith.constant 0 : i32
    %dma_start3A_327 = tpu.memref_slice %arg2[%dma_start3A_326, %mul3A_314] : memref<2x160000xi32, #tpu.memory_space<hbm>> -> memref<2x128xi32, #tpu.memory_space<hbm>>
    tpu.enqueue_dma source(%dma_start3A_327 : memref<2x128xi32, #tpu.memory_space<hbm>>) target(%dma_start3A_325 : memref<2x128xi32, #tpu.memory_space<vmem>>) target_semaphore(%arg8 : memref<!tpu.dma_semaphore, #tpu.memory_space<semaphore_mem>>)
    %add3A_328 = arith.constant 19 : i32
    %add3A_329 = arith.addi %mul3A_2, %add3A_328 : i32
    %mul3A_330 = arith.constant 128 : i32
    %mul3A_331 = arith.muli %add3A_329, %mul3A_330 : i32
    %dma_start3A_332 = arith.constant 19 : i32
    %dma_start3A_333 = arith.constant 0 : i32
    %dma_start3A_334 = arith.constant 0 : i32
    %dma_start3A_335 = tpu.memref_slice %arg4[%dma_start3A_332, %dma_start3A_333, %dma_start3A_334] : memref<40x2x128xi32, #tpu.memory_space<vmem>> -> memref<1x2x128xi32, #tpu.memory_space<vmem>>
    %dma_start3A_336 = tpu.memref_squeeze %dma_start3A_335 : memref<1x2x128xi32, #tpu.memory_space<vmem>> -> memref<2x128xi32, #tpu.memory_space<vmem>>
    %dma_start3A_337 = arith.constant 0 : i32
    %dma_start3A_338 = tpu.memref_slice %arg2[%dma_start3A_337, %mul3A_331] : memref<2x160000xi32, #tpu.memory_space<hbm>> -> memref<2x128xi32, #tpu.memory_space<hbm>>
    %dma_start3A_339 = arith.constant 0 : i32
    %dma_start3A_340 = arith.constant 0 : i32
    %dma_start3A_341 = tpu.memref_slice %arg4[%dma_start3A_332, %dma_start3A_339, %dma_start3A_340] : memref<40x2x128xi32, #tpu.memory_space<vmem>> -> memref<1x2x128xi32, #tpu.memory_space<vmem>>
    %dma_start3A_342 = tpu.memref_squeeze %dma_start3A_341 : memref<1x2x128xi32, #tpu.memory_space<vmem>> -> memref<2x128xi32, #tpu.memory_space<vmem>>
    %dma_start3A_343 = arith.constant 0 : i32
    %dma_start3A_344 = tpu.memref_slice %arg2[%dma_start3A_343, %mul3A_331] : memref<2x160000xi32, #tpu.memory_space<hbm>> -> memref<2x128xi32, #tpu.memory_space<hbm>>
    tpu.enqueue_dma source(%dma_start3A_344 : memref<2x128xi32, #tpu.memory_space<hbm>>) target(%dma_start3A_342 : memref<2x128xi32, #tpu.memory_space<vmem>>) target_semaphore(%arg8 : memref<!tpu.dma_semaphore, #tpu.memory_space<semaphore_mem>>)
    %add3A_345 = arith.constant 20 : i32
    %add3A_346 = arith.addi %mul3A_2, %add3A_345 : i32
    %mul3A_347 = arith.constant 128 : i32
    %mul3A_348 = arith.muli %add3A_346, %mul3A_347 : i32
    %dma_start3A_349 = arith.constant 20 : i32
    %dma_start3A_350 = arith.constant 0 : i32
    %dma_start3A_351 = arith.constant 0 : i32
    %dma_start3A_352 = tpu.memref_slice %arg4[%dma_start3A_349, %dma_start3A_350, %dma_start3A_351] : memref<40x2x128xi32, #tpu.memory_space<vmem>> -> memref<1x2x128xi32, #tpu.memory_space<vmem>>
    %dma_start3A_353 = tpu.memref_squeeze %dma_start3A_352 : memref<1x2x128xi32, #tpu.memory_space<vmem>> -> memref<2x128xi32, #tpu.memory_space<vmem>>
    %dma_start3A_354 = arith.constant 0 : i32
    %dma_start3A_355 = tpu.memref_slice %arg2[%dma_start3A_354, %mul3A_348] : memref<2x160000xi32, #tpu.memory_space<hbm>> -> memref<2x128xi32, #tpu.memory_space<hbm>>
    %dma_start3A_356 = arith.constant 0 : i32
    %dma_start3A_357 = arith.constant 0 : i32
    %dma_start3A_358 = tpu.memref_slice %arg4[%dma_start3A_349, %dma_start3A_356, %dma_start3A_357] : memref<40x2x128xi32, #tpu.memory_space<vmem>> -> memref<1x2x128xi32, #tpu.memory_space<vmem>>
    %dma_start3A_359 = tpu.memref_squeeze %dma_start3A_358 : memref<1x2x128xi32, #tpu.memory_space<vmem>> -> memref<2x128xi32, #tpu.memory_space<vmem>>
    %dma_start3A_360 = arith.constant 0 : i32
    %dma_start3A_361 = tpu.memref_slice %arg2[%dma_start3A_360, %mul3A_348] : memref<2x160000xi32, #tpu.memory_space<hbm>> -> memref<2x128xi32, #tpu.memory_space<hbm>>
    tpu.enqueue_dma source(%dma_start3A_361 : memref<2x128xi32, #tpu.memory_space<hbm>>) target(%dma_start3A_359 : memref<2x128xi32, #tpu.memory_space<vmem>>) target_semaphore(%arg8 : memref<!tpu.dma_semaphore, #tpu.memory_space<semaphore_mem>>)
    %add3A_362 = arith.constant 21 : i32
    %add3A_363 = arith.addi %mul3A_2, %add3A_362 : i32
    %mul3A_364 = arith.constant 128 : i32
    %mul3A_365 = arith.muli %add3A_363, %mul3A_364 : i32
    %dma_start3A_366 = arith.constant 21 : i32
    %dma_start3A_367 = arith.constant 0 : i32
    %dma_start3A_368 = arith.constant 0 : i32
    %dma_start3A_369 = tpu.memref_slice %arg4[%dma_start3A_366, %dma_start3A_367, %dma_start3A_368] : memref<40x2x128xi32, #tpu.memory_space<vmem>> -> memref<1x2x128xi32, #tpu.memory_space<vmem>>
    %dma_start3A_370 = tpu.memref_squeeze %dma_start3A_369 : memref<1x2x128xi32, #tpu.memory_space<vmem>> -> memref<2x128xi32, #tpu.memory_space<vmem>>
    %dma_start3A_371 = arith.constant 0 : i32
    %dma_start3A_372 = tpu.memref_slice %arg2[%dma_start3A_371, %mul3A_365] : memref<2x160000xi32, #tpu.memory_space<hbm>> -> memref<2x128xi32, #tpu.memory_space<hbm>>
    %dma_start3A_373 = arith.constant 0 : i32
    %dma_start3A_374 = arith.constant 0 : i32
    %dma_start3A_375 = tpu.memref_slice %arg4[%dma_start3A_366, %dma_start3A_373, %dma_start3A_374] : memref<40x2x128xi32, #tpu.memory_space<vmem>> -> memref<1x2x128xi32, #tpu.memory_space<vmem>>
    %dma_start3A_376 = tpu.memref_squeeze %dma_start3A_375 : memref<1x2x128xi32, #tpu.memory_space<vmem>> -> memref<2x128xi32, #tpu.memory_space<vmem>>
    %dma_start3A_377 = arith.constant 0 : i32
    %dma_start3A_378 = tpu.memref_slice %arg2[%dma_start3A_377, %mul3A_365] : memref<2x160000xi32, #tpu.memory_space<hbm>> -> memref<2x128xi32, #tpu.memory_space<hbm>>
    tpu.enqueue_dma source(%dma_start3A_378 : memref<2x128xi32, #tpu.memory_space<hbm>>) target(%dma_start3A_376 : memref<2x128xi32, #tpu.memory_space<vmem>>) target_semaphore(%arg8 : memref<!tpu.dma_semaphore, #tpu.memory_space<semaphore_mem>>)
    %add3A_379 = arith.constant 22 : i32
    %add3A_380 = arith.addi %mul3A_2, %add3A_379 : i32
    %mul3A_381 = arith.constant 128 : i32
    %mul3A_382 = arith.muli %add3A_380, %mul3A_381 : i32
    %dma_start3A_383 = arith.constant 22 : i32
    %dma_start3A_384 = arith.constant 0 : i32
    %dma_start3A_385 = arith.constant 0 : i32
    %dma_start3A_386 = tpu.memref_slice %arg4[%dma_start3A_383, %dma_start3A_384, %dma_start3A_385] : memref<40x2x128xi32, #tpu.memory_space<vmem>> -> memref<1x2x128xi32, #tpu.memory_space<vmem>>
    %dma_start3A_387 = tpu.memref_squeeze %dma_start3A_386 : memref<1x2x128xi32, #tpu.memory_space<vmem>> -> memref<2x128xi32, #tpu.memory_space<vmem>>
    %dma_start3A_388 = arith.constant 0 : i32
    %dma_start3A_389 = tpu.memref_slice %arg2[%dma_start3A_388, %mul3A_382] : memref<2x160000xi32, #tpu.memory_space<hbm>> -> memref<2x128xi32, #tpu.memory_space<hbm>>
    %dma_start3A_390 = arith.constant 0 : i32
    %dma_start3A_391 = arith.constant 0 : i32
    %dma_start3A_392 = tpu.memref_slice %arg4[%dma_start3A_383, %dma_start3A_390, %dma_start3A_391] : memref<40x2x128xi32, #tpu.memory_space<vmem>> -> memref<1x2x128xi32, #tpu.memory_space<vmem>>
    %dma_start3A_393 = tpu.memref_squeeze %dma_start3A_392 : memref<1x2x128xi32, #tpu.memory_space<vmem>> -> memref<2x128xi32, #tpu.memory_space<vmem>>
    %dma_start3A_394 = arith.constant 0 : i32
    %dma_start3A_395 = tpu.memref_slice %arg2[%dma_start3A_394, %mul3A_382] : memref<2x160000xi32, #tpu.memory_space<hbm>> -> memref<2x128xi32, #tpu.memory_space<hbm>>
    tpu.enqueue_dma source(%dma_start3A_395 : memref<2x128xi32, #tpu.memory_space<hbm>>) target(%dma_start3A_393 : memref<2x128xi32, #tpu.memory_space<vmem>>) target_semaphore(%arg8 : memref<!tpu.dma_semaphore, #tpu.memory_space<semaphore_mem>>)
    %add3A_396 = arith.constant 23 : i32
    %add3A_397 = arith.addi %mul3A_2, %add3A_396 : i32
    %mul3A_398 = arith.constant 128 : i32
    %mul3A_399 = arith.muli %add3A_397, %mul3A_398 : i32
    %dma_start3A_400 = arith.constant 23 : i32
    %dma_start3A_401 = arith.constant 0 : i32
    %dma_start3A_402 = arith.constant 0 : i32
    %dma_start3A_403 = tpu.memref_slice %arg4[%dma_start3A_400, %dma_start3A_401, %dma_start3A_402] : memref<40x2x128xi32, #tpu.memory_space<vmem>> -> memref<1x2x128xi32, #tpu.memory_space<vmem>>
    %dma_start3A_404 = tpu.memref_squeeze %dma_start3A_403 : memref<1x2x128xi32, #tpu.memory_space<vmem>> -> memref<2x128xi32, #tpu.memory_space<vmem>>
    %dma_start3A_405 = arith.constant 0 : i32
    %dma_start3A_406 = tpu.memref_slice %arg2[%dma_start3A_405, %mul3A_399] : memref<2x160000xi32, #tpu.memory_space<hbm>> -> memref<2x128xi32, #tpu.memory_space<hbm>>
    %dma_start3A_407 = arith.constant 0 : i32
    %dma_start3A_408 = arith.constant 0 : i32
    %dma_start3A_409 = tpu.memref_slice %arg4[%dma_start3A_400, %dma_start3A_407, %dma_start3A_408] : memref<40x2x128xi32, #tpu.memory_space<vmem>> -> memref<1x2x128xi32, #tpu.memory_space<vmem>>
    %dma_start3A_410 = tpu.memref_squeeze %dma_start3A_409 : memref<1x2x128xi32, #tpu.memory_space<vmem>> -> memref<2x128xi32, #tpu.memory_space<vmem>>
    %dma_start3A_411 = arith.constant 0 : i32
    %dma_start3A_412 = tpu.memref_slice %arg2[%dma_start3A_411, %mul3A_399] : memref<2x160000xi32, #tpu.memory_space<hbm>> -> memref<2x128xi32, #tpu.memory_space<hbm>>
    tpu.enqueue_dma source(%dma_start3A_412 : memref<2x128xi32, #tpu.memory_space<hbm>>) target(%dma_start3A_410 : memref<2x128xi32, #tpu.memory_space<vmem>>) target_semaphore(%arg8 : memref<!tpu.dma_semaphore, #tpu.memory_space<semaphore_mem>>)
    %add3A_413 = arith.constant 24 : i32
    %add3A_414 = arith.addi %mul3A_2, %add3A_413 : i32
    %mul3A_415 = arith.constant 128 : i32
    %mul3A_416 = arith.muli %add3A_414, %mul3A_415 : i32
    %dma_start3A_417 = arith.constant 24 : i32
    %dma_start3A_418 = arith.constant 0 : i32
    %dma_start3A_419 = arith.constant 0 : i32
    %dma_start3A_420 = tpu.memref_slice %arg4[%dma_start3A_417, %dma_start3A_418, %dma_start3A_419] : memref<40x2x128xi32, #tpu.memory_space<vmem>> -> memref<1x2x128xi32, #tpu.memory_space<vmem>>
    %dma_start3A_421 = tpu.memref_squeeze %dma_start3A_420 : memref<1x2x128xi32, #tpu.memory_space<vmem>> -> memref<2x128xi32, #tpu.memory_space<vmem>>
    %dma_start3A_422 = arith.constant 0 : i32
    %dma_start3A_423 = tpu.memref_slice %arg2[%dma_start3A_422, %mul3A_416] : memref<2x160000xi32, #tpu.memory_space<hbm>> -> memref<2x128xi32, #tpu.memory_space<hbm>>
    %dma_start3A_424 = arith.constant 0 : i32
    %dma_start3A_425 = arith.constant 0 : i32
    %dma_start3A_426 = tpu.memref_slice %arg4[%dma_start3A_417, %dma_start3A_424, %dma_start3A_425] : memref<40x2x128xi32, #tpu.memory_space<vmem>> -> memref<1x2x128xi32, #tpu.memory_space<vmem>>
    %dma_start3A_427 = tpu.memref_squeeze %dma_start3A_426 : memref<1x2x128xi32, #tpu.memory_space<vmem>> -> memref<2x128xi32, #tpu.memory_space<vmem>>
    %dma_start3A_428 = arith.constant 0 : i32
    %dma_start3A_429 = tpu.memref_slice %arg2[%dma_start3A_428, %mul3A_416] : memref<2x160000xi32, #tpu.memory_space<hbm>> -> memref<2x128xi32, #tpu.memory_space<hbm>>
    tpu.enqueue_dma source(%dma_start3A_429 : memref<2x128xi32, #tpu.memory_space<hbm>>) target(%dma_start3A_427 : memref<2x128xi32, #tpu.memory_space<vmem>>) target_semaphore(%arg8 : memref<!tpu.dma_semaphore, #tpu.memory_space<semaphore_mem>>)
    %add3A_430 = arith.constant 25 : i32
    %add3A_431 = arith.addi %mul3A_2, %add3A_430 : i32
    %mul3A_432 = arith.constant 128 : i32
    %mul3A_433 = arith.muli %add3A_431, %mul3A_432 : i32
    %dma_start3A_434 = arith.constant 25 : i32
    %dma_start3A_435 = arith.constant 0 : i32
    %dma_start3A_436 = arith.constant 0 : i32
    %dma_start3A_437 = tpu.memref_slice %arg4[%dma_start3A_434, %dma_start3A_435, %dma_start3A_436] : memref<40x2x128xi32, #tpu.memory_space<vmem>> -> memref<1x2x128xi32, #tpu.memory_space<vmem>>
    %dma_start3A_438 = tpu.memref_squeeze %dma_start3A_437 : memref<1x2x128xi32, #tpu.memory_space<vmem>> -> memref<2x128xi32, #tpu.memory_space<vmem>>
    %dma_start3A_439 = arith.constant 0 : i32
    %dma_start3A_440 = tpu.memref_slice %arg2[%dma_start3A_439, %mul3A_433] : memref<2x160000xi32, #tpu.memory_space<hbm>> -> memref<2x128xi32, #tpu.memory_space<hbm>>
    %dma_start3A_441 = arith.constant 0 : i32
    %dma_start3A_442 = arith.constant 0 : i32
    %dma_start3A_443 = tpu.memref_slice %arg4[%dma_start3A_434, %dma_start3A_441, %dma_start3A_442] : memref<40x2x128xi32, #tpu.memory_space<vmem>> -> memref<1x2x128xi32, #tpu.memory_space<vmem>>
    %dma_start3A_444 = tpu.memref_squeeze %dma_start3A_443 : memref<1x2x128xi32, #tpu.memory_space<vmem>> -> memref<2x128xi32, #tpu.memory_space<vmem>>
    %dma_start3A_445 = arith.constant 0 : i32
    %dma_start3A_446 = tpu.memref_slice %arg2[%dma_start3A_445, %mul3A_433] : memref<2x160000xi32, #tpu.memory_space<hbm>> -> memref<2x128xi32, #tpu.memory_space<hbm>>
    tpu.enqueue_dma source(%dma_start3A_446 : memref<2x128xi32, #tpu.memory_space<hbm>>) target(%dma_start3A_444 : memref<2x128xi32, #tpu.memory_space<vmem>>) target_semaphore(%arg8 : memref<!tpu.dma_semaphore, #tpu.memory_space<semaphore_mem>>)
    %add3A_447 = arith.constant 26 : i32
    %add3A_448 = arith.addi %mul3A_2, %add3A_447 : i32
    %mul3A_449 = arith.constant 128 : i32
    %mul3A_450 = arith.muli %add3A_448, %mul3A_449 : i32
    %dma_start3A_451 = arith.constant 26 : i32
    %dma_start3A_452 = arith.constant 0 : i32
    %dma_start3A_453 = arith.constant 0 : i32
    %dma_start3A_454 = tpu.memref_slice %arg4[%dma_start3A_451, %dma_start3A_452, %dma_start3A_453] : memref<40x2x128xi32, #tpu.memory_space<vmem>> -> memref<1x2x128xi32, #tpu.memory_space<vmem>>
    %dma_start3A_455 = tpu.memref_squeeze %dma_start3A_454 : memref<1x2x128xi32, #tpu.memory_space<vmem>> -> memref<2x128xi32, #tpu.memory_space<vmem>>
    %dma_start3A_456 = arith.constant 0 : i32
    %dma_start3A_457 = tpu.memref_slice %arg2[%dma_start3A_456, %mul3A_450] : memref<2x160000xi32, #tpu.memory_space<hbm>> -> memref<2x128xi32, #tpu.memory_space<hbm>>
    %dma_start3A_458 = arith.constant 0 : i32
    %dma_start3A_459 = arith.constant 0 : i32
    %dma_start3A_460 = tpu.memref_slice %arg4[%dma_start3A_451, %dma_start3A_458, %dma_start3A_459] : memref<40x2x128xi32, #tpu.memory_space<vmem>> -> memref<1x2x128xi32, #tpu.memory_space<vmem>>
    %dma_start3A_461 = tpu.memref_squeeze %dma_start3A_460 : memref<1x2x128xi32, #tpu.memory_space<vmem>> -> memref<2x128xi32, #tpu.memory_space<vmem>>
    %dma_start3A_462 = arith.constant 0 : i32
    %dma_start3A_463 = tpu.memref_slice %arg2[%dma_start3A_462, %mul3A_450] : memref<2x160000xi32, #tpu.memory_space<hbm>> -> memref<2x128xi32, #tpu.memory_space<hbm>>
    tpu.enqueue_dma source(%dma_start3A_463 : memref<2x128xi32, #tpu.memory_space<hbm>>) target(%dma_start3A_461 : memref<2x128xi32, #tpu.memory_space<vmem>>) target_semaphore(%arg8 : memref<!tpu.dma_semaphore, #tpu.memory_space<semaphore_mem>>)
    %add3A_464 = arith.constant 27 : i32
    %add3A_465 = arith.addi %mul3A_2, %add3A_464 : i32
    %mul3A_466 = arith.constant 128 : i32
    %mul3A_467 = arith.muli %add3A_465, %mul3A_466 : i32
    %dma_start3A_468 = arith.constant 27 : i32
    %dma_start3A_469 = arith.constant 0 : i32
    %dma_start3A_470 = arith.constant 0 : i32
    %dma_start3A_471 = tpu.memref_slice %arg4[%dma_start3A_468, %dma_start3A_469, %dma_start3A_470] : memref<40x2x128xi32, #tpu.memory_space<vmem>> -> memref<1x2x128xi32, #tpu.memory_space<vmem>>
    %dma_start3A_472 = tpu.memref_squeeze %dma_start3A_471 : memref<1x2x128xi32, #tpu.memory_space<vmem>> -> memref<2x128xi32, #tpu.memory_space<vmem>>
    %dma_start3A_473 = arith.constant 0 : i32
    %dma_start3A_474 = tpu.memref_slice %arg2[%dma_start3A_473, %mul3A_467] : memref<2x160000xi32, #tpu.memory_space<hbm>> -> memref<2x128xi32, #tpu.memory_space<hbm>>
    %dma_start3A_475 = arith.constant 0 : i32
    %dma_start3A_476 = arith.constant 0 : i32
    %dma_start3A_477 = tpu.memref_slice %arg4[%dma_start3A_468, %dma_start3A_475, %dma_start3A_476] : memref<40x2x128xi32, #tpu.memory_space<vmem>> -> memref<1x2x128xi32, #tpu.memory_space<vmem>>
    %dma_start3A_478 = tpu.memref_squeeze %dma_start3A_477 : memref<1x2x128xi32, #tpu.memory_space<vmem>> -> memref<2x128xi32, #tpu.memory_space<vmem>>
    %dma_start3A_479 = arith.constant 0 : i32
    %dma_start3A_480 = tpu.memref_slice %arg2[%dma_start3A_479, %mul3A_467] : memref<2x160000xi32, #tpu.memory_space<hbm>> -> memref<2x128xi32, #tpu.memory_space<hbm>>
    tpu.enqueue_dma source(%dma_start3A_480 : memref<2x128xi32, #tpu.memory_space<hbm>>) target(%dma_start3A_478 : memref<2x128xi32, #tpu.memory_space<vmem>>) target_semaphore(%arg8 : memref<!tpu.dma_semaphore, #tpu.memory_space<semaphore_mem>>)
    %add3A_481 = arith.constant 28 : i32
    %add3A_482 = arith.addi %mul3A_2, %add3A_481 : i32
    %mul3A_483 = arith.constant 128 : i32
    %mul3A_484 = arith.muli %add3A_482, %mul3A_483 : i32
    %dma_start3A_485 = arith.constant 28 : i32
    %dma_start3A_486 = arith.constant 0 : i32
    %dma_start3A_487 = arith.constant 0 : i32
    %dma_start3A_488 = tpu.memref_slice %arg4[%dma_start3A_485, %dma_start3A_486, %dma_start3A_487] : memref<40x2x128xi32, #tpu.memory_space<vmem>> -> memref<1x2x128xi32, #tpu.memory_space<vmem>>
    %dma_start3A_489 = tpu.memref_squeeze %dma_start3A_488 : memref<1x2x128xi32, #tpu.memory_space<vmem>> -> memref<2x128xi32, #tpu.memory_space<vmem>>
    %dma_start3A_490 = arith.constant 0 : i32
    %dma_start3A_491 = tpu.memref_slice %arg2[%dma_start3A_490, %mul3A_484] : memref<2x160000xi32, #tpu.memory_space<hbm>> -> memref<2x128xi32, #tpu.memory_space<hbm>>
    %dma_start3A_492 = arith.constant 0 : i32
    %dma_start3A_493 = arith.constant 0 : i32
    %dma_start3A_494 = tpu.memref_slice %arg4[%dma_start3A_485, %dma_start3A_492, %dma_start3A_493] : memref<40x2x128xi32, #tpu.memory_space<vmem>> -> memref<1x2x128xi32, #tpu.memory_space<vmem>>
    %dma_start3A_495 = tpu.memref_squeeze %dma_start3A_494 : memref<1x2x128xi32, #tpu.memory_space<vmem>> -> memref<2x128xi32, #tpu.memory_space<vmem>>
    %dma_start3A_496 = arith.constant 0 : i32
    %dma_start3A_497 = tpu.memref_slice %arg2[%dma_start3A_496, %mul3A_484] : memref<2x160000xi32, #tpu.memory_space<hbm>> -> memref<2x128xi32, #tpu.memory_space<hbm>>
    tpu.enqueue_dma source(%dma_start3A_497 : memref<2x128xi32, #tpu.memory_space<hbm>>) target(%dma_start3A_495 : memref<2x128xi32, #tpu.memory_space<vmem>>) target_semaphore(%arg8 : memref<!tpu.dma_semaphore, #tpu.memory_space<semaphore_mem>>)
    %add3A_498 = arith.constant 29 : i32
    %add3A_499 = arith.addi %mul3A_2, %add3A_498 : i32
    %mul3A_500 = arith.constant 128 : i32
    %mul3A_501 = arith.muli %add3A_499, %mul3A_500 : i32
    %dma_start3A_502 = arith.constant 29 : i32
    %dma_start3A_503 = arith.constant 0 : i32
    %dma_start3A_504 = arith.constant 0 : i32
    %dma_start3A_505 = tpu.memref_slice %arg4[%dma_start3A_502, %dma_start3A_503, %dma_start3A_504] : memref<40x2x128xi32, #tpu.memory_space<vmem>> -> memref<1x2x128xi32, #tpu.memory_space<vmem>>
    %dma_start3A_506 = tpu.memref_squeeze %dma_start3A_505 : memref<1x2x128xi32, #tpu.memory_space<vmem>> -> memref<2x128xi32, #tpu.memory_space<vmem>>
    %dma_start3A_507 = arith.constant 0 : i32
    %dma_start3A_508 = tpu.memref_slice %arg2[%dma_start3A_507, %mul3A_501] : memref<2x160000xi32, #tpu.memory_space<hbm>> -> memref<2x128xi32, #tpu.memory_space<hbm>>
    %dma_start3A_509 = arith.constant 0 : i32
    %dma_start3A_510 = arith.constant 0 : i32
    %dma_start3A_511 = tpu.memref_slice %arg4[%dma_start3A_502, %dma_start3A_509, %dma_start3A_510] : memref<40x2x128xi32, #tpu.memory_space<vmem>> -> memref<1x2x128xi32, #tpu.memory_space<vmem>>
    %dma_start3A_512 = tpu.memref_squeeze %dma_start3A_511 : memref<1x2x128xi32, #tpu.memory_space<vmem>> -> memref<2x128xi32, #tpu.memory_space<vmem>>
    %dma_start3A_513 = arith.constant 0 : i32
    %dma_start3A_514 = tpu.memref_slice %arg2[%dma_start3A_513, %mul3A_501] : memref<2x160000xi32, #tpu.memory_space<hbm>> -> memref<2x128xi32, #tpu.memory_space<hbm>>
    tpu.enqueue_dma source(%dma_start3A_514 : memref<2x128xi32, #tpu.memory_space<hbm>>) target(%dma_start3A_512 : memref<2x128xi32, #tpu.memory_space<vmem>>) target_semaphore(%arg8 : memref<!tpu.dma_semaphore, #tpu.memory_space<semaphore_mem>>)
    %add3A_515 = arith.constant 30 : i32
    %add3A_516 = arith.addi %mul3A_2, %add3A_515 : i32
    %mul3A_517 = arith.constant 128 : i32
    %mul3A_518 = arith.muli %add3A_516, %mul3A_517 : i32
    %dma_start3A_519 = arith.constant 30 : i32
    %dma_start3A_520 = arith.constant 0 : i32
    %dma_start3A_521 = arith.constant 0 : i32
    %dma_start3A_522 = tpu.memref_slice %arg4[%dma_start3A_519, %dma_start3A_520, %dma_start3A_521] : memref<40x2x128xi32, #tpu.memory_space<vmem>> -> memref<1x2x128xi32, #tpu.memory_space<vmem>>
    %dma_start3A_523 = tpu.memref_squeeze %dma_start3A_522 : memref<1x2x128xi32, #tpu.memory_space<vmem>> -> memref<2x128xi32, #tpu.memory_space<vmem>>
    %dma_start3A_524 = arith.constant 0 : i32
    %dma_start3A_525 = tpu.memref_slice %arg2[%dma_start3A_524, %mul3A_518] : memref<2x160000xi32, #tpu.memory_space<hbm>> -> memref<2x128xi32, #tpu.memory_space<hbm>>
    %dma_start3A_526 = arith.constant 0 : i32
    %dma_start3A_527 = arith.constant 0 : i32
    %dma_start3A_528 = tpu.memref_slice %arg4[%dma_start3A_519, %dma_start3A_526, %dma_start3A_527] : memref<40x2x128xi32, #tpu.memory_space<vmem>> -> memref<1x2x128xi32, #tpu.memory_space<vmem>>
    %dma_start3A_529 = tpu.memref_squeeze %dma_start3A_528 : memref<1x2x128xi32, #tpu.memory_space<vmem>> -> memref<2x128xi32, #tpu.memory_space<vmem>>
    %dma_start3A_530 = arith.constant 0 : i32
    %dma_start3A_531 = tpu.memref_slice %arg2[%dma_start3A_530, %mul3A_518] : memref<2x160000xi32, #tpu.memory_space<hbm>> -> memref<2x128xi32, #tpu.memory_space<hbm>>
    tpu.enqueue_dma source(%dma_start3A_531 : memref<2x128xi32, #tpu.memory_space<hbm>>) target(%dma_start3A_529 : memref<2x128xi32, #tpu.memory_space<vmem>>) target_semaphore(%arg8 : memref<!tpu.dma_semaphore, #tpu.memory_space<semaphore_mem>>)
    %add3A_532 = arith.constant 31 : i32
    %add3A_533 = arith.addi %mul3A_2, %add3A_532 : i32
    %mul3A_534 = arith.constant 128 : i32
    %mul3A_535 = arith.muli %add3A_533, %mul3A_534 : i32
    %dma_start3A_536 = arith.constant 31 : i32
    %dma_start3A_537 = arith.constant 0 : i32
    %dma_start3A_538 = arith.constant 0 : i32
    %dma_start3A_539 = tpu.memref_slice %arg4[%dma_start3A_536, %dma_start3A_537, %dma_start3A_538] : memref<40x2x128xi32, #tpu.memory_space<vmem>> -> memref<1x2x128xi32, #tpu.memory_space<vmem>>
    %dma_start3A_540 = tpu.memref_squeeze %dma_start3A_539 : memref<1x2x128xi32, #tpu.memory_space<vmem>> -> memref<2x128xi32, #tpu.memory_space<vmem>>
    %dma_start3A_541 = arith.constant 0 : i32
    %dma_start3A_542 = tpu.memref_slice %arg2[%dma_start3A_541, %mul3A_535] : memref<2x160000xi32, #tpu.memory_space<hbm>> -> memref<2x128xi32, #tpu.memory_space<hbm>>
    %dma_start3A_543 = arith.constant 0 : i32
    %dma_start3A_544 = arith.constant 0 : i32
    %dma_start3A_545 = tpu.memref_slice %arg4[%dma_start3A_536, %dma_start3A_543, %dma_start3A_544] : memref<40x2x128xi32, #tpu.memory_space<vmem>> -> memref<1x2x128xi32, #tpu.memory_space<vmem>>
    %dma_start3A_546 = tpu.memref_squeeze %dma_start3A_545 : memref<1x2x128xi32, #tpu.memory_space<vmem>> -> memref<2x128xi32, #tpu.memory_space<vmem>>
    %dma_start3A_547 = arith.constant 0 : i32
    %dma_start3A_548 = tpu.memref_slice %arg2[%dma_start3A_547, %mul3A_535] : memref<2x160000xi32, #tpu.memory_space<hbm>> -> memref<2x128xi32, #tpu.memory_space<hbm>>
    tpu.enqueue_dma source(%dma_start3A_548 : memref<2x128xi32, #tpu.memory_space<hbm>>) target(%dma_start3A_546 : memref<2x128xi32, #tpu.memory_space<vmem>>) target_semaphore(%arg8 : memref<!tpu.dma_semaphore, #tpu.memory_space<semaphore_mem>>)
    %add3A_549 = arith.constant 32 : i32
    %add3A_550 = arith.addi %mul3A_2, %add3A_549 : i32
    %mul3A_551 = arith.constant 128 : i32
    %mul3A_552 = arith.muli %add3A_550, %mul3A_551 : i32
    %dma_start3A_553 = arith.constant 32 : i32
    %dma_start3A_554 = arith.constant 0 : i32
    %dma_start3A_555 = arith.constant 0 : i32
    %dma_start3A_556 = tpu.memref_slice %arg4[%dma_start3A_553, %dma_start3A_554, %dma_start3A_555] : memref<40x2x128xi32, #tpu.memory_space<vmem>> -> memref<1x2x128xi32, #tpu.memory_space<vmem>>
    %dma_start3A_557 = tpu.memref_squeeze %dma_start3A_556 : memref<1x2x128xi32, #tpu.memory_space<vmem>> -> memref<2x128xi32, #tpu.memory_space<vmem>>
    %dma_start3A_558 = arith.constant 0 : i32
    %dma_start3A_559 = tpu.memref_slice %arg2[%dma_start3A_558, %mul3A_552] : memref<2x160000xi32, #tpu.memory_space<hbm>> -> memref<2x128xi32, #tpu.memory_space<hbm>>
    %dma_start3A_560 = arith.constant 0 : i32
    %dma_start3A_561 = arith.constant 0 : i32
    %dma_start3A_562 = tpu.memref_slice %arg4[%dma_start3A_553, %dma_start3A_560, %dma_start3A_561] : memref<40x2x128xi32, #tpu.memory_space<vmem>> -> memref<1x2x128xi32, #tpu.memory_space<vmem>>
    %dma_start3A_563 = tpu.memref_squeeze %dma_start3A_562 : memref<1x2x128xi32, #tpu.memory_space<vmem>> -> memref<2x128xi32, #tpu.memory_space<vmem>>
    %dma_start3A_564 = arith.constant 0 : i32
    %dma_start3A_565 = tpu.memref_slice %arg2[%dma_start3A_564, %mul3A_552] : memref<2x160000xi32, #tpu.memory_space<hbm>> -> memref<2x128xi32, #tpu.memory_space<hbm>>
    tpu.enqueue_dma source(%dma_start3A_565 : memref<2x128xi32, #tpu.memory_space<hbm>>) target(%dma_start3A_563 : memref<2x128xi32, #tpu.memory_space<vmem>>) target_semaphore(%arg8 : memref<!tpu.dma_semaphore, #tpu.memory_space<semaphore_mem>>)
    %add3A_566 = arith.constant 33 : i32
    %add3A_567 = arith.addi %mul3A_2, %add3A_566 : i32
    %mul3A_568 = arith.constant 128 : i32
    %mul3A_569 = arith.muli %add3A_567, %mul3A_568 : i32
    %dma_start3A_570 = arith.constant 33 : i32
    %dma_start3A_571 = arith.constant 0 : i32
    %dma_start3A_572 = arith.constant 0 : i32
    %dma_start3A_573 = tpu.memref_slice %arg4[%dma_start3A_570, %dma_start3A_571, %dma_start3A_572] : memref<40x2x128xi32, #tpu.memory_space<vmem>> -> memref<1x2x128xi32, #tpu.memory_space<vmem>>
    %dma_start3A_574 = tpu.memref_squeeze %dma_start3A_573 : memref<1x2x128xi32, #tpu.memory_space<vmem>> -> memref<2x128xi32, #tpu.memory_space<vmem>>
    %dma_start3A_575 = arith.constant 0 : i32
    %dma_start3A_576 = tpu.memref_slice %arg2[%dma_start3A_575, %mul3A_569] : memref<2x160000xi32, #tpu.memory_space<hbm>> -> memref<2x128xi32, #tpu.memory_space<hbm>>
    %dma_start3A_577 = arith.constant 0 : i32
    %dma_start3A_578 = arith.constant 0 : i32
    %dma_start3A_579 = tpu.memref_slice %arg4[%dma_start3A_570, %dma_start3A_577, %dma_start3A_578] : memref<40x2x128xi32, #tpu.memory_space<vmem>> -> memref<1x2x128xi32, #tpu.memory_space<vmem>>
    %dma_start3A_580 = tpu.memref_squeeze %dma_start3A_579 : memref<1x2x128xi32, #tpu.memory_space<vmem>> -> memref<2x128xi32, #tpu.memory_space<vmem>>
    %dma_start3A_581 = arith.constant 0 : i32
    %dma_start3A_582 = tpu.memref_slice %arg2[%dma_start3A_581, %mul3A_569] : memref<2x160000xi32, #tpu.memory_space<hbm>> -> memref<2x128xi32, #tpu.memory_space<hbm>>
    tpu.enqueue_dma source(%dma_start3A_582 : memref<2x128xi32, #tpu.memory_space<hbm>>) target(%dma_start3A_580 : memref<2x128xi32, #tpu.memory_space<vmem>>) target_semaphore(%arg8 : memref<!tpu.dma_semaphore, #tpu.memory_space<semaphore_mem>>)
    %add3A_583 = arith.constant 34 : i32
    %add3A_584 = arith.addi %mul3A_2, %add3A_583 : i32
    %mul3A_585 = arith.constant 128 : i32
    %mul3A_586 = arith.muli %add3A_584, %mul3A_585 : i32
    %dma_start3A_587 = arith.constant 34 : i32
    %dma_start3A_588 = arith.constant 0 : i32
    %dma_start3A_589 = arith.constant 0 : i32
    %dma_start3A_590 = tpu.memref_slice %arg4[%dma_start3A_587, %dma_start3A_588, %dma_start3A_589] : memref<40x2x128xi32, #tpu.memory_space<vmem>> -> memref<1x2x128xi32, #tpu.memory_space<vmem>>
    %dma_start3A_591 = tpu.memref_squeeze %dma_start3A_590 : memref<1x2x128xi32, #tpu.memory_space<vmem>> -> memref<2x128xi32, #tpu.memory_space<vmem>>
    %dma_start3A_592 = arith.constant 0 : i32
    %dma_start3A_593 = tpu.memref_slice %arg2[%dma_start3A_592, %mul3A_586] : memref<2x160000xi32, #tpu.memory_space<hbm>> -> memref<2x128xi32, #tpu.memory_space<hbm>>
    %dma_start3A_594 = arith.constant 0 : i32
    %dma_start3A_595 = arith.constant 0 : i32
    %dma_start3A_596 = tpu.memref_slice %arg4[%dma_start3A_587, %dma_start3A_594, %dma_start3A_595] : memref<40x2x128xi32, #tpu.memory_space<vmem>> -> memref<1x2x128xi32, #tpu.memory_space<vmem>>
    %dma_start3A_597 = tpu.memref_squeeze %dma_start3A_596 : memref<1x2x128xi32, #tpu.memory_space<vmem>> -> memref<2x128xi32, #tpu.memory_space<vmem>>
    %dma_start3A_598 = arith.constant 0 : i32
    %dma_start3A_599 = tpu.memref_slice %arg2[%dma_start3A_598, %mul3A_586] : memref<2x160000xi32, #tpu.memory_space<hbm>> -> memref<2x128xi32, #tpu.memory_space<hbm>>
    tpu.enqueue_dma source(%dma_start3A_599 : memref<2x128xi32, #tpu.memory_space<hbm>>) target(%dma_start3A_597 : memref<2x128xi32, #tpu.memory_space<vmem>>) target_semaphore(%arg8 : memref<!tpu.dma_semaphore, #tpu.memory_space<semaphore_mem>>)
    %add3A_600 = arith.constant 35 : i32
    %add3A_601 = arith.addi %mul3A_2, %add3A_600 : i32
    %mul3A_602 = arith.constant 128 : i32
    %mul3A_603 = arith.muli %add3A_601, %mul3A_602 : i32
    %dma_start3A_604 = arith.constant 35 : i32
    %dma_start3A_605 = arith.constant 0 : i32
    %dma_start3A_606 = arith.constant 0 : i32
    %dma_start3A_607 = tpu.memref_slice %arg4[%dma_start3A_604, %dma_start3A_605, %dma_start3A_606] : memref<40x2x128xi32, #tpu.memory_space<vmem>> -> memref<1x2x128xi32, #tpu.memory_space<vmem>>
    %dma_start3A_608 = tpu.memref_squeeze %dma_start3A_607 : memref<1x2x128xi32, #tpu.memory_space<vmem>> -> memref<2x128xi32, #tpu.memory_space<vmem>>
    %dma_start3A_609 = arith.constant 0 : i32
    %dma_start3A_610 = tpu.memref_slice %arg2[%dma_start3A_609, %mul3A_603] : memref<2x160000xi32, #tpu.memory_space<hbm>> -> memref<2x128xi32, #tpu.memory_space<hbm>>
    %dma_start3A_611 = arith.constant 0 : i32
    %dma_start3A_612 = arith.constant 0 : i32
    %dma_start3A_613 = tpu.memref_slice %arg4[%dma_start3A_604, %dma_start3A_611, %dma_start3A_612] : memref<40x2x128xi32, #tpu.memory_space<vmem>> -> memref<1x2x128xi32, #tpu.memory_space<vmem>>
    %dma_start3A_614 = tpu.memref_squeeze %dma_start3A_613 : memref<1x2x128xi32, #tpu.memory_space<vmem>> -> memref<2x128xi32, #tpu.memory_space<vmem>>
    %dma_start3A_615 = arith.constant 0 : i32
    %dma_start3A_616 = tpu.memref_slice %arg2[%dma_start3A_615, %mul3A_603] : memref<2x160000xi32, #tpu.memory_space<hbm>> -> memref<2x128xi32, #tpu.memory_space<hbm>>
    tpu.enqueue_dma source(%dma_start3A_616 : memref<2x128xi32, #tpu.memory_space<hbm>>) target(%dma_start3A_614 : memref<2x128xi32, #tpu.memory_space<vmem>>) target_semaphore(%arg8 : memref<!tpu.dma_semaphore, #tpu.memory_space<semaphore_mem>>)
    %add3A_617 = arith.constant 36 : i32
    %add3A_618 = arith.addi %mul3A_2, %add3A_617 : i32
    %mul3A_619 = arith.constant 128 : i32
    %mul3A_620 = arith.muli %add3A_618, %mul3A_619 : i32
    %dma_start3A_621 = arith.constant 36 : i32
    %dma_start3A_622 = arith.constant 0 : i32
    %dma_start3A_623 = arith.constant 0 : i32
    %dma_start3A_624 = tpu.memref_slice %arg4[%dma_start3A_621, %dma_start3A_622, %dma_start3A_623] : memref<40x2x128xi32, #tpu.memory_space<vmem>> -> memref<1x2x128xi32, #tpu.memory_space<vmem>>
    %dma_start3A_625 = tpu.memref_squeeze %dma_start3A_624 : memref<1x2x128xi32, #tpu.memory_space<vmem>> -> memref<2x128xi32, #tpu.memory_space<vmem>>
    %dma_start3A_626 = arith.constant 0 : i32
    %dma_start3A_627 = tpu.memref_slice %arg2[%dma_start3A_626, %mul3A_620] : memref<2x160000xi32, #tpu.memory_space<hbm>> -> memref<2x128xi32, #tpu.memory_space<hbm>>
    %dma_start3A_628 = arith.constant 0 : i32
    %dma_start3A_629 = arith.constant 0 : i32
    %dma_start3A_630 = tpu.memref_slice %arg4[%dma_start3A_621, %dma_start3A_628, %dma_start3A_629] : memref<40x2x128xi32, #tpu.memory_space<vmem>> -> memref<1x2x128xi32, #tpu.memory_space<vmem>>
    %dma_start3A_631 = tpu.memref_squeeze %dma_start3A_630 : memref<1x2x128xi32, #tpu.memory_space<vmem>> -> memref<2x128xi32, #tpu.memory_space<vmem>>
    %dma_start3A_632 = arith.constant 0 : i32
    %dma_start3A_633 = tpu.memref_slice %arg2[%dma_start3A_632, %mul3A_620] : memref<2x160000xi32, #tpu.memory_space<hbm>> -> memref<2x128xi32, #tpu.memory_space<hbm>>
    tpu.enqueue_dma source(%dma_start3A_633 : memref<2x128xi32, #tpu.memory_space<hbm>>) target(%dma_start3A_631 : memref<2x128xi32, #tpu.memory_space<vmem>>) target_semaphore(%arg8 : memref<!tpu.dma_semaphore, #tpu.memory_space<semaphore_mem>>)
    %add3A_634 = arith.constant 37 : i32
    %add3A_635 = arith.addi %mul3A_2, %add3A_634 : i32
    %mul3A_636 = arith.constant 128 : i32
    %mul3A_637 = arith.muli %add3A_635, %mul3A_636 : i32
    %dma_start3A_638 = arith.constant 37 : i32
    %dma_start3A_639 = arith.constant 0 : i32
    %dma_start3A_640 = arith.constant 0 : i32
    %dma_start3A_641 = tpu.memref_slice %arg4[%dma_start3A_638, %dma_start3A_639, %dma_start3A_640] : memref<40x2x128xi32, #tpu.memory_space<vmem>> -> memref<1x2x128xi32, #tpu.memory_space<vmem>>
    %dma_start3A_642 = tpu.memref_squeeze %dma_start3A_641 : memref<1x2x128xi32, #tpu.memory_space<vmem>> -> memref<2x128xi32, #tpu.memory_space<vmem>>
    %dma_start3A_643 = arith.constant 0 : i32
    %dma_start3A_644 = tpu.memref_slice %arg2[%dma_start3A_643, %mul3A_637] : memref<2x160000xi32, #tpu.memory_space<hbm>> -> memref<2x128xi32, #tpu.memory_space<hbm>>
    %dma_start3A_645 = arith.constant 0 : i32
    %dma_start3A_646 = arith.constant 0 : i32
    %dma_start3A_647 = tpu.memref_slice %arg4[%dma_start3A_638, %dma_start3A_645, %dma_start3A_646] : memref<40x2x128xi32, #tpu.memory_space<vmem>> -> memref<1x2x128xi32, #tpu.memory_space<vmem>>
    %dma_start3A_648 = tpu.memref_squeeze %dma_start3A_647 : memref<1x2x128xi32, #tpu.memory_space<vmem>> -> memref<2x128xi32, #tpu.memory_space<vmem>>
    %dma_start3A_649 = arith.constant 0 : i32
    %dma_start3A_650 = tpu.memref_slice %arg2[%dma_start3A_649, %mul3A_637] : memref<2x160000xi32, #tpu.memory_space<hbm>> -> memref<2x128xi32, #tpu.memory_space<hbm>>
    tpu.enqueue_dma source(%dma_start3A_650 : memref<2x128xi32, #tpu.memory_space<hbm>>) target(%dma_start3A_648 : memref<2x128xi32, #tpu.memory_space<vmem>>) target_semaphore(%arg8 : memref<!tpu.dma_semaphore, #tpu.memory_space<semaphore_mem>>)
    %add3A_651 = arith.constant 38 : i32
    %add3A_652 = arith.addi %mul3A_2, %add3A_651 : i32
    %mul3A_653 = arith.constant 128 : i32
    %mul3A_654 = arith.muli %add3A_652, %mul3A_653 : i32
    %dma_start3A_655 = arith.constant 38 : i32
    %dma_start3A_656 = arith.constant 0 : i32
    %dma_start3A_657 = arith.constant 0 : i32
    %dma_start3A_658 = tpu.memref_slice %arg4[%dma_start3A_655, %dma_start3A_656, %dma_start3A_657] : memref<40x2x128xi32, #tpu.memory_space<vmem>> -> memref<1x2x128xi32, #tpu.memory_space<vmem>>
    %dma_start3A_659 = tpu.memref_squeeze %dma_start3A_658 : memref<1x2x128xi32, #tpu.memory_space<vmem>> -> memref<2x128xi32, #tpu.memory_space<vmem>>
    %dma_start3A_660 = arith.constant 0 : i32
    %dma_start3A_661 = tpu.memref_slice %arg2[%dma_start3A_660, %mul3A_654] : memref<2x160000xi32, #tpu.memory_space<hbm>> -> memref<2x128xi32, #tpu.memory_space<hbm>>
    %dma_start3A_662 = arith.constant 0 : i32
    %dma_start3A_663 = arith.constant 0 : i32
    %dma_start3A_664 = tpu.memref_slice %arg4[%dma_start3A_655, %dma_start3A_662, %dma_start3A_663] : memref<40x2x128xi32, #tpu.memory_space<vmem>> -> memref<1x2x128xi32, #tpu.memory_space<vmem>>
    %dma_start3A_665 = tpu.memref_squeeze %dma_start3A_664 : memref<1x2x128xi32, #tpu.memory_space<vmem>> -> memref<2x128xi32, #tpu.memory_space<vmem>>
    %dma_start3A_666 = arith.constant 0 : i32
    %dma_start3A_667 = tpu.memref_slice %arg2[%dma_start3A_666, %mul3A_654] : memref<2x160000xi32, #tpu.memory_space<hbm>> -> memref<2x128xi32, #tpu.memory_space<hbm>>
    tpu.enqueue_dma source(%dma_start3A_667 : memref<2x128xi32, #tpu.memory_space<hbm>>) target(%dma_start3A_665 : memref<2x128xi32, #tpu.memory_space<vmem>>) target_semaphore(%arg8 : memref<!tpu.dma_semaphore, #tpu.memory_space<semaphore_mem>>)
    %lt3A = arith.constant 2 : i32
    %lt3A_668 = arith.cmpi slt, %add3A, %lt3A : i32
    %min3A = arith.constant 1 : i32
    %min3A_669 = arith.minsi %add3A, %min3A : i32
    %add3A_670 = arith.constant 1248 : i32
    %add3A_671 = arith.addi %add3A_670, %min3A_669 : i32
    %mul3A_672 = arith.constant 128 : i32
    %mul3A_673 = arith.muli %add3A_671, %mul3A_672 : i32
    %convert_element_type3A = arith.extui %lt3A_668 : i1 to i32
    %cond3A = arith.constant 39 : i32
    %cond3A_674 = arith.constant 0 : i32
    %cond3A_675 = arith.cmpi ne, %convert_element_type3A, %cond3A_674 : i32
    scf.if %cond3A_675 {
      %dma_start3A_1229 = arith.constant 0 : i32
      %dma_start3A_1230 = arith.constant 0 : i32
      %dma_start3A_1231 = tpu.memref_slice %arg4[%cond3A, %dma_start3A_1229, %dma_start3A_1230] : memref<40x2x128xi32, #tpu.memory_space<vmem>> -> memref<1x2x128xi32, #tpu.memory_space<vmem>>
      %dma_start3A_1232 = tpu.memref_squeeze %dma_start3A_1231 : memref<1x2x128xi32, #tpu.memory_space<vmem>> -> memref<2x128xi32, #tpu.memory_space<vmem>>
      %dma_start3A_1233 = arith.constant 0 : i32
      %dma_start3A_1234 = tpu.memref_slice %arg2[%dma_start3A_1233, %mul3A_673] : memref<2x160000xi32, #tpu.memory_space<hbm>> -> memref<2x128xi32, #tpu.memory_space<hbm>>
      %dma_start3A_1235 = arith.constant 0 : i32
      %dma_start3A_1236 = arith.constant 0 : i32
      %dma_start3A_1237 = tpu.memref_slice %arg4[%cond3A, %dma_start3A_1235, %dma_start3A_1236] : memref<40x2x128xi32, #tpu.memory_space<vmem>> -> memref<1x2x128xi32, #tpu.memory_space<vmem>>
      %dma_start3A_1238 = tpu.memref_squeeze %dma_start3A_1237 : memref<1x2x128xi32, #tpu.memory_space<vmem>> -> memref<2x128xi32, #tpu.memory_space<vmem>>
      %dma_start3A_1239 = arith.constant 0 : i32
      %dma_start3A_1240 = tpu.memref_slice %arg2[%dma_start3A_1239, %mul3A_673] : memref<2x160000xi32, #tpu.memory_space<hbm>> -> memref<2x128xi32, #tpu.memory_space<hbm>>
      tpu.enqueue_dma source(%dma_start3A_1240 : memref<2x128xi32, #tpu.memory_space<hbm>>) target(%dma_start3A_1238 : memref<2x128xi32, #tpu.memory_space<vmem>>) target_semaphore(%arg8 : memref<!tpu.dma_semaphore, #tpu.memory_space<semaphore_mem>>)
    } else {
    }
    %scan3A = arith.constant 0 : i32
    %scan3A_676 = arith.constant 80 : i32
    %scan3A_677 = arith.addi %scan3A, %scan3A_676 : i32
    %scan3A_678 = arith.constant 1 : i32
    scf.for %scan3A_1229 = %scan3A to %scan3A_677 step %scan3A_678  : i32 {
      %mul3A_1230 = arith.constant 1 : i32
      %mul3A_1231 = arith.muli %scan3A_1229, %mul3A_1230 : i32
      %add3A_1232 = arith.constant 0 : i32
      %add3A_1233 = arith.addi %add3A_1232, %mul3A_1231 : i32
      %swap3A_1234 = arith.index_cast %add3A_1233 : i32 to index
      %swap3A_1235 = arith.constant 0 : index
      %swap3A_1236 = tpu.vector_load %arg5[%swap3A_1234, %swap3A_1235] {strides = array<i32>} : memref<80x128xi32, #tpu.memory_space<vmem>>, vector<16xi32>,
      tpu.vector_store %arg5[%swap3A_1234, %swap3A_1235], %broadcast_in_dim3A_3 {strides = array<i32>} : memref<80x128xi32, #tpu.memory_space<vmem>>, vector<16xi32>,
      %swap3A_1237 = arith.index_cast %add3A_1233 : i32 to index
      %swap3A_1238 = arith.constant 16 : index
      %swap3A_1239 = tpu.vector_load %arg5[%swap3A_1237, %swap3A_1238] {strides = array<i32>} : memref<80x128xi32, #tpu.memory_space<vmem>>, vector<16xi32>,
      tpu.vector_store %arg5[%swap3A_1237, %swap3A_1238], %broadcast_in_dim3A_3 {strides = array<i32>} : memref<80x128xi32, #tpu.memory_space<vmem>>, vector<16xi32>,
      %swap3A_1240 = arith.index_cast %add3A_1233 : i32 to index
      %swap3A_1241 = arith.constant 32 : index
      %swap3A_1242 = tpu.vector_load %arg5[%swap3A_1240, %swap3A_1241] {strides = array<i32>} : memref<80x128xi32, #tpu.memory_space<vmem>>, vector<16xi32>,
      tpu.vector_store %arg5[%swap3A_1240, %swap3A_1241], %broadcast_in_dim3A_3 {strides = array<i32>} : memref<80x128xi32, #tpu.memory_space<vmem>>, vector<16xi32>,
      %swap3A_1243 = arith.index_cast %add3A_1233 : i32 to index
      %swap3A_1244 = arith.constant 48 : index
      %swap3A_1245 = tpu.vector_load %arg5[%swap3A_1243, %swap3A_1244] {strides = array<i32>} : memref<80x128xi32, #tpu.memory_space<vmem>>, vector<16xi32>,
      tpu.vector_store %arg5[%swap3A_1243, %swap3A_1244], %broadcast_in_dim3A_3 {strides = array<i32>} : memref<80x128xi32, #tpu.memory_space<vmem>>, vector<16xi32>,
      %swap3A_1246 = arith.index_cast %add3A_1233 : i32 to index
      %swap3A_1247 = arith.constant 64 : index
      %swap3A_1248 = tpu.vector_load %arg5[%swap3A_1246, %swap3A_1247] {strides = array<i32>} : memref<80x128xi32, #tpu.memory_space<vmem>>, vector<16xi32>,
      tpu.vector_store %arg5[%swap3A_1246, %swap3A_1247], %broadcast_in_dim3A_3 {strides = array<i32>} : memref<80x128xi32, #tpu.memory_space<vmem>>, vector<16xi32>,
      %swap3A_1249 = arith.index_cast %add3A_1233 : i32 to index
      %swap3A_1250 = arith.constant 80 : index
      %swap3A_1251 = tpu.vector_load %arg5[%swap3A_1249, %swap3A_1250] {strides = array<i32>} : memref<80x128xi32, #tpu.memory_space<vmem>>, vector<16xi32>,
      tpu.vector_store %arg5[%swap3A_1249, %swap3A_1250], %broadcast_in_dim3A_3 {strides = array<i32>} : memref<80x128xi32, #tpu.memory_space<vmem>>, vector<16xi32>,
      %swap3A_1252 = arith.index_cast %add3A_1233 : i32 to index
      %swap3A_1253 = arith.constant 96 : index
      %swap3A_1254 = tpu.vector_load %arg5[%swap3A_1252, %swap3A_1253] {strides = array<i32>} : memref<80x128xi32, #tpu.memory_space<vmem>>, vector<16xi32>,
      tpu.vector_store %arg5[%swap3A_1252, %swap3A_1253], %broadcast_in_dim3A_3 {strides = array<i32>} : memref<80x128xi32, #tpu.memory_space<vmem>>, vector<16xi32>,
      %swap3A_1255 = arith.index_cast %add3A_1233 : i32 to index
      %swap3A_1256 = arith.constant 112 : index
      %swap3A_1257 = tpu.vector_load %arg5[%swap3A_1255, %swap3A_1256] {strides = array<i32>} : memref<80x128xi32, #tpu.memory_space<vmem>>, vector<16xi32>,
      tpu.vector_store %arg5[%swap3A_1255, %swap3A_1256], %broadcast_in_dim3A_3 {strides = array<i32>} : memref<80x128xi32, #tpu.memory_space<vmem>>, vector<16xi32>,
    }
    %scan3A_679 = arith.constant 80 : i32
    %add3A_680 = arith.constant 0 : i32
    %add3A_681 = vector.broadcast %add3A_680 : i32 to vector<16xi32>
    %add3A_682 = arith.addi %iota3A, %add3A_681 : vector<16xi32>
    %swap3A = arith.constant 0 : index
    %swap3A_683 = tpu.vector_load %arg6[%swap3A] {strides = array<i32>} : memref<80xi32, #tpu.memory_space<vmem>>, vector<16xi32>,
    tpu.vector_store %arg6[%swap3A], %add3A_682 {strides = array<i32>} : memref<80xi32, #tpu.memory_space<vmem>>, vector<16xi32>,
    %add3A_684 = arith.constant 16 : i32
    %add3A_685 = vector.broadcast %add3A_684 : i32 to vector<16xi32>
    %add3A_686 = arith.addi %iota3A, %add3A_685 : vector<16xi32>
    %swap3A_687 = arith.constant 16 : index
    %swap3A_688 = tpu.vector_load %arg6[%swap3A_687] {strides = array<i32>} : memref<80xi32, #tpu.memory_space<vmem>>, vector<16xi32>,
    tpu.vector_store %arg6[%swap3A_687], %add3A_686 {strides = array<i32>} : memref<80xi32, #tpu.memory_space<vmem>>, vector<16xi32>,
    %add3A_689 = arith.constant 32 : i32
    %add3A_690 = vector.broadcast %add3A_689 : i32 to vector<16xi32>
    %add3A_691 = arith.addi %iota3A, %add3A_690 : vector<16xi32>
    %swap3A_692 = arith.constant 32 : index
    %swap3A_693 = tpu.vector_load %arg6[%swap3A_692] {strides = array<i32>} : memref<80xi32, #tpu.memory_space<vmem>>, vector<16xi32>,
    tpu.vector_store %arg6[%swap3A_692], %add3A_691 {strides = array<i32>} : memref<80xi32, #tpu.memory_space<vmem>>, vector<16xi32>,
    %add3A_694 = arith.constant 48 : i32
    %add3A_695 = vector.broadcast %add3A_694 : i32 to vector<16xi32>
    %add3A_696 = arith.addi %iota3A, %add3A_695 : vector<16xi32>
    %swap3A_697 = arith.constant 48 : index
    %swap3A_698 = tpu.vector_load %arg6[%swap3A_697] {strides = array<i32>} : memref<80xi32, #tpu.memory_space<vmem>>, vector<16xi32>,
    tpu.vector_store %arg6[%swap3A_697], %add3A_696 {strides = array<i32>} : memref<80xi32, #tpu.memory_space<vmem>>, vector<16xi32>,
    %add3A_699 = arith.constant 64 : i32
    %add3A_700 = vector.broadcast %add3A_699 : i32 to vector<16xi32>
    %add3A_701 = arith.addi %iota3A, %add3A_700 : vector<16xi32>
    %swap3A_702 = arith.constant 64 : index
    %swap3A_703 = tpu.vector_load %arg6[%swap3A_702] {strides = array<i32>} : memref<80xi32, #tpu.memory_space<vmem>>, vector<16xi32>,
    tpu.vector_store %arg6[%swap3A_702], %add3A_701 {strides = array<i32>} : memref<80xi32, #tpu.memory_space<vmem>>, vector<16xi32>,
    %eq3A = arith.constant 0 : i32
    %eq3A_704 = arith.cmpi eq, %arg1, %eq3A : i32
    %convert_element_type3A_705 = arith.extui %eq3A_704 : i1 to i32
    %cond3A_706 = arith.constant 0 : i32
    %cond3A_707 = arith.cmpi ne, %convert_element_type3A_705, %cond3A_706 : i32
    scf.if %cond3A_707 {
      "tpu.region"() ({
        %run_scoped3A = tpu.sem_alloc : memref<!tpu.dma_semaphore, #tpu.memory_space<semaphore_mem>>
        tpu.enqueue_dma source(%arg5 : memref<80x128xi32, #tpu.memory_space<vmem>>) target(%arg7 : memref<80x128xi32, #tpu.memory_space<vmem_shared>>) target_semaphore(%run_scoped3A : memref<!tpu.dma_semaphore, #tpu.memory_space<semaphore_mem>>)
        tpu.wait_dma2 semaphore(%run_scoped3A : memref<!tpu.dma_semaphore, #tpu.memory_space<semaphore_mem>>) src(%arg5 : memref<80x128xi32, #tpu.memory_space<vmem>>) dst(%arg7 : memref<80x128xi32, #tpu.memory_space<vmem_shared>>)
        tpu.yield
      }) : () -> ()
    } else {
    }
    %barrier3A = arith.constant 0 : index
    tpu.barrier barrier_id(%barrier3A)
    %dma_wait3A = arith.constant 0 : i32
    %dma_wait3A_708 = arith.constant 0 : i32
    %dma_wait3A_709 = arith.constant 0 : i32
    %dma_wait3A_710 = tpu.memref_slice %arg4[%dma_wait3A, %dma_wait3A_708, %dma_wait3A_709] : memref<40x2x128xi32, #tpu.memory_space<vmem>> -> memref<1x2x128xi32, #tpu.memory_space<vmem>>
    %dma_wait3A_711 = tpu.memref_squeeze %dma_wait3A_710 : memref<1x2x128xi32, #tpu.memory_space<vmem>> -> memref<2x128xi32, #tpu.memory_space<vmem>>
    %dma_wait3A_712 = arith.constant 0 : i32
    %dma_wait3A_713 = tpu.memref_slice %arg2[%dma_wait3A_712, %mul3A_9] : memref<2x160000xi32, #tpu.memory_space<hbm>> -> memref<2x128xi32, #tpu.memory_space<hbm>>
    %dma_wait3A_714 = arith.constant 0 : i32
    %dma_wait3A_715 = arith.constant 0 : i32
    %dma_wait3A_716 = tpu.memref_slice %arg4[%dma_wait3A, %dma_wait3A_714, %dma_wait3A_715] : memref<40x2x128xi32, #tpu.memory_space<vmem>> -> memref<1x2x128xi32, #tpu.memory_space<vmem>>
    %dma_wait3A_717 = tpu.memref_squeeze %dma_wait3A_716 : memref<1x2x128xi32, #tpu.memory_space<vmem>> -> memref<2x128xi32, #tpu.memory_space<vmem>>
    %dma_wait3A_718 = arith.constant 0 : i32
    %dma_wait3A_719 = tpu.memref_slice %arg2[%dma_wait3A_718, %mul3A_9] : memref<2x160000xi32, #tpu.memory_space<hbm>> -> memref<2x128xi32, #tpu.memory_space<hbm>>
    tpu.wait_dma2 semaphore(%arg8 : memref<!tpu.dma_semaphore, #tpu.memory_space<semaphore_mem>>) src(%dma_wait3A_719 : memref<2x128xi32, #tpu.memory_space<hbm>>) dst(%dma_wait3A_717 : memref<2x128xi32, #tpu.memory_space<vmem>>)
    %dma_wait3A_720 = arith.constant 1 : i32
    %dma_wait3A_721 = arith.constant 0 : i32
    %dma_wait3A_722 = arith.constant 0 : i32
    %dma_wait3A_723 = tpu.memref_slice %arg4[%dma_wait3A_720, %dma_wait3A_721, %dma_wait3A_722] : memref<40x2x128xi32, #tpu.memory_space<vmem>> -> memref<1x2x128xi32, #tpu.memory_space<vmem>>
    %dma_wait3A_724 = tpu.memref_squeeze %dma_wait3A_723 : memref<1x2x128xi32, #tpu.memory_space<vmem>> -> memref<2x128xi32, #tpu.memory_space<vmem>>
    %dma_wait3A_725 = arith.constant 0 : i32
    %dma_wait3A_726 = tpu.memref_slice %arg2[%dma_wait3A_725, %mul3A_25] : memref<2x160000xi32, #tpu.memory_space<hbm>> -> memref<2x128xi32, #tpu.memory_space<hbm>>
    %dma_wait3A_727 = arith.constant 0 : i32
    %dma_wait3A_728 = arith.constant 0 : i32
    %dma_wait3A_729 = tpu.memref_slice %arg4[%dma_wait3A_720, %dma_wait3A_727, %dma_wait3A_728] : memref<40x2x128xi32, #tpu.memory_space<vmem>> -> memref<1x2x128xi32, #tpu.memory_space<vmem>>
    %dma_wait3A_730 = tpu.memref_squeeze %dma_wait3A_729 : memref<1x2x128xi32, #tpu.memory_space<vmem>> -> memref<2x128xi32, #tpu.memory_space<vmem>>
    %dma_wait3A_731 = arith.constant 0 : i32
    %dma_wait3A_732 = tpu.memref_slice %arg2[%dma_wait3A_731, %mul3A_25] : memref<2x160000xi32, #tpu.memory_space<hbm>> -> memref<2x128xi32, #tpu.memory_space<hbm>>
    tpu.wait_dma2 semaphore(%arg8 : memref<!tpu.dma_semaphore, #tpu.memory_space<semaphore_mem>>) src(%dma_wait3A_732 : memref<2x128xi32, #tpu.memory_space<hbm>>) dst(%dma_wait3A_730 : memref<2x128xi32, #tpu.memory_space<vmem>>)
    %dma_wait3A_733 = arith.constant 2 : i32
    %dma_wait3A_734 = arith.constant 0 : i32
    %dma_wait3A_735 = arith.constant 0 : i32
    %dma_wait3A_736 = tpu.memref_slice %arg4[%dma_wait3A_733, %dma_wait3A_734, %dma_wait3A_735] : memref<40x2x128xi32, #tpu.memory_space<vmem>> -> memref<1x2x128xi32, #tpu.memory_space<vmem>>
    %dma_wait3A_737 = tpu.memref_squeeze %dma_wait3A_736 : memref<1x2x128xi32, #tpu.memory_space<vmem>> -> memref<2x128xi32, #tpu.memory_space<vmem>>
    %dma_wait3A_738 = arith.constant 0 : i32
    %dma_wait3A_739 = tpu.memref_slice %arg2[%dma_wait3A_738, %mul3A_42] : memref<2x160000xi32, #tpu.memory_space<hbm>> -> memref<2x128xi32, #tpu.memory_space<hbm>>
    %dma_wait3A_740 = arith.constant 0 : i32
    %dma_wait3A_741 = arith.constant 0 : i32
    %dma_wait3A_742 = tpu.memref_slice %arg4[%dma_wait3A_733, %dma_wait3A_740, %dma_wait3A_741] : memref<40x2x128xi32, #tpu.memory_space<vmem>> -> memref<1x2x128xi32, #tpu.memory_space<vmem>>
    %dma_wait3A_743 = tpu.memref_squeeze %dma_wait3A_742 : memref<1x2x128xi32, #tpu.memory_space<vmem>> -> memref<2x128xi32, #tpu.memory_space<vmem>>
    %dma_wait3A_744 = arith.constant 0 : i32
    %dma_wait3A_745 = tpu.memref_slice %arg2[%dma_wait3A_744, %mul3A_42] : memref<2x160000xi32, #tpu.memory_space<hbm>> -> memref<2x128xi32, #tpu.memory_space<hbm>>
    tpu.wait_dma2 semaphore(%arg8 : memref<!tpu.dma_semaphore, #tpu.memory_space<semaphore_mem>>) src(%dma_wait3A_745 : memref<2x128xi32, #tpu.memory_space<hbm>>) dst(%dma_wait3A_743 : memref<2x128xi32, #tpu.memory_space<vmem>>)
    %dma_wait3A_746 = arith.constant 3 : i32
    %dma_wait3A_747 = arith.constant 0 : i32
    %dma_wait3A_748 = arith.constant 0 : i32
    %dma_wait3A_749 = tpu.memref_slice %arg4[%dma_wait3A_746, %dma_wait3A_747, %dma_wait3A_748] : memref<40x2x128xi32, #tpu.memory_space<vmem>> -> memref<1x2x128xi32, #tpu.memory_space<vmem>>
    %dma_wait3A_750 = tpu.memref_squeeze %dma_wait3A_749 : memref<1x2x128xi32, #tpu.memory_space<vmem>> -> memref<2x128xi32, #tpu.memory_space<vmem>>
    %dma_wait3A_751 = arith.constant 0 : i32
    %dma_wait3A_752 = tpu.memref_slice %arg2[%dma_wait3A_751, %mul3A_59] : memref<2x160000xi32, #tpu.memory_space<hbm>> -> memref<2x128xi32, #tpu.memory_space<hbm>>
    %dma_wait3A_753 = arith.constant 0 : i32
    %dma_wait3A_754 = arith.constant 0 : i32
    %dma_wait3A_755 = tpu.memref_slice %arg4[%dma_wait3A_746, %dma_wait3A_753, %dma_wait3A_754] : memref<40x2x128xi32, #tpu.memory_space<vmem>> -> memref<1x2x128xi32, #tpu.memory_space<vmem>>
    %dma_wait3A_756 = tpu.memref_squeeze %dma_wait3A_755 : memref<1x2x128xi32, #tpu.memory_space<vmem>> -> memref<2x128xi32, #tpu.memory_space<vmem>>
    %dma_wait3A_757 = arith.constant 0 : i32
    %dma_wait3A_758 = tpu.memref_slice %arg2[%dma_wait3A_757, %mul3A_59] : memref<2x160000xi32, #tpu.memory_space<hbm>> -> memref<2x128xi32, #tpu.memory_space<hbm>>
    tpu.wait_dma2 semaphore(%arg8 : memref<!tpu.dma_semaphore, #tpu.memory_space<semaphore_mem>>) src(%dma_wait3A_758 : memref<2x128xi32, #tpu.memory_space<hbm>>) dst(%dma_wait3A_756 : memref<2x128xi32, #tpu.memory_space<vmem>>)
    %dma_wait3A_759 = arith.constant 4 : i32
    %dma_wait3A_760 = arith.constant 0 : i32
    %dma_wait3A_761 = arith.constant 0 : i32
    %dma_wait3A_762 = tpu.memref_slice %arg4[%dma_wait3A_759, %dma_wait3A_760, %dma_wait3A_761] : memref<40x2x128xi32, #tpu.memory_space<vmem>> -> memref<1x2x128xi32, #tpu.memory_space<vmem>>
    %dma_wait3A_763 = tpu.memref_squeeze %dma_wait3A_762 : memref<1x2x128xi32, #tpu.memory_space<vmem>> -> memref<2x128xi32, #tpu.memory_space<vmem>>
    %dma_wait3A_764 = arith.constant 0 : i32
    %dma_wait3A_765 = tpu.memref_slice %arg2[%dma_wait3A_764, %mul3A_76] : memref<2x160000xi32, #tpu.memory_space<hbm>> -> memref<2x128xi32, #tpu.memory_space<hbm>>
    %dma_wait3A_766 = arith.constant 0 : i32
    %dma_wait3A_767 = arith.constant 0 : i32
    %dma_wait3A_768 = tpu.memref_slice %arg4[%dma_wait3A_759, %dma_wait3A_766, %dma_wait3A_767] : memref<40x2x128xi32, #tpu.memory_space<vmem>> -> memref<1x2x128xi32, #tpu.memory_space<vmem>>
    %dma_wait3A_769 = tpu.memref_squeeze %dma_wait3A_768 : memref<1x2x128xi32, #tpu.memory_space<vmem>> -> memref<2x128xi32, #tpu.memory_space<vmem>>
    %dma_wait3A_770 = arith.constant 0 : i32
    %dma_wait3A_771 = tpu.memref_slice %arg2[%dma_wait3A_770, %mul3A_76] : memref<2x160000xi32, #tpu.memory_space<hbm>> -> memref<2x128xi32, #tpu.memory_space<hbm>>
    tpu.wait_dma2 semaphore(%arg8 : memref<!tpu.dma_semaphore, #tpu.memory_space<semaphore_mem>>) src(%dma_wait3A_771 : memref<2x128xi32, #tpu.memory_space<hbm>>) dst(%dma_wait3A_769 : memref<2x128xi32, #tpu.memory_space<vmem>>)
    %dma_wait3A_772 = arith.constant 5 : i32
    %dma_wait3A_773 = arith.constant 0 : i32
    %dma_wait3A_774 = arith.constant 0 : i32
    %dma_wait3A_775 = tpu.memref_slice %arg4[%dma_wait3A_772, %dma_wait3A_773, %dma_wait3A_774] : memref<40x2x128xi32, #tpu.memory_space<vmem>> -> memref<1x2x128xi32, #tpu.memory_space<vmem>>
    %dma_wait3A_776 = tpu.memref_squeeze %dma_wait3A_775 : memref<1x2x128xi32, #tpu.memory_space<vmem>> -> memref<2x128xi32, #tpu.memory_space<vmem>>
    %dma_wait3A_777 = arith.constant 0 : i32
    %dma_wait3A_778 = tpu.memref_slice %arg2[%dma_wait3A_777, %mul3A_93] : memref<2x160000xi32, #tpu.memory_space<hbm>> -> memref<2x128xi32, #tpu.memory_space<hbm>>
    %dma_wait3A_779 = arith.constant 0 : i32
    %dma_wait3A_780 = arith.constant 0 : i32
    %dma_wait3A_781 = tpu.memref_slice %arg4[%dma_wait3A_772, %dma_wait3A_779, %dma_wait3A_780] : memref<40x2x128xi32, #tpu.memory_space<vmem>> -> memref<1x2x128xi32, #tpu.memory_space<vmem>>
    %dma_wait3A_782 = tpu.memref_squeeze %dma_wait3A_781 : memref<1x2x128xi32, #tpu.memory_space<vmem>> -> memref<2x128xi32, #tpu.memory_space<vmem>>
    %dma_wait3A_783 = arith.constant 0 : i32
    %dma_wait3A_784 = tpu.memref_slice %arg2[%dma_wait3A_783, %mul3A_93] : memref<2x160000xi32, #tpu.memory_space<hbm>> -> memref<2x128xi32, #tpu.memory_space<hbm>>
    tpu.wait_dma2 semaphore(%arg8 : memref<!tpu.dma_semaphore, #tpu.memory_space<semaphore_mem>>) src(%dma_wait3A_784 : memref<2x128xi32, #tpu.memory_space<hbm>>) dst(%dma_wait3A_782 : memref<2x128xi32, #tpu.memory_space<vmem>>)
    %dma_wait3A_785 = arith.constant 6 : i32
    %dma_wait3A_786 = arith.constant 0 : i32
    %dma_wait3A_787 = arith.constant 0 : i32
    %dma_wait3A_788 = tpu.memref_slice %arg4[%dma_wait3A_785, %dma_wait3A_786, %dma_wait3A_787] : memref<40x2x128xi32, #tpu.memory_space<vmem>> -> memref<1x2x128xi32, #tpu.memory_space<vmem>>
    %dma_wait3A_789 = tpu.memref_squeeze %dma_wait3A_788 : memref<1x2x128xi32, #tpu.memory_space<vmem>> -> memref<2x128xi32, #tpu.memory_space<vmem>>
    %dma_wait3A_790 = arith.constant 0 : i32
    %dma_wait3A_791 = tpu.memref_slice %arg2[%dma_wait3A_790, %mul3A_110] : memref<2x160000xi32, #tpu.memory_space<hbm>> -> memref<2x128xi32, #tpu.memory_space<hbm>>
    %dma_wait3A_792 = arith.constant 0 : i32
    %dma_wait3A_793 = arith.constant 0 : i32
    %dma_wait3A_794 = tpu.memref_slice %arg4[%dma_wait3A_785, %dma_wait3A_792, %dma_wait3A_793] : memref<40x2x128xi32, #tpu.memory_space<vmem>> -> memref<1x2x128xi32, #tpu.memory_space<vmem>>
    %dma_wait3A_795 = tpu.memref_squeeze %dma_wait3A_794 : memref<1x2x128xi32, #tpu.memory_space<vmem>> -> memref<2x128xi32, #tpu.memory_space<vmem>>
    %dma_wait3A_796 = arith.constant 0 : i32
    %dma_wait3A_797 = tpu.memref_slice %arg2[%dma_wait3A_796, %mul3A_110] : memref<2x160000xi32, #tpu.memory_space<hbm>> -> memref<2x128xi32, #tpu.memory_space<hbm>>
    tpu.wait_dma2 semaphore(%arg8 : memref<!tpu.dma_semaphore, #tpu.memory_space<semaphore_mem>>) src(%dma_wait3A_797 : memref<2x128xi32, #tpu.memory_space<hbm>>) dst(%dma_wait3A_795 : memref<2x128xi32, #tpu.memory_space<vmem>>)
    %dma_wait3A_798 = arith.constant 7 : i32
    %dma_wait3A_799 = arith.constant 0 : i32
    %dma_wait3A_800 = arith.constant 0 : i32
    %dma_wait3A_801 = tpu.memref_slice %arg4[%dma_wait3A_798, %dma_wait3A_799, %dma_wait3A_800] : memref<40x2x128xi32, #tpu.memory_space<vmem>> -> memref<1x2x128xi32, #tpu.memory_space<vmem>>
    %dma_wait3A_802 = tpu.memref_squeeze %dma_wait3A_801 : memref<1x2x128xi32, #tpu.memory_space<vmem>> -> memref<2x128xi32, #tpu.memory_space<vmem>>
    %dma_wait3A_803 = arith.constant 0 : i32
    %dma_wait3A_804 = tpu.memref_slice %arg2[%dma_wait3A_803, %mul3A_127] : memref<2x160000xi32, #tpu.memory_space<hbm>> -> memref<2x128xi32, #tpu.memory_space<hbm>>
    %dma_wait3A_805 = arith.constant 0 : i32
    %dma_wait3A_806 = arith.constant 0 : i32
    %dma_wait3A_807 = tpu.memref_slice %arg4[%dma_wait3A_798, %dma_wait3A_805, %dma_wait3A_806] : memref<40x2x128xi32, #tpu.memory_space<vmem>> -> memref<1x2x128xi32, #tpu.memory_space<vmem>>
    %dma_wait3A_808 = tpu.memref_squeeze %dma_wait3A_807 : memref<1x2x128xi32, #tpu.memory_space<vmem>> -> memref<2x128xi32, #tpu.memory_space<vmem>>
    %dma_wait3A_809 = arith.constant 0 : i32
    %dma_wait3A_810 = tpu.memref_slice %arg2[%dma_wait3A_809, %mul3A_127] : memref<2x160000xi32, #tpu.memory_space<hbm>> -> memref<2x128xi32, #tpu.memory_space<hbm>>
    tpu.wait_dma2 semaphore(%arg8 : memref<!tpu.dma_semaphore, #tpu.memory_space<semaphore_mem>>) src(%dma_wait3A_810 : memref<2x128xi32, #tpu.memory_space<hbm>>) dst(%dma_wait3A_808 : memref<2x128xi32, #tpu.memory_space<vmem>>)
    %dma_wait3A_811 = arith.constant 8 : i32
    %dma_wait3A_812 = arith.constant 0 : i32
    %dma_wait3A_813 = arith.constant 0 : i32
    %dma_wait3A_814 = tpu.memref_slice %arg4[%dma_wait3A_811, %dma_wait3A_812, %dma_wait3A_813] : memref<40x2x128xi32, #tpu.memory_space<vmem>> -> memref<1x2x128xi32, #tpu.memory_space<vmem>>
    %dma_wait3A_815 = tpu.memref_squeeze %dma_wait3A_814 : memref<1x2x128xi32, #tpu.memory_space<vmem>> -> memref<2x128xi32, #tpu.memory_space<vmem>>
    %dma_wait3A_816 = arith.constant 0 : i32
    %dma_wait3A_817 = tpu.memref_slice %arg2[%dma_wait3A_816, %mul3A_144] : memref<2x160000xi32, #tpu.memory_space<hbm>> -> memref<2x128xi32, #tpu.memory_space<hbm>>
    %dma_wait3A_818 = arith.constant 0 : i32
    %dma_wait3A_819 = arith.constant 0 : i32
    %dma_wait3A_820 = tpu.memref_slice %arg4[%dma_wait3A_811, %dma_wait3A_818, %dma_wait3A_819] : memref<40x2x128xi32, #tpu.memory_space<vmem>> -> memref<1x2x128xi32, #tpu.memory_space<vmem>>
    %dma_wait3A_821 = tpu.memref_squeeze %dma_wait3A_820 : memref<1x2x128xi32, #tpu.memory_space<vmem>> -> memref<2x128xi32, #tpu.memory_space<vmem>>
    %dma_wait3A_822 = arith.constant 0 : i32
    %dma_wait3A_823 = tpu.memref_slice %arg2[%dma_wait3A_822, %mul3A_144] : memref<2x160000xi32, #tpu.memory_space<hbm>> -> memref<2x128xi32, #tpu.memory_space<hbm>>
    tpu.wait_dma2 semaphore(%arg8 : memref<!tpu.dma_semaphore, #tpu.memory_space<semaphore_mem>>) src(%dma_wait3A_823 : memref<2x128xi32, #tpu.memory_space<hbm>>) dst(%dma_wait3A_821 : memref<2x128xi32, #tpu.memory_space<vmem>>)
    %dma_wait3A_824 = arith.constant 9 : i32
    %dma_wait3A_825 = arith.constant 0 : i32
    %dma_wait3A_826 = arith.constant 0 : i32
    %dma_wait3A_827 = tpu.memref_slice %arg4[%dma_wait3A_824, %dma_wait3A_825, %dma_wait3A_826] : memref<40x2x128xi32, #tpu.memory_space<vmem>> -> memref<1x2x128xi32, #tpu.memory_space<vmem>>
    %dma_wait3A_828 = tpu.memref_squeeze %dma_wait3A_827 : memref<1x2x128xi32, #tpu.memory_space<vmem>> -> memref<2x128xi32, #tpu.memory_space<vmem>>
    %dma_wait3A_829 = arith.constant 0 : i32
    %dma_wait3A_830 = tpu.memref_slice %arg2[%dma_wait3A_829, %mul3A_161] : memref<2x160000xi32, #tpu.memory_space<hbm>> -> memref<2x128xi32, #tpu.memory_space<hbm>>
    %dma_wait3A_831 = arith.constant 0 : i32
    %dma_wait3A_832 = arith.constant 0 : i32
    %dma_wait3A_833 = tpu.memref_slice %arg4[%dma_wait3A_824, %dma_wait3A_831, %dma_wait3A_832] : memref<40x2x128xi32, #tpu.memory_space<vmem>> -> memref<1x2x128xi32, #tpu.memory_space<vmem>>
    %dma_wait3A_834 = tpu.memref_squeeze %dma_wait3A_833 : memref<1x2x128xi32, #tpu.memory_space<vmem>> -> memref<2x128xi32, #tpu.memory_space<vmem>>
    %dma_wait3A_835 = arith.constant 0 : i32
    %dma_wait3A_836 = tpu.memref_slice %arg2[%dma_wait3A_835, %mul3A_161] : memref<2x160000xi32, #tpu.memory_space<hbm>> -> memref<2x128xi32, #tpu.memory_space<hbm>>
    tpu.wait_dma2 semaphore(%arg8 : memref<!tpu.dma_semaphore, #tpu.memory_space<semaphore_mem>>) src(%dma_wait3A_836 : memref<2x128xi32, #tpu.memory_space<hbm>>) dst(%dma_wait3A_834 : memref<2x128xi32, #tpu.memory_space<vmem>>)
    %dma_wait3A_837 = arith.constant 10 : i32
    %dma_wait3A_838 = arith.constant 0 : i32
    %dma_wait3A_839 = arith.constant 0 : i32
    %dma_wait3A_840 = tpu.memref_slice %arg4[%dma_wait3A_837, %dma_wait3A_838, %dma_wait3A_839] : memref<40x2x128xi32, #tpu.memory_space<vmem>> -> memref<1x2x128xi32, #tpu.memory_space<vmem>>
    %dma_wait3A_841 = tpu.memref_squeeze %dma_wait3A_840 : memref<1x2x128xi32, #tpu.memory_space<vmem>> -> memref<2x128xi32, #tpu.memory_space<vmem>>
    %dma_wait3A_842 = arith.constant 0 : i32
    %dma_wait3A_843 = tpu.memref_slice %arg2[%dma_wait3A_842, %mul3A_178] : memref<2x160000xi32, #tpu.memory_space<hbm>> -> memref<2x128xi32, #tpu.memory_space<hbm>>
    %dma_wait3A_844 = arith.constant 0 : i32
    %dma_wait3A_845 = arith.constant 0 : i32
    %dma_wait3A_846 = tpu.memref_slice %arg4[%dma_wait3A_837, %dma_wait3A_844, %dma_wait3A_845] : memref<40x2x128xi32, #tpu.memory_space<vmem>> -> memref<1x2x128xi32, #tpu.memory_space<vmem>>
    %dma_wait3A_847 = tpu.memref_squeeze %dma_wait3A_846 : memref<1x2x128xi32, #tpu.memory_space<vmem>> -> memref<2x128xi32, #tpu.memory_space<vmem>>
    %dma_wait3A_848 = arith.constant 0 : i32
    %dma_wait3A_849 = tpu.memref_slice %arg2[%dma_wait3A_848, %mul3A_178] : memref<2x160000xi32, #tpu.memory_space<hbm>> -> memref<2x128xi32, #tpu.memory_space<hbm>>
    tpu.wait_dma2 semaphore(%arg8 : memref<!tpu.dma_semaphore, #tpu.memory_space<semaphore_mem>>) src(%dma_wait3A_849 : memref<2x128xi32, #tpu.memory_space<hbm>>) dst(%dma_wait3A_847 : memref<2x128xi32, #tpu.memory_space<vmem>>)
    %dma_wait3A_850 = arith.constant 11 : i32
    %dma_wait3A_851 = arith.constant 0 : i32
    %dma_wait3A_852 = arith.constant 0 : i32
    %dma_wait3A_853 = tpu.memref_slice %arg4[%dma_wait3A_850, %dma_wait3A_851, %dma_wait3A_852] : memref<40x2x128xi32, #tpu.memory_space<vmem>> -> memref<1x2x128xi32, #tpu.memory_space<vmem>>
    %dma_wait3A_854 = tpu.memref_squeeze %dma_wait3A_853 : memref<1x2x128xi32, #tpu.memory_space<vmem>> -> memref<2x128xi32, #tpu.memory_space<vmem>>
    %dma_wait3A_855 = arith.constant 0 : i32
    %dma_wait3A_856 = tpu.memref_slice %arg2[%dma_wait3A_855, %mul3A_195] : memref<2x160000xi32, #tpu.memory_space<hbm>> -> memref<2x128xi32, #tpu.memory_space<hbm>>
    %dma_wait3A_857 = arith.constant 0 : i32
    %dma_wait3A_858 = arith.constant 0 : i32
    %dma_wait3A_859 = tpu.memref_slice %arg4[%dma_wait3A_850, %dma_wait3A_857, %dma_wait3A_858] : memref<40x2x128xi32, #tpu.memory_space<vmem>> -> memref<1x2x128xi32, #tpu.memory_space<vmem>>
    %dma_wait3A_860 = tpu.memref_squeeze %dma_wait3A_859 : memref<1x2x128xi32, #tpu.memory_space<vmem>> -> memref<2x128xi32, #tpu.memory_space<vmem>>
    %dma_wait3A_861 = arith.constant 0 : i32
    %dma_wait3A_862 = tpu.memref_slice %arg2[%dma_wait3A_861, %mul3A_195] : memref<2x160000xi32, #tpu.memory_space<hbm>> -> memref<2x128xi32, #tpu.memory_space<hbm>>
    tpu.wait_dma2 semaphore(%arg8 : memref<!tpu.dma_semaphore, #tpu.memory_space<semaphore_mem>>) src(%dma_wait3A_862 : memref<2x128xi32, #tpu.memory_space<hbm>>) dst(%dma_wait3A_860 : memref<2x128xi32, #tpu.memory_space<vmem>>)
    %dma_wait3A_863 = arith.constant 12 : i32
    %dma_wait3A_864 = arith.constant 0 : i32
    %dma_wait3A_865 = arith.constant 0 : i32
    %dma_wait3A_866 = tpu.memref_slice %arg4[%dma_wait3A_863, %dma_wait3A_864, %dma_wait3A_865] : memref<40x2x128xi32, #tpu.memory_space<vmem>> -> memref<1x2x128xi32, #tpu.memory_space<vmem>>
    %dma_wait3A_867 = tpu.memref_squeeze %dma_wait3A_866 : memref<1x2x128xi32, #tpu.memory_space<vmem>> -> memref<2x128xi32, #tpu.memory_space<vmem>>
    %dma_wait3A_868 = arith.constant 0 : i32
    %dma_wait3A_869 = tpu.memref_slice %arg2[%dma_wait3A_868, %mul3A_212] : memref<2x160000xi32, #tpu.memory_space<hbm>> -> memref<2x128xi32, #tpu.memory_space<hbm>>
    %dma_wait3A_870 = arith.constant 0 : i32
    %dma_wait3A_871 = arith.constant 0 : i32
    %dma_wait3A_872 = tpu.memref_slice %arg4[%dma_wait3A_863, %dma_wait3A_870, %dma_wait3A_871] : memref<40x2x128xi32, #tpu.memory_space<vmem>> -> memref<1x2x128xi32, #tpu.memory_space<vmem>>
    %dma_wait3A_873 = tpu.memref_squeeze %dma_wait3A_872 : memref<1x2x128xi32, #tpu.memory_space<vmem>> -> memref<2x128xi32, #tpu.memory_space<vmem>>
    %dma_wait3A_874 = arith.constant 0 : i32
    %dma_wait3A_875 = tpu.memref_slice %arg2[%dma_wait3A_874, %mul3A_212] : memref<2x160000xi32, #tpu.memory_space<hbm>> -> memref<2x128xi32, #tpu.memory_space<hbm>>
    tpu.wait_dma2 semaphore(%arg8 : memref<!tpu.dma_semaphore, #tpu.memory_space<semaphore_mem>>) src(%dma_wait3A_875 : memref<2x128xi32, #tpu.memory_space<hbm>>) dst(%dma_wait3A_873 : memref<2x128xi32, #tpu.memory_space<vmem>>)
    %dma_wait3A_876 = arith.constant 13 : i32
    %dma_wait3A_877 = arith.constant 0 : i32
    %dma_wait3A_878 = arith.constant 0 : i32
    %dma_wait3A_879 = tpu.memref_slice %arg4[%dma_wait3A_876, %dma_wait3A_877, %dma_wait3A_878] : memref<40x2x128xi32, #tpu.memory_space<vmem>> -> memref<1x2x128xi32, #tpu.memory_space<vmem>>
    %dma_wait3A_880 = tpu.memref_squeeze %dma_wait3A_879 : memref<1x2x128xi32, #tpu.memory_space<vmem>> -> memref<2x128xi32, #tpu.memory_space<vmem>>
    %dma_wait3A_881 = arith.constant 0 : i32
    %dma_wait3A_882 = tpu.memref_slice %arg2[%dma_wait3A_881, %mul3A_229] : memref<2x160000xi32, #tpu.memory_space<hbm>> -> memref<2x128xi32, #tpu.memory_space<hbm>>
    %dma_wait3A_883 = arith.constant 0 : i32
    %dma_wait3A_884 = arith.constant 0 : i32
    %dma_wait3A_885 = tpu.memref_slice %arg4[%dma_wait3A_876, %dma_wait3A_883, %dma_wait3A_884] : memref<40x2x128xi32, #tpu.memory_space<vmem>> -> memref<1x2x128xi32, #tpu.memory_space<vmem>>
    %dma_wait3A_886 = tpu.memref_squeeze %dma_wait3A_885 : memref<1x2x128xi32, #tpu.memory_space<vmem>> -> memref<2x128xi32, #tpu.memory_space<vmem>>
    %dma_wait3A_887 = arith.constant 0 : i32
    %dma_wait3A_888 = tpu.memref_slice %arg2[%dma_wait3A_887, %mul3A_229] : memref<2x160000xi32, #tpu.memory_space<hbm>> -> memref<2x128xi32, #tpu.memory_space<hbm>>
    tpu.wait_dma2 semaphore(%arg8 : memref<!tpu.dma_semaphore, #tpu.memory_space<semaphore_mem>>) src(%dma_wait3A_888 : memref<2x128xi32, #tpu.memory_space<hbm>>) dst(%dma_wait3A_886 : memref<2x128xi32, #tpu.memory_space<vmem>>)
    %dma_wait3A_889 = arith.constant 14 : i32
    %dma_wait3A_890 = arith.constant 0 : i32
    %dma_wait3A_891 = arith.constant 0 : i32
    %dma_wait3A_892 = tpu.memref_slice %arg4[%dma_wait3A_889, %dma_wait3A_890, %dma_wait3A_891] : memref<40x2x128xi32, #tpu.memory_space<vmem>> -> memref<1x2x128xi32, #tpu.memory_space<vmem>>
    %dma_wait3A_893 = tpu.memref_squeeze %dma_wait3A_892 : memref<1x2x128xi32, #tpu.memory_space<vmem>> -> memref<2x128xi32, #tpu.memory_space<vmem>>
    %dma_wait3A_894 = arith.constant 0 : i32
    %dma_wait3A_895 = tpu.memref_slice %arg2[%dma_wait3A_894, %mul3A_246] : memref<2x160000xi32, #tpu.memory_space<hbm>> -> memref<2x128xi32, #tpu.memory_space<hbm>>
    %dma_wait3A_896 = arith.constant 0 : i32
    %dma_wait3A_897 = arith.constant 0 : i32
    %dma_wait3A_898 = tpu.memref_slice %arg4[%dma_wait3A_889, %dma_wait3A_896, %dma_wait3A_897] : memref<40x2x128xi32, #tpu.memory_space<vmem>> -> memref<1x2x128xi32, #tpu.memory_space<vmem>>
    %dma_wait3A_899 = tpu.memref_squeeze %dma_wait3A_898 : memref<1x2x128xi32, #tpu.memory_space<vmem>> -> memref<2x128xi32, #tpu.memory_space<vmem>>
    %dma_wait3A_900 = arith.constant 0 : i32
    %dma_wait3A_901 = tpu.memref_slice %arg2[%dma_wait3A_900, %mul3A_246] : memref<2x160000xi32, #tpu.memory_space<hbm>> -> memref<2x128xi32, #tpu.memory_space<hbm>>
    tpu.wait_dma2 semaphore(%arg8 : memref<!tpu.dma_semaphore, #tpu.memory_space<semaphore_mem>>) src(%dma_wait3A_901 : memref<2x128xi32, #tpu.memory_space<hbm>>) dst(%dma_wait3A_899 : memref<2x128xi32, #tpu.memory_space<vmem>>)
    %dma_wait3A_902 = arith.constant 15 : i32
    %dma_wait3A_903 = arith.constant 0 : i32
    %dma_wait3A_904 = arith.constant 0 : i32
    %dma_wait3A_905 = tpu.memref_slice %arg4[%dma_wait3A_902, %dma_wait3A_903, %dma_wait3A_904] : memref<40x2x128xi32, #tpu.memory_space<vmem>> -> memref<1x2x128xi32, #tpu.memory_space<vmem>>
    %dma_wait3A_906 = tpu.memref_squeeze %dma_wait3A_905 : memref<1x2x128xi32, #tpu.memory_space<vmem>> -> memref<2x128xi32, #tpu.memory_space<vmem>>
    %dma_wait3A_907 = arith.constant 0 : i32
    %dma_wait3A_908 = tpu.memref_slice %arg2[%dma_wait3A_907, %mul3A_263] : memref<2x160000xi32, #tpu.memory_space<hbm>> -> memref<2x128xi32, #tpu.memory_space<hbm>>
    %dma_wait3A_909 = arith.constant 0 : i32
    %dma_wait3A_910 = arith.constant 0 : i32
    %dma_wait3A_911 = tpu.memref_slice %arg4[%dma_wait3A_902, %dma_wait3A_909, %dma_wait3A_910] : memref<40x2x128xi32, #tpu.memory_space<vmem>> -> memref<1x2x128xi32, #tpu.memory_space<vmem>>
    %dma_wait3A_912 = tpu.memref_squeeze %dma_wait3A_911 : memref<1x2x128xi32, #tpu.memory_space<vmem>> -> memref<2x128xi32, #tpu.memory_space<vmem>>
    %dma_wait3A_913 = arith.constant 0 : i32
    %dma_wait3A_914 = tpu.memref_slice %arg2[%dma_wait3A_913, %mul3A_263] : memref<2x160000xi32, #tpu.memory_space<hbm>> -> memref<2x128xi32, #tpu.memory_space<hbm>>
    tpu.wait_dma2 semaphore(%arg8 : memref<!tpu.dma_semaphore, #tpu.memory_space<semaphore_mem>>) src(%dma_wait3A_914 : memref<2x128xi32, #tpu.memory_space<hbm>>) dst(%dma_wait3A_912 : memref<2x128xi32, #tpu.memory_space<vmem>>)
    %dma_wait3A_915 = arith.constant 16 : i32
    %dma_wait3A_916 = arith.constant 0 : i32
    %dma_wait3A_917 = arith.constant 0 : i32
    %dma_wait3A_918 = tpu.memref_slice %arg4[%dma_wait3A_915, %dma_wait3A_916, %dma_wait3A_917] : memref<40x2x128xi32, #tpu.memory_space<vmem>> -> memref<1x2x128xi32, #tpu.memory_space<vmem>>
    %dma_wait3A_919 = tpu.memref_squeeze %dma_wait3A_918 : memref<1x2x128xi32, #tpu.memory_space<vmem>> -> memref<2x128xi32, #tpu.memory_space<vmem>>
    %dma_wait3A_920 = arith.constant 0 : i32
    %dma_wait3A_921 = tpu.memref_slice %arg2[%dma_wait3A_920, %mul3A_280] : memref<2x160000xi32, #tpu.memory_space<hbm>> -> memref<2x128xi32, #tpu.memory_space<hbm>>
    %dma_wait3A_922 = arith.constant 0 : i32
    %dma_wait3A_923 = arith.constant 0 : i32
    %dma_wait3A_924 = tpu.memref_slice %arg4[%dma_wait3A_915, %dma_wait3A_922, %dma_wait3A_923] : memref<40x2x128xi32, #tpu.memory_space<vmem>> -> memref<1x2x128xi32, #tpu.memory_space<vmem>>
    %dma_wait3A_925 = tpu.memref_squeeze %dma_wait3A_924 : memref<1x2x128xi32, #tpu.memory_space<vmem>> -> memref<2x128xi32, #tpu.memory_space<vmem>>
    %dma_wait3A_926 = arith.constant 0 : i32
    %dma_wait3A_927 = tpu.memref_slice %arg2[%dma_wait3A_926, %mul3A_280] : memref<2x160000xi32, #tpu.memory_space<hbm>> -> memref<2x128xi32, #tpu.memory_space<hbm>>
    tpu.wait_dma2 semaphore(%arg8 : memref<!tpu.dma_semaphore, #tpu.memory_space<semaphore_mem>>) src(%dma_wait3A_927 : memref<2x128xi32, #tpu.memory_space<hbm>>) dst(%dma_wait3A_925 : memref<2x128xi32, #tpu.memory_space<vmem>>)
    %dma_wait3A_928 = arith.constant 17 : i32
    %dma_wait3A_929 = arith.constant 0 : i32
    %dma_wait3A_930 = arith.constant 0 : i32
    %dma_wait3A_931 = tpu.memref_slice %arg4[%dma_wait3A_928, %dma_wait3A_929, %dma_wait3A_930] : memref<40x2x128xi32, #tpu.memory_space<vmem>> -> memref<1x2x128xi32, #tpu.memory_space<vmem>>
    %dma_wait3A_932 = tpu.memref_squeeze %dma_wait3A_931 : memref<1x2x128xi32, #tpu.memory_space<vmem>> -> memref<2x128xi32, #tpu.memory_space<vmem>>
    %dma_wait3A_933 = arith.constant 0 : i32
    %dma_wait3A_934 = tpu.memref_slice %arg2[%dma_wait3A_933, %mul3A_297] : memref<2x160000xi32, #tpu.memory_space<hbm>> -> memref<2x128xi32, #tpu.memory_space<hbm>>
    %dma_wait3A_935 = arith.constant 0 : i32
    %dma_wait3A_936 = arith.constant 0 : i32
    %dma_wait3A_937 = tpu.memref_slice %arg4[%dma_wait3A_928, %dma_wait3A_935, %dma_wait3A_936] : memref<40x2x128xi32, #tpu.memory_space<vmem>> -> memref<1x2x128xi32, #tpu.memory_space<vmem>>
    %dma_wait3A_938 = tpu.memref_squeeze %dma_wait3A_937 : memref<1x2x128xi32, #tpu.memory_space<vmem>> -> memref<2x128xi32, #tpu.memory_space<vmem>>
    %dma_wait3A_939 = arith.constant 0 : i32
    %dma_wait3A_940 = tpu.memref_slice %arg2[%dma_wait3A_939, %mul3A_297] : memref<2x160000xi32, #tpu.memory_space<hbm>> -> memref<2x128xi32, #tpu.memory_space<hbm>>
    tpu.wait_dma2 semaphore(%arg8 : memref<!tpu.dma_semaphore, #tpu.memory_space<semaphore_mem>>) src(%dma_wait3A_940 : memref<2x128xi32, #tpu.memory_space<hbm>>) dst(%dma_wait3A_938 : memref<2x128xi32, #tpu.memory_space<vmem>>)
    %dma_wait3A_941 = arith.constant 18 : i32
    %dma_wait3A_942 = arith.constant 0 : i32
    %dma_wait3A_943 = arith.constant 0 : i32
    %dma_wait3A_944 = tpu.memref_slice %arg4[%dma_wait3A_941, %dma_wait3A_942, %dma_wait3A_943] : memref<40x2x128xi32, #tpu.memory_space<vmem>> -> memref<1x2x128xi32, #tpu.memory_space<vmem>>
    %dma_wait3A_945 = tpu.memref_squeeze %dma_wait3A_944 : memref<1x2x128xi32, #tpu.memory_space<vmem>> -> memref<2x128xi32, #tpu.memory_space<vmem>>
    %dma_wait3A_946 = arith.constant 0 : i32
    %dma_wait3A_947 = tpu.memref_slice %arg2[%dma_wait3A_946, %mul3A_314] : memref<2x160000xi32, #tpu.memory_space<hbm>> -> memref<2x128xi32, #tpu.memory_space<hbm>>
    %dma_wait3A_948 = arith.constant 0 : i32
    %dma_wait3A_949 = arith.constant 0 : i32
    %dma_wait3A_950 = tpu.memref_slice %arg4[%dma_wait3A_941, %dma_wait3A_948, %dma_wait3A_949] : memref<40x2x128xi32, #tpu.memory_space<vmem>> -> memref<1x2x128xi32, #tpu.memory_space<vmem>>
    %dma_wait3A_951 = tpu.memref_squeeze %dma_wait3A_950 : memref<1x2x128xi32, #tpu.memory_space<vmem>> -> memref<2x128xi32, #tpu.memory_space<vmem>>
    %dma_wait3A_952 = arith.constant 0 : i32
    %dma_wait3A_953 = tpu.memref_slice %arg2[%dma_wait3A_952, %mul3A_314] : memref<2x160000xi32, #tpu.memory_space<hbm>> -> memref<2x128xi32, #tpu.memory_space<hbm>>
    tpu.wait_dma2 semaphore(%arg8 : memref<!tpu.dma_semaphore, #tpu.memory_space<semaphore_mem>>) src(%dma_wait3A_953 : memref<2x128xi32, #tpu.memory_space<hbm>>) dst(%dma_wait3A_951 : memref<2x128xi32, #tpu.memory_space<vmem>>)
    %dma_wait3A_954 = arith.constant 19 : i32
    %dma_wait3A_955 = arith.constant 0 : i32
    %dma_wait3A_956 = arith.constant 0 : i32
    %dma_wait3A_957 = tpu.memref_slice %arg4[%dma_wait3A_954, %dma_wait3A_955, %dma_wait3A_956] : memref<40x2x128xi32, #tpu.memory_space<vmem>> -> memref<1x2x128xi32, #tpu.memory_space<vmem>>
    %dma_wait3A_958 = tpu.memref_squeeze %dma_wait3A_957 : memref<1x2x128xi32, #tpu.memory_space<vmem>> -> memref<2x128xi32, #tpu.memory_space<vmem>>
    %dma_wait3A_959 = arith.constant 0 : i32
    %dma_wait3A_960 = tpu.memref_slice %arg2[%dma_wait3A_959, %mul3A_331] : memref<2x160000xi32, #tpu.memory_space<hbm>> -> memref<2x128xi32, #tpu.memory_space<hbm>>
    %dma_wait3A_961 = arith.constant 0 : i32
    %dma_wait3A_962 = arith.constant 0 : i32
    %dma_wait3A_963 = tpu.memref_slice %arg4[%dma_wait3A_954, %dma_wait3A_961, %dma_wait3A_962] : memref<40x2x128xi32, #tpu.memory_space<vmem>> -> memref<1x2x128xi32, #tpu.memory_space<vmem>>
    %dma_wait3A_964 = tpu.memref_squeeze %dma_wait3A_963 : memref<1x2x128xi32, #tpu.memory_space<vmem>> -> memref<2x128xi32, #tpu.memory_space<vmem>>
    %dma_wait3A_965 = arith.constant 0 : i32
    %dma_wait3A_966 = tpu.memref_slice %arg2[%dma_wait3A_965, %mul3A_331] : memref<2x160000xi32, #tpu.memory_space<hbm>> -> memref<2x128xi32, #tpu.memory_space<hbm>>
    tpu.wait_dma2 semaphore(%arg8 : memref<!tpu.dma_semaphore, #tpu.memory_space<semaphore_mem>>) src(%dma_wait3A_966 : memref<2x128xi32, #tpu.memory_space<hbm>>) dst(%dma_wait3A_964 : memref<2x128xi32, #tpu.memory_space<vmem>>)
    %dma_wait3A_967 = arith.constant 20 : i32
    %dma_wait3A_968 = arith.constant 0 : i32
    %dma_wait3A_969 = arith.constant 0 : i32
    %dma_wait3A_970 = tpu.memref_slice %arg4[%dma_wait3A_967, %dma_wait3A_968, %dma_wait3A_969] : memref<40x2x128xi32, #tpu.memory_space<vmem>> -> memref<1x2x128xi32, #tpu.memory_space<vmem>>
    %dma_wait3A_971 = tpu.memref_squeeze %dma_wait3A_970 : memref<1x2x128xi32, #tpu.memory_space<vmem>> -> memref<2x128xi32, #tpu.memory_space<vmem>>
    %dma_wait3A_972 = arith.constant 0 : i32
    %dma_wait3A_973 = tpu.memref_slice %arg2[%dma_wait3A_972, %mul3A_348] : memref<2x160000xi32, #tpu.memory_space<hbm>> -> memref<2x128xi32, #tpu.memory_space<hbm>>
    %dma_wait3A_974 = arith.constant 0 : i32
    %dma_wait3A_975 = arith.constant 0 : i32
    %dma_wait3A_976 = tpu.memref_slice %arg4[%dma_wait3A_967, %dma_wait3A_974, %dma_wait3A_975] : memref<40x2x128xi32, #tpu.memory_space<vmem>> -> memref<1x2x128xi32, #tpu.memory_space<vmem>>
    %dma_wait3A_977 = tpu.memref_squeeze %dma_wait3A_976 : memref<1x2x128xi32, #tpu.memory_space<vmem>> -> memref<2x128xi32, #tpu.memory_space<vmem>>
    %dma_wait3A_978 = arith.constant 0 : i32
    %dma_wait3A_979 = tpu.memref_slice %arg2[%dma_wait3A_978, %mul3A_348] : memref<2x160000xi32, #tpu.memory_space<hbm>> -> memref<2x128xi32, #tpu.memory_space<hbm>>
    tpu.wait_dma2 semaphore(%arg8 : memref<!tpu.dma_semaphore, #tpu.memory_space<semaphore_mem>>) src(%dma_wait3A_979 : memref<2x128xi32, #tpu.memory_space<hbm>>) dst(%dma_wait3A_977 : memref<2x128xi32, #tpu.memory_space<vmem>>)
    %dma_wait3A_980 = arith.constant 21 : i32
    %dma_wait3A_981 = arith.constant 0 : i32
    %dma_wait3A_982 = arith.constant 0 : i32
    %dma_wait3A_983 = tpu.memref_slice %arg4[%dma_wait3A_980, %dma_wait3A_981, %dma_wait3A_982] : memref<40x2x128xi32, #tpu.memory_space<vmem>> -> memref<1x2x128xi32, #tpu.memory_space<vmem>>
    %dma_wait3A_984 = tpu.memref_squeeze %dma_wait3A_983 : memref<1x2x128xi32, #tpu.memory_space<vmem>> -> memref<2x128xi32, #tpu.memory_space<vmem>>
    %dma_wait3A_985 = arith.constant 0 : i32
    %dma_wait3A_986 = tpu.memref_slice %arg2[%dma_wait3A_985, %mul3A_365] : memref<2x160000xi32, #tpu.memory_space<hbm>> -> memref<2x128xi32, #tpu.memory_space<hbm>>
    %dma_wait3A_987 = arith.constant 0 : i32
    %dma_wait3A_988 = arith.constant 0 : i32
    %dma_wait3A_989 = tpu.memref_slice %arg4[%dma_wait3A_980, %dma_wait3A_987, %dma_wait3A_988] : memref<40x2x128xi32, #tpu.memory_space<vmem>> -> memref<1x2x128xi32, #tpu.memory_space<vmem>>
    %dma_wait3A_990 = tpu.memref_squeeze %dma_wait3A_989 : memref<1x2x128xi32, #tpu.memory_space<vmem>> -> memref<2x128xi32, #tpu.memory_space<vmem>>
    %dma_wait3A_991 = arith.constant 0 : i32
    %dma_wait3A_992 = tpu.memref_slice %arg2[%dma_wait3A_991, %mul3A_365] : memref<2x160000xi32, #tpu.memory_space<hbm>> -> memref<2x128xi32, #tpu.memory_space<hbm>>
    tpu.wait_dma2 semaphore(%arg8 : memref<!tpu.dma_semaphore, #tpu.memory_space<semaphore_mem>>) src(%dma_wait3A_992 : memref<2x128xi32, #tpu.memory_space<hbm>>) dst(%dma_wait3A_990 : memref<2x128xi32, #tpu.memory_space<vmem>>)
    %dma_wait3A_993 = arith.constant 22 : i32
    %dma_wait3A_994 = arith.constant 0 : i32
    %dma_wait3A_995 = arith.constant 0 : i32
    %dma_wait3A_996 = tpu.memref_slice %arg4[%dma_wait3A_993, %dma_wait3A_994, %dma_wait3A_995] : memref<40x2x128xi32, #tpu.memory_space<vmem>> -> memref<1x2x128xi32, #tpu.memory_space<vmem>>
    %dma_wait3A_997 = tpu.memref_squeeze %dma_wait3A_996 : memref<1x2x128xi32, #tpu.memory_space<vmem>> -> memref<2x128xi32, #tpu.memory_space<vmem>>
    %dma_wait3A_998 = arith.constant 0 : i32
    %dma_wait3A_999 = tpu.memref_slice %arg2[%dma_wait3A_998, %mul3A_382] : memref<2x160000xi32, #tpu.memory_space<hbm>> -> memref<2x128xi32, #tpu.memory_space<hbm>>
    %dma_wait3A_1000 = arith.constant 0 : i32
    %dma_wait3A_1001 = arith.constant 0 : i32
    %dma_wait3A_1002 = tpu.memref_slice %arg4[%dma_wait3A_993, %dma_wait3A_1000, %dma_wait3A_1001] : memref<40x2x128xi32, #tpu.memory_space<vmem>> -> memref<1x2x128xi32, #tpu.memory_space<vmem>>
    %dma_wait3A_1003 = tpu.memref_squeeze %dma_wait3A_1002 : memref<1x2x128xi32, #tpu.memory_space<vmem>> -> memref<2x128xi32, #tpu.memory_space<vmem>>
    %dma_wait3A_1004 = arith.constant 0 : i32
    %dma_wait3A_1005 = tpu.memref_slice %arg2[%dma_wait3A_1004, %mul3A_382] : memref<2x160000xi32, #tpu.memory_space<hbm>> -> memref<2x128xi32, #tpu.memory_space<hbm>>
    tpu.wait_dma2 semaphore(%arg8 : memref<!tpu.dma_semaphore, #tpu.memory_space<semaphore_mem>>) src(%dma_wait3A_1005 : memref<2x128xi32, #tpu.memory_space<hbm>>) dst(%dma_wait3A_1003 : memref<2x128xi32, #tpu.memory_space<vmem>>)
    %dma_wait3A_1006 = arith.constant 23 : i32
    %dma_wait3A_1007 = arith.constant 0 : i32
    %dma_wait3A_1008 = arith.constant 0 : i32
    %dma_wait3A_1009 = tpu.memref_slice %arg4[%dma_wait3A_1006, %dma_wait3A_1007, %dma_wait3A_1008] : memref<40x2x128xi32, #tpu.memory_space<vmem>> -> memref<1x2x128xi32, #tpu.memory_space<vmem>>
    %dma_wait3A_1010 = tpu.memref_squeeze %dma_wait3A_1009 : memref<1x2x128xi32, #tpu.memory_space<vmem>> -> memref<2x128xi32, #tpu.memory_space<vmem>>
    %dma_wait3A_1011 = arith.constant 0 : i32
    %dma_wait3A_1012 = tpu.memref_slice %arg2[%dma_wait3A_1011, %mul3A_399] : memref<2x160000xi32, #tpu.memory_space<hbm>> -> memref<2x128xi32, #tpu.memory_space<hbm>>
    %dma_wait3A_1013 = arith.constant 0 : i32
    %dma_wait3A_1014 = arith.constant 0 : i32
    %dma_wait3A_1015 = tpu.memref_slice %arg4[%dma_wait3A_1006, %dma_wait3A_1013, %dma_wait3A_1014] : memref<40x2x128xi32, #tpu.memory_space<vmem>> -> memref<1x2x128xi32, #tpu.memory_space<vmem>>
    %dma_wait3A_1016 = tpu.memref_squeeze %dma_wait3A_1015 : memref<1x2x128xi32, #tpu.memory_space<vmem>> -> memref<2x128xi32, #tpu.memory_space<vmem>>
    %dma_wait3A_1017 = arith.constant 0 : i32
    %dma_wait3A_1018 = tpu.memref_slice %arg2[%dma_wait3A_1017, %mul3A_399] : memref<2x160000xi32, #tpu.memory_space<hbm>> -> memref<2x128xi32, #tpu.memory_space<hbm>>
    tpu.wait_dma2 semaphore(%arg8 : memref<!tpu.dma_semaphore, #tpu.memory_space<semaphore_mem>>) src(%dma_wait3A_1018 : memref<2x128xi32, #tpu.memory_space<hbm>>) dst(%dma_wait3A_1016 : memref<2x128xi32, #tpu.memory_space<vmem>>)
    %dma_wait3A_1019 = arith.constant 24 : i32
    %dma_wait3A_1020 = arith.constant 0 : i32
    %dma_wait3A_1021 = arith.constant 0 : i32
    %dma_wait3A_1022 = tpu.memref_slice %arg4[%dma_wait3A_1019, %dma_wait3A_1020, %dma_wait3A_1021] : memref<40x2x128xi32, #tpu.memory_space<vmem>> -> memref<1x2x128xi32, #tpu.memory_space<vmem>>
    %dma_wait3A_1023 = tpu.memref_squeeze %dma_wait3A_1022 : memref<1x2x128xi32, #tpu.memory_space<vmem>> -> memref<2x128xi32, #tpu.memory_space<vmem>>
    %dma_wait3A_1024 = arith.constant 0 : i32
    %dma_wait3A_1025 = tpu.memref_slice %arg2[%dma_wait3A_1024, %mul3A_416] : memref<2x160000xi32, #tpu.memory_space<hbm>> -> memref<2x128xi32, #tpu.memory_space<hbm>>
    %dma_wait3A_1026 = arith.constant 0 : i32
    %dma_wait3A_1027 = arith.constant 0 : i32
    %dma_wait3A_1028 = tpu.memref_slice %arg4[%dma_wait3A_1019, %dma_wait3A_1026, %dma_wait3A_1027] : memref<40x2x128xi32, #tpu.memory_space<vmem>> -> memref<1x2x128xi32, #tpu.memory_space<vmem>>
    %dma_wait3A_1029 = tpu.memref_squeeze %dma_wait3A_1028 : memref<1x2x128xi32, #tpu.memory_space<vmem>> -> memref<2x128xi32, #tpu.memory_space<vmem>>
    %dma_wait3A_1030 = arith.constant 0 : i32
    %dma_wait3A_1031 = tpu.memref_slice %arg2[%dma_wait3A_1030, %mul3A_416] : memref<2x160000xi32, #tpu.memory_space<hbm>> -> memref<2x128xi32, #tpu.memory_space<hbm>>
    tpu.wait_dma2 semaphore(%arg8 : memref<!tpu.dma_semaphore, #tpu.memory_space<semaphore_mem>>) src(%dma_wait3A_1031 : memref<2x128xi32, #tpu.memory_space<hbm>>) dst(%dma_wait3A_1029 : memref<2x128xi32, #tpu.memory_space<vmem>>)
    %dma_wait3A_1032 = arith.constant 25 : i32
    %dma_wait3A_1033 = arith.constant 0 : i32
    %dma_wait3A_1034 = arith.constant 0 : i32
    %dma_wait3A_1035 = tpu.memref_slice %arg4[%dma_wait3A_1032, %dma_wait3A_1033, %dma_wait3A_1034] : memref<40x2x128xi32, #tpu.memory_space<vmem>> -> memref<1x2x128xi32, #tpu.memory_space<vmem>>
    %dma_wait3A_1036 = tpu.memref_squeeze %dma_wait3A_1035 : memref<1x2x128xi32, #tpu.memory_space<vmem>> -> memref<2x128xi32, #tpu.memory_space<vmem>>
    %dma_wait3A_1037 = arith.constant 0 : i32
    %dma_wait3A_1038 = tpu.memref_slice %arg2[%dma_wait3A_1037, %mul3A_433] : memref<2x160000xi32, #tpu.memory_space<hbm>> -> memref<2x128xi32, #tpu.memory_space<hbm>>
    %dma_wait3A_1039 = arith.constant 0 : i32
    %dma_wait3A_1040 = arith.constant 0 : i32
    %dma_wait3A_1041 = tpu.memref_slice %arg4[%dma_wait3A_1032, %dma_wait3A_1039, %dma_wait3A_1040] : memref<40x2x128xi32, #tpu.memory_space<vmem>> -> memref<1x2x128xi32, #tpu.memory_space<vmem>>
    %dma_wait3A_1042 = tpu.memref_squeeze %dma_wait3A_1041 : memref<1x2x128xi32, #tpu.memory_space<vmem>> -> memref<2x128xi32, #tpu.memory_space<vmem>>
    %dma_wait3A_1043 = arith.constant 0 : i32
    %dma_wait3A_1044 = tpu.memref_slice %arg2[%dma_wait3A_1043, %mul3A_433] : memref<2x160000xi32, #tpu.memory_space<hbm>> -> memref<2x128xi32, #tpu.memory_space<hbm>>
    tpu.wait_dma2 semaphore(%arg8 : memref<!tpu.dma_semaphore, #tpu.memory_space<semaphore_mem>>) src(%dma_wait3A_1044 : memref<2x128xi32, #tpu.memory_space<hbm>>) dst(%dma_wait3A_1042 : memref<2x128xi32, #tpu.memory_space<vmem>>)
    %dma_wait3A_1045 = arith.constant 26 : i32
    %dma_wait3A_1046 = arith.constant 0 : i32
    %dma_wait3A_1047 = arith.constant 0 : i32
    %dma_wait3A_1048 = tpu.memref_slice %arg4[%dma_wait3A_1045, %dma_wait3A_1046, %dma_wait3A_1047] : memref<40x2x128xi32, #tpu.memory_space<vmem>> -> memref<1x2x128xi32, #tpu.memory_space<vmem>>
    %dma_wait3A_1049 = tpu.memref_squeeze %dma_wait3A_1048 : memref<1x2x128xi32, #tpu.memory_space<vmem>> -> memref<2x128xi32, #tpu.memory_space<vmem>>
    %dma_wait3A_1050 = arith.constant 0 : i32
    %dma_wait3A_1051 = tpu.memref_slice %arg2[%dma_wait3A_1050, %mul3A_450] : memref<2x160000xi32, #tpu.memory_space<hbm>> -> memref<2x128xi32, #tpu.memory_space<hbm>>
    %dma_wait3A_1052 = arith.constant 0 : i32
    %dma_wait3A_1053 = arith.constant 0 : i32
    %dma_wait3A_1054 = tpu.memref_slice %arg4[%dma_wait3A_1045, %dma_wait3A_1052, %dma_wait3A_1053] : memref<40x2x128xi32, #tpu.memory_space<vmem>> -> memref<1x2x128xi32, #tpu.memory_space<vmem>>
    %dma_wait3A_1055 = tpu.memref_squeeze %dma_wait3A_1054 : memref<1x2x128xi32, #tpu.memory_space<vmem>> -> memref<2x128xi32, #tpu.memory_space<vmem>>
    %dma_wait3A_1056 = arith.constant 0 : i32
    %dma_wait3A_1057 = tpu.memref_slice %arg2[%dma_wait3A_1056, %mul3A_450] : memref<2x160000xi32, #tpu.memory_space<hbm>> -> memref<2x128xi32, #tpu.memory_space<hbm>>
    tpu.wait_dma2 semaphore(%arg8 : memref<!tpu.dma_semaphore, #tpu.memory_space<semaphore_mem>>) src(%dma_wait3A_1057 : memref<2x128xi32, #tpu.memory_space<hbm>>) dst(%dma_wait3A_1055 : memref<2x128xi32, #tpu.memory_space<vmem>>)
    %dma_wait3A_1058 = arith.constant 27 : i32
    %dma_wait3A_1059 = arith.constant 0 : i32
    %dma_wait3A_1060 = arith.constant 0 : i32
    %dma_wait3A_1061 = tpu.memref_slice %arg4[%dma_wait3A_1058, %dma_wait3A_1059, %dma_wait3A_1060] : memref<40x2x128xi32, #tpu.memory_space<vmem>> -> memref<1x2x128xi32, #tpu.memory_space<vmem>>
    %dma_wait3A_1062 = tpu.memref_squeeze %dma_wait3A_1061 : memref<1x2x128xi32, #tpu.memory_space<vmem>> -> memref<2x128xi32, #tpu.memory_space<vmem>>
    %dma_wait3A_1063 = arith.constant 0 : i32
    %dma_wait3A_1064 = tpu.memref_slice %arg2[%dma_wait3A_1063, %mul3A_467] : memref<2x160000xi32, #tpu.memory_space<hbm>> -> memref<2x128xi32, #tpu.memory_space<hbm>>
    %dma_wait3A_1065 = arith.constant 0 : i32
    %dma_wait3A_1066 = arith.constant 0 : i32
    %dma_wait3A_1067 = tpu.memref_slice %arg4[%dma_wait3A_1058, %dma_wait3A_1065, %dma_wait3A_1066] : memref<40x2x128xi32, #tpu.memory_space<vmem>> -> memref<1x2x128xi32, #tpu.memory_space<vmem>>
    %dma_wait3A_1068 = tpu.memref_squeeze %dma_wait3A_1067 : memref<1x2x128xi32, #tpu.memory_space<vmem>> -> memref<2x128xi32, #tpu.memory_space<vmem>>
    %dma_wait3A_1069 = arith.constant 0 : i32
    %dma_wait3A_1070 = tpu.memref_slice %arg2[%dma_wait3A_1069, %mul3A_467] : memref<2x160000xi32, #tpu.memory_space<hbm>> -> memref<2x128xi32, #tpu.memory_space<hbm>>
    tpu.wait_dma2 semaphore(%arg8 : memref<!tpu.dma_semaphore, #tpu.memory_space<semaphore_mem>>) src(%dma_wait3A_1070 : memref<2x128xi32, #tpu.memory_space<hbm>>) dst(%dma_wait3A_1068 : memref<2x128xi32, #tpu.memory_space<vmem>>)
    %dma_wait3A_1071 = arith.constant 28 : i32
    %dma_wait3A_1072 = arith.constant 0 : i32
    %dma_wait3A_1073 = arith.constant 0 : i32
    %dma_wait3A_1074 = tpu.memref_slice %arg4[%dma_wait3A_1071, %dma_wait3A_1072, %dma_wait3A_1073] : memref<40x2x128xi32, #tpu.memory_space<vmem>> -> memref<1x2x128xi32, #tpu.memory_space<vmem>>
    %dma_wait3A_1075 = tpu.memref_squeeze %dma_wait3A_1074 : memref<1x2x128xi32, #tpu.memory_space<vmem>> -> memref<2x128xi32, #tpu.memory_space<vmem>>
    %dma_wait3A_1076 = arith.constant 0 : i32
    %dma_wait3A_1077 = tpu.memref_slice %arg2[%dma_wait3A_1076, %mul3A_484] : memref<2x160000xi32, #tpu.memory_space<hbm>> -> memref<2x128xi32, #tpu.memory_space<hbm>>
    %dma_wait3A_1078 = arith.constant 0 : i32
    %dma_wait3A_1079 = arith.constant 0 : i32
    %dma_wait3A_1080 = tpu.memref_slice %arg4[%dma_wait3A_1071, %dma_wait3A_1078, %dma_wait3A_1079] : memref<40x2x128xi32, #tpu.memory_space<vmem>> -> memref<1x2x128xi32, #tpu.memory_space<vmem>>
    %dma_wait3A_1081 = tpu.memref_squeeze %dma_wait3A_1080 : memref<1x2x128xi32, #tpu.memory_space<vmem>> -> memref<2x128xi32, #tpu.memory_space<vmem>>
    %dma_wait3A_1082 = arith.constant 0 : i32
    %dma_wait3A_1083 = tpu.memref_slice %arg2[%dma_wait3A_1082, %mul3A_484] : memref<2x160000xi32, #tpu.memory_space<hbm>> -> memref<2x128xi32, #tpu.memory_space<hbm>>
    tpu.wait_dma2 semaphore(%arg8 : memref<!tpu.dma_semaphore, #tpu.memory_space<semaphore_mem>>) src(%dma_wait3A_1083 : memref<2x128xi32, #tpu.memory_space<hbm>>) dst(%dma_wait3A_1081 : memref<2x128xi32, #tpu.memory_space<vmem>>)
    %dma_wait3A_1084 = arith.constant 29 : i32
    %dma_wait3A_1085 = arith.constant 0 : i32
    %dma_wait3A_1086 = arith.constant 0 : i32
    %dma_wait3A_1087 = tpu.memref_slice %arg4[%dma_wait3A_1084, %dma_wait3A_1085, %dma_wait3A_1086] : memref<40x2x128xi32, #tpu.memory_space<vmem>> -> memref<1x2x128xi32, #tpu.memory_space<vmem>>
    %dma_wait3A_1088 = tpu.memref_squeeze %dma_wait3A_1087 : memref<1x2x128xi32, #tpu.memory_space<vmem>> -> memref<2x128xi32, #tpu.memory_space<vmem>>
    %dma_wait3A_1089 = arith.constant 0 : i32
    %dma_wait3A_1090 = tpu.memref_slice %arg2[%dma_wait3A_1089, %mul3A_501] : memref<2x160000xi32, #tpu.memory_space<hbm>> -> memref<2x128xi32, #tpu.memory_space<hbm>>
    %dma_wait3A_1091 = arith.constant 0 : i32
    %dma_wait3A_1092 = arith.constant 0 : i32
    %dma_wait3A_1093 = tpu.memref_slice %arg4[%dma_wait3A_1084, %dma_wait3A_1091, %dma_wait3A_1092] : memref<40x2x128xi32, #tpu.memory_space<vmem>> -> memref<1x2x128xi32, #tpu.memory_space<vmem>>
    %dma_wait3A_1094 = tpu.memref_squeeze %dma_wait3A_1093 : memref<1x2x128xi32, #tpu.memory_space<vmem>> -> memref<2x128xi32, #tpu.memory_space<vmem>>
    %dma_wait3A_1095 = arith.constant 0 : i32
    %dma_wait3A_1096 = tpu.memref_slice %arg2[%dma_wait3A_1095, %mul3A_501] : memref<2x160000xi32, #tpu.memory_space<hbm>> -> memref<2x128xi32, #tpu.memory_space<hbm>>
    tpu.wait_dma2 semaphore(%arg8 : memref<!tpu.dma_semaphore, #tpu.memory_space<semaphore_mem>>) src(%dma_wait3A_1096 : memref<2x128xi32, #tpu.memory_space<hbm>>) dst(%dma_wait3A_1094 : memref<2x128xi32, #tpu.memory_space<vmem>>)
    %dma_wait3A_1097 = arith.constant 30 : i32
    %dma_wait3A_1098 = arith.constant 0 : i32
    %dma_wait3A_1099 = arith.constant 0 : i32
    %dma_wait3A_1100 = tpu.memref_slice %arg4[%dma_wait3A_1097, %dma_wait3A_1098, %dma_wait3A_1099] : memref<40x2x128xi32, #tpu.memory_space<vmem>> -> memref<1x2x128xi32, #tpu.memory_space<vmem>>
    %dma_wait3A_1101 = tpu.memref_squeeze %dma_wait3A_1100 : memref<1x2x128xi32, #tpu.memory_space<vmem>> -> memref<2x128xi32, #tpu.memory_space<vmem>>
    %dma_wait3A_1102 = arith.constant 0 : i32
    %dma_wait3A_1103 = tpu.memref_slice %arg2[%dma_wait3A_1102, %mul3A_518] : memref<2x160000xi32, #tpu.memory_space<hbm>> -> memref<2x128xi32, #tpu.memory_space<hbm>>
    %dma_wait3A_1104 = arith.constant 0 : i32
    %dma_wait3A_1105 = arith.constant 0 : i32
    %dma_wait3A_1106 = tpu.memref_slice %arg4[%dma_wait3A_1097, %dma_wait3A_1104, %dma_wait3A_1105] : memref<40x2x128xi32, #tpu.memory_space<vmem>> -> memref<1x2x128xi32, #tpu.memory_space<vmem>>
    %dma_wait3A_1107 = tpu.memref_squeeze %dma_wait3A_1106 : memref<1x2x128xi32, #tpu.memory_space<vmem>> -> memref<2x128xi32, #tpu.memory_space<vmem>>
    %dma_wait3A_1108 = arith.constant 0 : i32
    %dma_wait3A_1109 = tpu.memref_slice %arg2[%dma_wait3A_1108, %mul3A_518] : memref<2x160000xi32, #tpu.memory_space<hbm>> -> memref<2x128xi32, #tpu.memory_space<hbm>>
    tpu.wait_dma2 semaphore(%arg8 : memref<!tpu.dma_semaphore, #tpu.memory_space<semaphore_mem>>) src(%dma_wait3A_1109 : memref<2x128xi32, #tpu.memory_space<hbm>>) dst(%dma_wait3A_1107 : memref<2x128xi32, #tpu.memory_space<vmem>>)
    %dma_wait3A_1110 = arith.constant 31 : i32
    %dma_wait3A_1111 = arith.constant 0 : i32
    %dma_wait3A_1112 = arith.constant 0 : i32
    %dma_wait3A_1113 = tpu.memref_slice %arg4[%dma_wait3A_1110, %dma_wait3A_1111, %dma_wait3A_1112] : memref<40x2x128xi32, #tpu.memory_space<vmem>> -> memref<1x2x128xi32, #tpu.memory_space<vmem>>
    %dma_wait3A_1114 = tpu.memref_squeeze %dma_wait3A_1113 : memref<1x2x128xi32, #tpu.memory_space<vmem>> -> memref<2x128xi32, #tpu.memory_space<vmem>>
    %dma_wait3A_1115 = arith.constant 0 : i32
    %dma_wait3A_1116 = tpu.memref_slice %arg2[%dma_wait3A_1115, %mul3A_535] : memref<2x160000xi32, #tpu.memory_space<hbm>> -> memref<2x128xi32, #tpu.memory_space<hbm>>
    %dma_wait3A_1117 = arith.constant 0 : i32
    %dma_wait3A_1118 = arith.constant 0 : i32
    %dma_wait3A_1119 = tpu.memref_slice %arg4[%dma_wait3A_1110, %dma_wait3A_1117, %dma_wait3A_1118] : memref<40x2x128xi32, #tpu.memory_space<vmem>> -> memref<1x2x128xi32, #tpu.memory_space<vmem>>
    %dma_wait3A_1120 = tpu.memref_squeeze %dma_wait3A_1119 : memref<1x2x128xi32, #tpu.memory_space<vmem>> -> memref<2x128xi32, #tpu.memory_space<vmem>>
    %dma_wait3A_1121 = arith.constant 0 : i32
    %dma_wait3A_1122 = tpu.memref_slice %arg2[%dma_wait3A_1121, %mul3A_535] : memref<2x160000xi32, #tpu.memory_space<hbm>> -> memref<2x128xi32, #tpu.memory_space<hbm>>
    tpu.wait_dma2 semaphore(%arg8 : memref<!tpu.dma_semaphore, #tpu.memory_space<semaphore_mem>>) src(%dma_wait3A_1122 : memref<2x128xi32, #tpu.memory_space<hbm>>) dst(%dma_wait3A_1120 : memref<2x128xi32, #tpu.memory_space<vmem>>)
    %dma_wait3A_1123 = arith.constant 32 : i32
    %dma_wait3A_1124 = arith.constant 0 : i32
    %dma_wait3A_1125 = arith.constant 0 : i32
    %dma_wait3A_1126 = tpu.memref_slice %arg4[%dma_wait3A_1123, %dma_wait3A_1124, %dma_wait3A_1125] : memref<40x2x128xi32, #tpu.memory_space<vmem>> -> memref<1x2x128xi32, #tpu.memory_space<vmem>>
    %dma_wait3A_1127 = tpu.memref_squeeze %dma_wait3A_1126 : memref<1x2x128xi32, #tpu.memory_space<vmem>> -> memref<2x128xi32, #tpu.memory_space<vmem>>
    %dma_wait3A_1128 = arith.constant 0 : i32
    %dma_wait3A_1129 = tpu.memref_slice %arg2[%dma_wait3A_1128, %mul3A_552] : memref<2x160000xi32, #tpu.memory_space<hbm>> -> memref<2x128xi32, #tpu.memory_space<hbm>>
    %dma_wait3A_1130 = arith.constant 0 : i32
    %dma_wait3A_1131 = arith.constant 0 : i32
    %dma_wait3A_1132 = tpu.memref_slice %arg4[%dma_wait3A_1123, %dma_wait3A_1130, %dma_wait3A_1131] : memref<40x2x128xi32, #tpu.memory_space<vmem>> -> memref<1x2x128xi32, #tpu.memory_space<vmem>>
    %dma_wait3A_1133 = tpu.memref_squeeze %dma_wait3A_1132 : memref<1x2x128xi32, #tpu.memory_space<vmem>> -> memref<2x128xi32, #tpu.memory_space<vmem>>
    %dma_wait3A_1134 = arith.constant 0 : i32
    %dma_wait3A_1135 = tpu.memref_slice %arg2[%dma_wait3A_1134, %mul3A_552] : memref<2x160000xi32, #tpu.memory_space<hbm>> -> memref<2x128xi32, #tpu.memory_space<hbm>>
    tpu.wait_dma2 semaphore(%arg8 : memref<!tpu.dma_semaphore, #tpu.memory_space<semaphore_mem>>) src(%dma_wait3A_1135 : memref<2x128xi32, #tpu.memory_space<hbm>>) dst(%dma_wait3A_1133 : memref<2x128xi32, #tpu.memory_space<vmem>>)
    %dma_wait3A_1136 = arith.constant 33 : i32
    %dma_wait3A_1137 = arith.constant 0 : i32
    %dma_wait3A_1138 = arith.constant 0 : i32
    %dma_wait3A_1139 = tpu.memref_slice %arg4[%dma_wait3A_1136, %dma_wait3A_1137, %dma_wait3A_1138] : memref<40x2x128xi32, #tpu.memory_space<vmem>> -> memref<1x2x128xi32, #tpu.memory_space<vmem>>
    %dma_wait3A_1140 = tpu.memref_squeeze %dma_wait3A_1139 : memref<1x2x128xi32, #tpu.memory_space<vmem>> -> memref<2x128xi32, #tpu.memory_space<vmem>>
    %dma_wait3A_1141 = arith.constant 0 : i32
    %dma_wait3A_1142 = tpu.memref_slice %arg2[%dma_wait3A_1141, %mul3A_569] : memref<2x160000xi32, #tpu.memory_space<hbm>> -> memref<2x128xi32, #tpu.memory_space<hbm>>
    %dma_wait3A_1143 = arith.constant 0 : i32
    %dma_wait3A_1144 = arith.constant 0 : i32
    %dma_wait3A_1145 = tpu.memref_slice %arg4[%dma_wait3A_1136, %dma_wait3A_1143, %dma_wait3A_1144] : memref<40x2x128xi32, #tpu.memory_space<vmem>> -> memref<1x2x128xi32, #tpu.memory_space<vmem>>
    %dma_wait3A_1146 = tpu.memref_squeeze %dma_wait3A_1145 : memref<1x2x128xi32, #tpu.memory_space<vmem>> -> memref<2x128xi32, #tpu.memory_space<vmem>>
    %dma_wait3A_1147 = arith.constant 0 : i32
    %dma_wait3A_1148 = tpu.memref_slice %arg2[%dma_wait3A_1147, %mul3A_569] : memref<2x160000xi32, #tpu.memory_space<hbm>> -> memref<2x128xi32, #tpu.memory_space<hbm>>
    tpu.wait_dma2 semaphore(%arg8 : memref<!tpu.dma_semaphore, #tpu.memory_space<semaphore_mem>>) src(%dma_wait3A_1148 : memref<2x128xi32, #tpu.memory_space<hbm>>) dst(%dma_wait3A_1146 : memref<2x128xi32, #tpu.memory_space<vmem>>)
    %dma_wait3A_1149 = arith.constant 34 : i32
    %dma_wait3A_1150 = arith.constant 0 : i32
    %dma_wait3A_1151 = arith.constant 0 : i32
    %dma_wait3A_1152 = tpu.memref_slice %arg4[%dma_wait3A_1149, %dma_wait3A_1150, %dma_wait3A_1151] : memref<40x2x128xi32, #tpu.memory_space<vmem>> -> memref<1x2x128xi32, #tpu.memory_space<vmem>>
    %dma_wait3A_1153 = tpu.memref_squeeze %dma_wait3A_1152 : memref<1x2x128xi32, #tpu.memory_space<vmem>> -> memref<2x128xi32, #tpu.memory_space<vmem>>
    %dma_wait3A_1154 = arith.constant 0 : i32
    %dma_wait3A_1155 = tpu.memref_slice %arg2[%dma_wait3A_1154, %mul3A_586] : memref<2x160000xi32, #tpu.memory_space<hbm>> -> memref<2x128xi32, #tpu.memory_space<hbm>>
    %dma_wait3A_1156 = arith.constant 0 : i32
    %dma_wait3A_1157 = arith.constant 0 : i32
    %dma_wait3A_1158 = tpu.memref_slice %arg4[%dma_wait3A_1149, %dma_wait3A_1156, %dma_wait3A_1157] : memref<40x2x128xi32, #tpu.memory_space<vmem>> -> memref<1x2x128xi32, #tpu.memory_space<vmem>>
    %dma_wait3A_1159 = tpu.memref_squeeze %dma_wait3A_1158 : memref<1x2x128xi32, #tpu.memory_space<vmem>> -> memref<2x128xi32, #tpu.memory_space<vmem>>
    %dma_wait3A_1160 = arith.constant 0 : i32
    %dma_wait3A_1161 = tpu.memref_slice %arg2[%dma_wait3A_1160, %mul3A_586] : memref<2x160000xi32, #tpu.memory_space<hbm>> -> memref<2x128xi32, #tpu.memory_space<hbm>>
    tpu.wait_dma2 semaphore(%arg8 : memref<!tpu.dma_semaphore, #tpu.memory_space<semaphore_mem>>) src(%dma_wait3A_1161 : memref<2x128xi32, #tpu.memory_space<hbm>>) dst(%dma_wait3A_1159 : memref<2x128xi32, #tpu.memory_space<vmem>>)
    %dma_wait3A_1162 = arith.constant 35 : i32
    %dma_wait3A_1163 = arith.constant 0 : i32
    %dma_wait3A_1164 = arith.constant 0 : i32
    %dma_wait3A_1165 = tpu.memref_slice %arg4[%dma_wait3A_1162, %dma_wait3A_1163, %dma_wait3A_1164] : memref<40x2x128xi32, #tpu.memory_space<vmem>> -> memref<1x2x128xi32, #tpu.memory_space<vmem>>
    %dma_wait3A_1166 = tpu.memref_squeeze %dma_wait3A_1165 : memref<1x2x128xi32, #tpu.memory_space<vmem>> -> memref<2x128xi32, #tpu.memory_space<vmem>>
    %dma_wait3A_1167 = arith.constant 0 : i32
    %dma_wait3A_1168 = tpu.memref_slice %arg2[%dma_wait3A_1167, %mul3A_603] : memref<2x160000xi32, #tpu.memory_space<hbm>> -> memref<2x128xi32, #tpu.memory_space<hbm>>
    %dma_wait3A_1169 = arith.constant 0 : i32
    %dma_wait3A_1170 = arith.constant 0 : i32
    %dma_wait3A_1171 = tpu.memref_slice %arg4[%dma_wait3A_1162, %dma_wait3A_1169, %dma_wait3A_1170] : memref<40x2x128xi32, #tpu.memory_space<vmem>> -> memref<1x2x128xi32, #tpu.memory_space<vmem>>
    %dma_wait3A_1172 = tpu.memref_squeeze %dma_wait3A_1171 : memref<1x2x128xi32, #tpu.memory_space<vmem>> -> memref<2x128xi32, #tpu.memory_space<vmem>>
    %dma_wait3A_1173 = arith.constant 0 : i32
    %dma_wait3A_1174 = tpu.memref_slice %arg2[%dma_wait3A_1173, %mul3A_603] : memref<2x160000xi32, #tpu.memory_space<hbm>> -> memref<2x128xi32, #tpu.memory_space<hbm>>
    tpu.wait_dma2 semaphore(%arg8 : memref<!tpu.dma_semaphore, #tpu.memory_space<semaphore_mem>>) src(%dma_wait3A_1174 : memref<2x128xi32, #tpu.memory_space<hbm>>) dst(%dma_wait3A_1172 : memref<2x128xi32, #tpu.memory_space<vmem>>)
    %dma_wait3A_1175 = arith.constant 36 : i32
    %dma_wait3A_1176 = arith.constant 0 : i32
    %dma_wait3A_1177 = arith.constant 0 : i32
    %dma_wait3A_1178 = tpu.memref_slice %arg4[%dma_wait3A_1175, %dma_wait3A_1176, %dma_wait3A_1177] : memref<40x2x128xi32, #tpu.memory_space<vmem>> -> memref<1x2x128xi32, #tpu.memory_space<vmem>>
    %dma_wait3A_1179 = tpu.memref_squeeze %dma_wait3A_1178 : memref<1x2x128xi32, #tpu.memory_space<vmem>> -> memref<2x128xi32, #tpu.memory_space<vmem>>
    %dma_wait3A_1180 = arith.constant 0 : i32
    %dma_wait3A_1181 = tpu.memref_slice %arg2[%dma_wait3A_1180, %mul3A_620] : memref<2x160000xi32, #tpu.memory_space<hbm>> -> memref<2x128xi32, #tpu.memory_space<hbm>>
    %dma_wait3A_1182 = arith.constant 0 : i32
    %dma_wait3A_1183 = arith.constant 0 : i32
    %dma_wait3A_1184 = tpu.memref_slice %arg4[%dma_wait3A_1175, %dma_wait3A_1182, %dma_wait3A_1183] : memref<40x2x128xi32, #tpu.memory_space<vmem>> -> memref<1x2x128xi32, #tpu.memory_space<vmem>>
    %dma_wait3A_1185 = tpu.memref_squeeze %dma_wait3A_1184 : memref<1x2x128xi32, #tpu.memory_space<vmem>> -> memref<2x128xi32, #tpu.memory_space<vmem>>
    %dma_wait3A_1186 = arith.constant 0 : i32
    %dma_wait3A_1187 = tpu.memref_slice %arg2[%dma_wait3A_1186, %mul3A_620] : memref<2x160000xi32, #tpu.memory_space<hbm>> -> memref<2x128xi32, #tpu.memory_space<hbm>>
    tpu.wait_dma2 semaphore(%arg8 : memref<!tpu.dma_semaphore, #tpu.memory_space<semaphore_mem>>) src(%dma_wait3A_1187 : memref<2x128xi32, #tpu.memory_space<hbm>>) dst(%dma_wait3A_1185 : memref<2x128xi32, #tpu.memory_space<vmem>>)
    %dma_wait3A_1188 = arith.constant 37 : i32
    %dma_wait3A_1189 = arith.constant 0 : i32
    %dma_wait3A_1190 = arith.constant 0 : i32
    %dma_wait3A_1191 = tpu.memref_slice %arg4[%dma_wait3A_1188, %dma_wait3A_1189, %dma_wait3A_1190] : memref<40x2x128xi32, #tpu.memory_space<vmem>> -> memref<1x2x128xi32, #tpu.memory_space<vmem>>
    %dma_wait3A_1192 = tpu.memref_squeeze %dma_wait3A_1191 : memref<1x2x128xi32, #tpu.memory_space<vmem>> -> memref<2x128xi32, #tpu.memory_space<vmem>>
    %dma_wait3A_1193 = arith.constant 0 : i32
    %dma_wait3A_1194 = tpu.memref_slice %arg2[%dma_wait3A_1193, %mul3A_637] : memref<2x160000xi32, #tpu.memory_space<hbm>> -> memref<2x128xi32, #tpu.memory_space<hbm>>
    %dma_wait3A_1195 = arith.constant 0 : i32
    %dma_wait3A_1196 = arith.constant 0 : i32
    %dma_wait3A_1197 = tpu.memref_slice %arg4[%dma_wait3A_1188, %dma_wait3A_1195, %dma_wait3A_1196] : memref<40x2x128xi32, #tpu.memory_space<vmem>> -> memref<1x2x128xi32, #tpu.memory_space<vmem>>
    %dma_wait3A_1198 = tpu.memref_squeeze %dma_wait3A_1197 : memref<1x2x128xi32, #tpu.memory_space<vmem>> -> memref<2x128xi32, #tpu.memory_space<vmem>>
    %dma_wait3A_1199 = arith.constant 0 : i32
    %dma_wait3A_1200 = tpu.memref_slice %arg2[%dma_wait3A_1199, %mul3A_637] : memref<2x160000xi32, #tpu.memory_space<hbm>> -> memref<2x128xi32, #tpu.memory_space<hbm>>
    tpu.wait_dma2 semaphore(%arg8 : memref<!tpu.dma_semaphore, #tpu.memory_space<semaphore_mem>>) src(%dma_wait3A_1200 : memref<2x128xi32, #tpu.memory_space<hbm>>) dst(%dma_wait3A_1198 : memref<2x128xi32, #tpu.memory_space<vmem>>)
    %dma_wait3A_1201 = arith.constant 38 : i32
    %dma_wait3A_1202 = arith.constant 0 : i32
    %dma_wait3A_1203 = arith.constant 0 : i32
    %dma_wait3A_1204 = tpu.memref_slice %arg4[%dma_wait3A_1201, %dma_wait3A_1202, %dma_wait3A_1203] : memref<40x2x128xi32, #tpu.memory_space<vmem>> -> memref<1x2x128xi32, #tpu.memory_space<vmem>>
    %dma_wait3A_1205 = tpu.memref_squeeze %dma_wait3A_1204 : memref<1x2x128xi32, #tpu.memory_space<vmem>> -> memref<2x128xi32, #tpu.memory_space<vmem>>
    %dma_wait3A_1206 = arith.constant 0 : i32
    %dma_wait3A_1207 = tpu.memref_slice %arg2[%dma_wait3A_1206, %mul3A_654] : memref<2x160000xi32, #tpu.memory_space<hbm>> -> memref<2x128xi32, #tpu.memory_space<hbm>>
    %dma_wait3A_1208 = arith.constant 0 : i32
    %dma_wait3A_1209 = arith.constant 0 : i32
    %dma_wait3A_1210 = tpu.memref_slice %arg4[%dma_wait3A_1201, %dma_wait3A_1208, %dma_wait3A_1209] : memref<40x2x128xi32, #tpu.memory_space<vmem>> -> memref<1x2x128xi32, #tpu.memory_space<vmem>>
    %dma_wait3A_1211 = tpu.memref_squeeze %dma_wait3A_1210 : memref<1x2x128xi32, #tpu.memory_space<vmem>> -> memref<2x128xi32, #tpu.memory_space<vmem>>
    %dma_wait3A_1212 = arith.constant 0 : i32
    %dma_wait3A_1213 = tpu.memref_slice %arg2[%dma_wait3A_1212, %mul3A_654] : memref<2x160000xi32, #tpu.memory_space<hbm>> -> memref<2x128xi32, #tpu.memory_space<hbm>>
    tpu.wait_dma2 semaphore(%arg8 : memref<!tpu.dma_semaphore, #tpu.memory_space<semaphore_mem>>) src(%dma_wait3A_1213 : memref<2x128xi32, #tpu.memory_space<hbm>>) dst(%dma_wait3A_1211 : memref<2x128xi32, #tpu.memory_space<vmem>>)
    %scan3A_1214 = arith.constant 0 : i32
    %scan3A_1215 = arith.constant 39 : i32
    %scan3A_1216 = arith.addi %scan3A_1214, %scan3A_1215 : i32
    %scan3A_1217 = arith.constant 1 : i32
    scf.for %scan3A_1229 = %scan3A_1214 to %scan3A_1216 step %scan3A_1217  : i32 {
      %mul3A_1230 = arith.constant 1 : i32
      %mul3A_1231 = arith.muli %scan3A_1229, %mul3A_1230 : i32
      %add3A_1232 = arith.constant 0 : i32
      %add3A_1233 = arith.addi %add3A_1232, %mul3A_1231 : i32
      %get3A = arith.constant 1 : i32
      %get3A_1234 = arith.index_cast %add3A_1233 : i32 to index
      %get3A_1235 = arith.index_cast %get3A : i32 to index
      %get3A_1236 = arith.constant 0 : index
      %get3A_1237 = tpu.vector_load %arg4[%get3A_1234, %get3A_1235, %get3A_1236] {strides = array<i32>} : memref<40x2x128xi32, #tpu.memory_space<vmem>>, vector<16xi32>,
      %shift_right_arithmetic3A = arith.constant 7 : i32
      %shift_right_arithmetic3A_1238 = vector.broadcast %shift_right_arithmetic3A : i32 to vector<16xi32>
      %shift_right_arithmetic3A_1239 = arith.shrsi %get3A_1237, %shift_right_arithmetic3A_1238 : vector<16xi32>
      %and3A = arith.constant 127 : i32
      %and3A_1240 = vector.broadcast %and3A : i32 to vector<16xi32>
      %and3A_1241 = arith.andi %get3A_1237, %and3A_1240 : vector<16xi32>
      tpu.vector_store_idx %arg5[%shift_right_arithmetic3A_1239, %and3A_1241], %broadcast_in_dim3A_5 {add = true} : memref<80x128xi32, #tpu.memory_space<vmem>>[vector<16xi32>, vector<16xi32>], vector<16xi32>,
      %get3A_1242 = arith.constant 1 : i32
      %get3A_1243 = arith.index_cast %add3A_1233 : i32 to index
      %get3A_1244 = arith.index_cast %get3A_1242 : i32 to index
      %get3A_1245 = arith.constant 16 : index
      %get3A_1246 = tpu.vector_load %arg4[%get3A_1243, %get3A_1244, %get3A_1245] {strides = array<i32>} : memref<40x2x128xi32, #tpu.memory_space<vmem>>, vector<16xi32>,
      %shift_right_arithmetic3A_1247 = arith.constant 7 : i32
      %shift_right_arithmetic3A_1248 = vector.broadcast %shift_right_arithmetic3A_1247 : i32 to vector<16xi32>
      %shift_right_arithmetic3A_1249 = arith.shrsi %get3A_1246, %shift_right_arithmetic3A_1248 : vector<16xi32>
      %and3A_1250 = arith.constant 127 : i32
      %and3A_1251 = vector.broadcast %and3A_1250 : i32 to vector<16xi32>
      %and3A_1252 = arith.andi %get3A_1246, %and3A_1251 : vector<16xi32>
      tpu.vector_store_idx %arg5[%shift_right_arithmetic3A_1249, %and3A_1252], %broadcast_in_dim3A_5 {add = true} : memref<80x128xi32, #tpu.memory_space<vmem>>[vector<16xi32>, vector<16xi32>], vector<16xi32>,
      %get3A_1253 = arith.constant 1 : i32
      %get3A_1254 = arith.index_cast %add3A_1233 : i32 to index
      %get3A_1255 = arith.index_cast %get3A_1253 : i32 to index
      %get3A_1256 = arith.constant 32 : index
      %get3A_1257 = tpu.vector_load %arg4[%get3A_1254, %get3A_1255, %get3A_1256] {strides = array<i32>} : memref<40x2x128xi32, #tpu.memory_space<vmem>>, vector<16xi32>,
      %shift_right_arithmetic3A_1258 = arith.constant 7 : i32
      %shift_right_arithmetic3A_1259 = vector.broadcast %shift_right_arithmetic3A_1258 : i32 to vector<16xi32>
      %shift_right_arithmetic3A_1260 = arith.shrsi %get3A_1257, %shift_right_arithmetic3A_1259 : vector<16xi32>
      %and3A_1261 = arith.constant 127 : i32
      %and3A_1262 = vector.broadcast %and3A_1261 : i32 to vector<16xi32>
      %and3A_1263 = arith.andi %get3A_1257, %and3A_1262 : vector<16xi32>
      tpu.vector_store_idx %arg5[%shift_right_arithmetic3A_1260, %and3A_1263], %broadcast_in_dim3A_5 {add = true} : memref<80x128xi32, #tpu.memory_space<vmem>>[vector<16xi32>, vector<16xi32>], vector<16xi32>,
      %get3A_1264 = arith.constant 1 : i32
      %get3A_1265 = arith.index_cast %add3A_1233 : i32 to index
      %get3A_1266 = arith.index_cast %get3A_1264 : i32 to index
      %get3A_1267 = arith.constant 48 : index
      %get3A_1268 = tpu.vector_load %arg4[%get3A_1265, %get3A_1266, %get3A_1267] {strides = array<i32>} : memref<40x2x128xi32, #tpu.memory_space<vmem>>, vector<16xi32>,
      %shift_right_arithmetic3A_1269 = arith.constant 7 : i32
      %shift_right_arithmetic3A_1270 = vector.broadcast %shift_right_arithmetic3A_1269 : i32 to vector<16xi32>
      %shift_right_arithmetic3A_1271 = arith.shrsi %get3A_1268, %shift_right_arithmetic3A_1270 : vector<16xi32>
      %and3A_1272 = arith.constant 127 : i32
      %and3A_1273 = vector.broadcast %and3A_1272 : i32 to vector<16xi32>
      %and3A_1274 = arith.andi %get3A_1268, %and3A_1273 : vector<16xi32>
      tpu.vector_store_idx %arg5[%shift_right_arithmetic3A_1271, %and3A_1274], %broadcast_in_dim3A_5 {add = true} : memref<80x128xi32, #tpu.memory_space<vmem>>[vector<16xi32>, vector<16xi32>], vector<16xi32>,
      %get3A_1275 = arith.constant 1 : i32
      %get3A_1276 = arith.index_cast %add3A_1233 : i32 to index
      %get3A_1277 = arith.index_cast %get3A_1275 : i32 to index
      %get3A_1278 = arith.constant 64 : index
      %get3A_1279 = tpu.vector_load %arg4[%get3A_1276, %get3A_1277, %get3A_1278] {strides = array<i32>} : memref<40x2x128xi32, #tpu.memory_space<vmem>>, vector<16xi32>,
      %shift_right_arithmetic3A_1280 = arith.constant 7 : i32
      %shift_right_arithmetic3A_1281 = vector.broadcast %shift_right_arithmetic3A_1280 : i32 to vector<16xi32>
      %shift_right_arithmetic3A_1282 = arith.shrsi %get3A_1279, %shift_right_arithmetic3A_1281 : vector<16xi32>
      %and3A_1283 = arith.constant 127 : i32
      %and3A_1284 = vector.broadcast %and3A_1283 : i32 to vector<16xi32>
      %and3A_1285 = arith.andi %get3A_1279, %and3A_1284 : vector<16xi32>
      tpu.vector_store_idx %arg5[%shift_right_arithmetic3A_1282, %and3A_1285], %broadcast_in_dim3A_5 {add = true} : memref<80x128xi32, #tpu.memory_space<vmem>>[vector<16xi32>, vector<16xi32>], vector<16xi32>,
      %get3A_1286 = arith.constant 1 : i32
      %get3A_1287 = arith.index_cast %add3A_1233 : i32 to index
      %get3A_1288 = arith.index_cast %get3A_1286 : i32 to index
      %get3A_1289 = arith.constant 80 : index
      %get3A_1290 = tpu.vector_load %arg4[%get3A_1287, %get3A_1288, %get3A_1289] {strides = array<i32>} : memref<40x2x128xi32, #tpu.memory_space<vmem>>, vector<16xi32>,
      %shift_right_arithmetic3A_1291 = arith.constant 7 : i32
      %shift_right_arithmetic3A_1292 = vector.broadcast %shift_right_arithmetic3A_1291 : i32 to vector<16xi32>
      %shift_right_arithmetic3A_1293 = arith.shrsi %get3A_1290, %shift_right_arithmetic3A_1292 : vector<16xi32>
      %and3A_1294 = arith.constant 127 : i32
      %and3A_1295 = vector.broadcast %and3A_1294 : i32 to vector<16xi32>
      %and3A_1296 = arith.andi %get3A_1290, %and3A_1295 : vector<16xi32>
      tpu.vector_store_idx %arg5[%shift_right_arithmetic3A_1293, %and3A_1296], %broadcast_in_dim3A_5 {add = true} : memref<80x128xi32, #tpu.memory_space<vmem>>[vector<16xi32>, vector<16xi32>], vector<16xi32>,
      %get3A_1297 = arith.constant 1 : i32
      %get3A_1298 = arith.index_cast %add3A_1233 : i32 to index
      %get3A_1299 = arith.index_cast %get3A_1297 : i32 to index
      %get3A_1300 = arith.constant 96 : index
      %get3A_1301 = tpu.vector_load %arg4[%get3A_1298, %get3A_1299, %get3A_1300] {strides = array<i32>} : memref<40x2x128xi32, #tpu.memory_space<vmem>>, vector<16xi32>,
      %shift_right_arithmetic3A_1302 = arith.constant 7 : i32
      %shift_right_arithmetic3A_1303 = vector.broadcast %shift_right_arithmetic3A_1302 : i32 to vector<16xi32>
      %shift_right_arithmetic3A_1304 = arith.shrsi %get3A_1301, %shift_right_arithmetic3A_1303 : vector<16xi32>
      %and3A_1305 = arith.constant 127 : i32
      %and3A_1306 = vector.broadcast %and3A_1305 : i32 to vector<16xi32>
      %and3A_1307 = arith.andi %get3A_1301, %and3A_1306 : vector<16xi32>
      tpu.vector_store_idx %arg5[%shift_right_arithmetic3A_1304, %and3A_1307], %broadcast_in_dim3A_5 {add = true} : memref<80x128xi32, #tpu.memory_space<vmem>>[vector<16xi32>, vector<16xi32>], vector<16xi32>,
      %get3A_1308 = arith.constant 1 : i32
      %get3A_1309 = arith.index_cast %add3A_1233 : i32 to index
      %get3A_1310 = arith.index_cast %get3A_1308 : i32 to index
      %get3A_1311 = arith.constant 112 : index
      %get3A_1312 = tpu.vector_load %arg4[%get3A_1309, %get3A_1310, %get3A_1311] {strides = array<i32>} : memref<40x2x128xi32, #tpu.memory_space<vmem>>, vector<16xi32>,
      %shift_right_arithmetic3A_1313 = arith.constant 7 : i32
      %shift_right_arithmetic3A_1314 = vector.broadcast %shift_right_arithmetic3A_1313 : i32 to vector<16xi32>
      %shift_right_arithmetic3A_1315 = arith.shrsi %get3A_1312, %shift_right_arithmetic3A_1314 : vector<16xi32>
      %and3A_1316 = arith.constant 127 : i32
      %and3A_1317 = vector.broadcast %and3A_1316 : i32 to vector<16xi32>
      %and3A_1318 = arith.andi %get3A_1312, %and3A_1317 : vector<16xi32>
      tpu.vector_store_idx %arg5[%shift_right_arithmetic3A_1315, %and3A_1318], %broadcast_in_dim3A_5 {add = true} : memref<80x128xi32, #tpu.memory_space<vmem>>[vector<16xi32>, vector<16xi32>], vector<16xi32>,
    }
    %scan3A_1218 = arith.constant 39 : i32
    %convert_element_type3A_1219 = arith.extui %lt3A_668 : i1 to i32
    %cond3A_1220 = arith.constant 39 : i32
    %cond3A_1221 = arith.constant 0 : i32
    %cond3A_1222 = arith.cmpi ne, %convert_element_type3A_1219, %cond3A_1221 : i32
    scf.if %cond3A_1222 {
      %dma_wait3A_1229 = arith.constant 0 : i32
      %dma_wait3A_1230 = arith.constant 0 : i32
      %dma_wait3A_1231 = tpu.memref_slice %arg4[%cond3A_1220, %dma_wait3A_1229, %dma_wait3A_1230] : memref<40x2x128xi32, #tpu.memory_space<vmem>> -> memref<1x2x128xi32, #tpu.memory_space<vmem>>
      %dma_wait3A_1232 = tpu.memref_squeeze %dma_wait3A_1231 : memref<1x2x128xi32, #tpu.memory_space<vmem>> -> memref<2x128xi32, #tpu.memory_space<vmem>>
      %dma_wait3A_1233 = arith.constant 0 : i32
      %dma_wait3A_1234 = tpu.memref_slice %arg2[%dma_wait3A_1233, %mul3A_673] : memref<2x160000xi32, #tpu.memory_space<hbm>> -> memref<2x128xi32, #tpu.memory_space<hbm>>
      %dma_wait3A_1235 = arith.constant 0 : i32
      %dma_wait3A_1236 = arith.constant 0 : i32
      %dma_wait3A_1237 = tpu.memref_slice %arg4[%cond3A_1220, %dma_wait3A_1235, %dma_wait3A_1236] : memref<40x2x128xi32, #tpu.memory_space<vmem>> -> memref<1x2x128xi32, #tpu.memory_space<vmem>>
      %dma_wait3A_1238 = tpu.memref_squeeze %dma_wait3A_1237 : memref<1x2x128xi32, #tpu.memory_space<vmem>> -> memref<2x128xi32, #tpu.memory_space<vmem>>
      %dma_wait3A_1239 = arith.constant 0 : i32
      %dma_wait3A_1240 = tpu.memref_slice %arg2[%dma_wait3A_1239, %mul3A_673] : memref<2x160000xi32, #tpu.memory_space<hbm>> -> memref<2x128xi32, #tpu.memory_space<hbm>>
      tpu.wait_dma2 semaphore(%arg8 : memref<!tpu.dma_semaphore, #tpu.memory_space<semaphore_mem>>) src(%dma_wait3A_1240 : memref<2x128xi32, #tpu.memory_space<hbm>>) dst(%dma_wait3A_1238 : memref<2x128xi32, #tpu.memory_space<vmem>>)
      %get3A = arith.constant 39 : i32
      %get3A_1241 = arith.constant 1 : i32
      %get3A_1242 = arith.index_cast %get3A : i32 to index
      %get3A_1243 = arith.index_cast %get3A_1241 : i32 to index
      %get3A_1244 = arith.constant 0 : index
      %get3A_1245 = tpu.vector_load %arg4[%get3A_1242, %get3A_1243, %get3A_1244] {strides = array<i32>} : memref<40x2x128xi32, #tpu.memory_space<vmem>>, vector<16xi32>,
      %shift_right_arithmetic3A = arith.constant 7 : i32
      %shift_right_arithmetic3A_1246 = vector.broadcast %shift_right_arithmetic3A : i32 to vector<16xi32>
      %shift_right_arithmetic3A_1247 = arith.shrsi %get3A_1245, %shift_right_arithmetic3A_1246 : vector<16xi32>
      %and3A = arith.constant 127 : i32
      %and3A_1248 = vector.broadcast %and3A : i32 to vector<16xi32>
      %and3A_1249 = arith.andi %get3A_1245, %and3A_1248 : vector<16xi32>
      tpu.vector_store_idx %arg5[%shift_right_arithmetic3A_1247, %and3A_1249], %broadcast_in_dim3A_5 {add = true} : memref<80x128xi32, #tpu.memory_space<vmem>>[vector<16xi32>, vector<16xi32>], vector<16xi32>,
      %get3A_1250 = arith.constant 39 : i32
      %get3A_1251 = arith.constant 1 : i32
      %get3A_1252 = arith.index_cast %get3A_1250 : i32 to index
      %get3A_1253 = arith.index_cast %get3A_1251 : i32 to index
      %get3A_1254 = arith.constant 16 : index
      %get3A_1255 = tpu.vector_load %arg4[%get3A_1252, %get3A_1253, %get3A_1254] {strides = array<i32>} : memref<40x2x128xi32, #tpu.memory_space<vmem>>, vector<16xi32>,
      %shift_right_arithmetic3A_1256 = arith.constant 7 : i32
      %shift_right_arithmetic3A_1257 = vector.broadcast %shift_right_arithmetic3A_1256 : i32 to vector<16xi32>
      %shift_right_arithmetic3A_1258 = arith.shrsi %get3A_1255, %shift_right_arithmetic3A_1257 : vector<16xi32>
      %and3A_1259 = arith.constant 127 : i32
      %and3A_1260 = vector.broadcast %and3A_1259 : i32 to vector<16xi32>
      %and3A_1261 = arith.andi %get3A_1255, %and3A_1260 : vector<16xi32>
      tpu.vector_store_idx %arg5[%shift_right_arithmetic3A_1258, %and3A_1261], %broadcast_in_dim3A_5 {add = true} : memref<80x128xi32, #tpu.memory_space<vmem>>[vector<16xi32>, vector<16xi32>], vector<16xi32>,
      %get3A_1262 = arith.constant 39 : i32
      %get3A_1263 = arith.constant 1 : i32
      %get3A_1264 = arith.index_cast %get3A_1262 : i32 to index
      %get3A_1265 = arith.index_cast %get3A_1263 : i32 to index
      %get3A_1266 = arith.constant 32 : index
      %get3A_1267 = tpu.vector_load %arg4[%get3A_1264, %get3A_1265, %get3A_1266] {strides = array<i32>} : memref<40x2x128xi32, #tpu.memory_space<vmem>>, vector<16xi32>,
      %shift_right_arithmetic3A_1268 = arith.constant 7 : i32
      %shift_right_arithmetic3A_1269 = vector.broadcast %shift_right_arithmetic3A_1268 : i32 to vector<16xi32>
      %shift_right_arithmetic3A_1270 = arith.shrsi %get3A_1267, %shift_right_arithmetic3A_1269 : vector<16xi32>
      %and3A_1271 = arith.constant 127 : i32
      %and3A_1272 = vector.broadcast %and3A_1271 : i32 to vector<16xi32>
      %and3A_1273 = arith.andi %get3A_1267, %and3A_1272 : vector<16xi32>
      tpu.vector_store_idx %arg5[%shift_right_arithmetic3A_1270, %and3A_1273], %broadcast_in_dim3A_5 {add = true} : memref<80x128xi32, #tpu.memory_space<vmem>>[vector<16xi32>, vector<16xi32>], vector<16xi32>,
      %get3A_1274 = arith.constant 39 : i32
      %get3A_1275 = arith.constant 1 : i32
      %get3A_1276 = arith.index_cast %get3A_1274 : i32 to index
      %get3A_1277 = arith.index_cast %get3A_1275 : i32 to index
      %get3A_1278 = arith.constant 48 : index
      %get3A_1279 = tpu.vector_load %arg4[%get3A_1276, %get3A_1277, %get3A_1278] {strides = array<i32>} : memref<40x2x128xi32, #tpu.memory_space<vmem>>, vector<16xi32>,
      %shift_right_arithmetic3A_1280 = arith.constant 7 : i32
      %shift_right_arithmetic3A_1281 = vector.broadcast %shift_right_arithmetic3A_1280 : i32 to vector<16xi32>
      %shift_right_arithmetic3A_1282 = arith.shrsi %get3A_1279, %shift_right_arithmetic3A_1281 : vector<16xi32>
      %and3A_1283 = arith.constant 127 : i32
      %and3A_1284 = vector.broadcast %and3A_1283 : i32 to vector<16xi32>
      %and3A_1285 = arith.andi %get3A_1279, %and3A_1284 : vector<16xi32>
      tpu.vector_store_idx %arg5[%shift_right_arithmetic3A_1282, %and3A_1285], %broadcast_in_dim3A_5 {add = true} : memref<80x128xi32, #tpu.memory_space<vmem>>[vector<16xi32>, vector<16xi32>], vector<16xi32>,
      %get3A_1286 = arith.constant 39 : i32
      %get3A_1287 = arith.constant 1 : i32
      %get3A_1288 = arith.index_cast %get3A_1286 : i32 to index
      %get3A_1289 = arith.index_cast %get3A_1287 : i32 to index
      %get3A_1290 = arith.constant 64 : index
      %get3A_1291 = tpu.vector_load %arg4[%get3A_1288, %get3A_1289, %get3A_1290] {strides = array<i32>} : memref<40x2x128xi32, #tpu.memory_space<vmem>>, vector<16xi32>,
      %shift_right_arithmetic3A_1292 = arith.constant 7 : i32
      %shift_right_arithmetic3A_1293 = vector.broadcast %shift_right_arithmetic3A_1292 : i32 to vector<16xi32>
      %shift_right_arithmetic3A_1294 = arith.shrsi %get3A_1291, %shift_right_arithmetic3A_1293 : vector<16xi32>
      %and3A_1295 = arith.constant 127 : i32
      %and3A_1296 = vector.broadcast %and3A_1295 : i32 to vector<16xi32>
      %and3A_1297 = arith.andi %get3A_1291, %and3A_1296 : vector<16xi32>
      tpu.vector_store_idx %arg5[%shift_right_arithmetic3A_1294, %and3A_1297], %broadcast_in_dim3A_5 {add = true} : memref<80x128xi32, #tpu.memory_space<vmem>>[vector<16xi32>, vector<16xi32>], vector<16xi32>,
      %get3A_1298 = arith.constant 39 : i32
      %get3A_1299 = arith.constant 1 : i32
      %get3A_1300 = arith.index_cast %get3A_1298 : i32 to index
      %get3A_1301 = arith.index_cast %get3A_1299 : i32 to index
      %get3A_1302 = arith.constant 80 : index
      %get3A_1303 = tpu.vector_load %arg4[%get3A_1300, %get3A_1301, %get3A_1302] {strides = array<i32>} : memref<40x2x128xi32, #tpu.memory_space<vmem>>, vector<16xi32>,
      %shift_right_arithmetic3A_1304 = arith.constant 7 : i32
      %shift_right_arithmetic3A_1305 = vector.broadcast %shift_right_arithmetic3A_1304 : i32 to vector<16xi32>
      %shift_right_arithmetic3A_1306 = arith.shrsi %get3A_1303, %shift_right_arithmetic3A_1305 : vector<16xi32>
      %and3A_1307 = arith.constant 127 : i32
      %and3A_1308 = vector.broadcast %and3A_1307 : i32 to vector<16xi32>
      %and3A_1309 = arith.andi %get3A_1303, %and3A_1308 : vector<16xi32>
      tpu.vector_store_idx %arg5[%shift_right_arithmetic3A_1306, %and3A_1309], %broadcast_in_dim3A_5 {add = true} : memref<80x128xi32, #tpu.memory_space<vmem>>[vector<16xi32>, vector<16xi32>], vector<16xi32>,
      %get3A_1310 = arith.constant 39 : i32
      %get3A_1311 = arith.constant 1 : i32
      %get3A_1312 = arith.index_cast %get3A_1310 : i32 to index
      %get3A_1313 = arith.index_cast %get3A_1311 : i32 to index
      %get3A_1314 = arith.constant 96 : index
      %get3A_1315 = tpu.vector_load %arg4[%get3A_1312, %get3A_1313, %get3A_1314] {strides = array<i32>} : memref<40x2x128xi32, #tpu.memory_space<vmem>>, vector<16xi32>,
      %shift_right_arithmetic3A_1316 = arith.constant 7 : i32
      %shift_right_arithmetic3A_1317 = vector.broadcast %shift_right_arithmetic3A_1316 : i32 to vector<16xi32>
      %shift_right_arithmetic3A_1318 = arith.shrsi %get3A_1315, %shift_right_arithmetic3A_1317 : vector<16xi32>
      %and3A_1319 = arith.constant 127 : i32
      %and3A_1320 = vector.broadcast %and3A_1319 : i32 to vector<16xi32>
      %and3A_1321 = arith.andi %get3A_1315, %and3A_1320 : vector<16xi32>
      tpu.vector_store_idx %arg5[%shift_right_arithmetic3A_1318, %and3A_1321], %broadcast_in_dim3A_5 {add = true} : memref<80x128xi32, #tpu.memory_space<vmem>>[vector<16xi32>, vector<16xi32>], vector<16xi32>,
      %get3A_1322 = arith.constant 39 : i32
      %get3A_1323 = arith.constant 1 : i32
      %get3A_1324 = arith.index_cast %get3A_1322 : i32 to index
      %get3A_1325 = arith.index_cast %get3A_1323 : i32 to index
      %get3A_1326 = arith.constant 112 : index
      %get3A_1327 = tpu.vector_load %arg4[%get3A_1324, %get3A_1325, %get3A_1326] {strides = array<i32>} : memref<40x2x128xi32, #tpu.memory_space<vmem>>, vector<16xi32>,
      %shift_right_arithmetic3A_1328 = arith.constant 7 : i32
      %shift_right_arithmetic3A_1329 = vector.broadcast %shift_right_arithmetic3A_1328 : i32 to vector<16xi32>
      %shift_right_arithmetic3A_1330 = arith.shrsi %get3A_1327, %shift_right_arithmetic3A_1329 : vector<16xi32>
      %and3A_1331 = arith.constant 127 : i32
      %and3A_1332 = vector.broadcast %and3A_1331 : i32 to vector<16xi32>
      %and3A_1333 = arith.andi %get3A_1327, %and3A_1332 : vector<16xi32>
      tpu.vector_store_idx %arg5[%shift_right_arithmetic3A_1330, %and3A_1333], %broadcast_in_dim3A_5 {add = true} : memref<80x128xi32, #tpu.memory_space<vmem>>[vector<16xi32>, vector<16xi32>], vector<16xi32>,
    } else {
    }
    "tpu.region"() ({
      %run_scoped3A = tpu.sem_alloc : memref<!tpu.dma_semaphore, #tpu.memory_space<semaphore_mem>>
      %dma_start3A_1229 = arith.constant 0 : i32
      %dma_start3A_1230 = arith.constant 0 : i32
      %dma_start3A_1231 = tpu.memref_slice %arg7[%dma_start3A_1229, %dma_start3A_1230] : memref<80x128xi32, #tpu.memory_space<vmem_shared>> -> memref<80x128xi32, #tpu.memory_space<vmem_shared>>
      tpu.enqueue_indirect_dma source(%arg5 : memref<80x128xi32, #tpu.memory_space<vmem>>) target(%dma_start3A_1231 : memref<80x128xi32, #tpu.memory_space<vmem_shared>>) offsets(%arg6 : memref<80xi32, #tpu.memory_space<vmem>>) semaphore(%run_scoped3A : memref<!tpu.dma_semaphore, #tpu.memory_space<semaphore_mem>>) {add = true}
      %dma_wait3A_1232 = arith.constant 0 : i32
      %dma_wait3A_1233 = arith.constant 0 : i32
      %dma_wait3A_1234 = tpu.memref_slice %arg7[%dma_wait3A_1232, %dma_wait3A_1233] : memref<80x128xi32, #tpu.memory_space<vmem_shared>> -> memref<80x128xi32, #tpu.memory_space<vmem_shared>>
      tpu.wait_indirect_dma semaphore(%run_scoped3A : memref<!tpu.dma_semaphore, #tpu.memory_space<semaphore_mem>>) src(%arg5 : memref<80x128xi32, #tpu.memory_space<vmem>>) dst(%dma_wait3A_1234 : memref<80x128xi32, #tpu.memory_space<vmem_shared>>)
      tpu.yield
    }) : () -> ()
    %barrier3A_1223 = arith.constant 0 : index
    tpu.barrier barrier_id(%barrier3A_1223)
    %eq3A_1224 = arith.constant 0 : i32
    %eq3A_1225 = arith.cmpi eq, %arg1, %eq3A_1224 : i32
    %convert_element_type3A_1226 = arith.extui %eq3A_1225 : i1 to i32
    %cond3A_1227 = arith.constant 0 : i32
    %cond3A_1228 = arith.cmpi ne, %convert_element_type3A_1226, %cond3A_1227 : i32
    scf.if %cond3A_1228 {
      "tpu.region"() ({
        %run_scoped3A = tpu.sem_alloc : memref<!tpu.dma_semaphore, #tpu.memory_space<semaphore_mem>>
        %dma_start3A_1229 = arith.constant 0 : i32
        %dma_start3A_1230 = arith.constant 0 : i32
        %dma_start3A_1231 = tpu.memref_slice %arg3[%arg0, %dma_start3A_1229, %dma_start3A_1230] : memref<2x80x128xi32, #tpu.memory_space<hbm>> -> memref<1x80x128xi32, #tpu.memory_space<hbm>>
        %dma_start3A_1232 = tpu.memref_squeeze %dma_start3A_1231 : memref<1x80x128xi32, #tpu.memory_space<hbm>> -> memref<80x128xi32, #tpu.memory_space<hbm>>
        tpu.enqueue_dma source(%arg7 : memref<80x128xi32, #tpu.memory_space<vmem_shared>>) target(%dma_start3A_1232 : memref<80x128xi32, #tpu.memory_space<hbm>>) target_semaphore(%run_scoped3A : memref<!tpu.dma_semaphore, #tpu.memory_space<semaphore_mem>>)
        %dma_wait3A_1233 = arith.constant 0 : i32
        %dma_wait3A_1234 = arith.constant 0 : i32
        %dma_wait3A_1235 = tpu.memref_slice %arg3[%arg0, %dma_wait3A_1233, %dma_wait3A_1234] : memref<2x80x128xi32, #tpu.memory_space<hbm>> -> memref<1x80x128xi32, #tpu.memory_space<hbm>>
        %dma_wait3A_1236 = tpu.memref_squeeze %dma_wait3A_1235 : memref<1x80x128xi32, #tpu.memory_space<hbm>> -> memref<80x128xi32, #tpu.memory_space<hbm>>
        tpu.wait_dma2 semaphore(%run_scoped3A : memref<!tpu.dma_semaphore, #tpu.memory_space<semaphore_mem>>) src(%arg7 : memref<80x128xi32, #tpu.memory_space<vmem_shared>>) dst(%dma_wait3A_1236 : memref<80x128xi32, #tpu.memory_space<hbm>>)
        tpu.yield
      }) : () -> ()
    } else {
    }
    return
  }
}

module attributes {stable_mosaic.version = 14 : i64} {
  func.func @_tc_body(%arg0: i32, %arg1: memref<5000x256xf32, #tpu.memory_space<vmem>>, %arg2: memref<1x1x5000xi32, #tpu.memory_space<vmem>>, %arg3: memref<256x256xf32, #tpu.memory_space<vmem>>, %arg4: memref<1x256xf32, #tpu.memory_space<vmem>>, %arg5: memref<256x256xf32, #tpu.memory_space<vmem>>, %arg6: memref<5000x256xf32, #tpu.memory_space<vmem>>) attributes {dimension_semantics = [#tpu.dimension_semantics<arbitrary>], iteration_bounds = array<i64: 2>, scalar_prefetch = 0 : i64, scratch_operands = 0 : i64, tpu.core_type = #tpu.core_type<tc>, window_params = [{transform_indices = @transform_0, window_bounds = array<i64: 5000, 256>}, {transform_indices = @transform_1, window_bounds = array<i64: 1, 1, 5000>}, {pipeline_mode = #tpu.pipeline_mode<synchronous>, transform_indices = @transform_2, window_bounds = array<i64: 256, 256>}, {pipeline_mode = #tpu.pipeline_mode<synchronous>, transform_indices = @transform_3, window_bounds = array<i64: 1, 256>}, {pipeline_mode = #tpu.pipeline_mode<synchronous>, transform_indices = @transform_4, window_bounds = array<i64: 256, 256>}, {transform_indices = @transform_5, window_bounds = array<i64: 5000, 256>}]} {
    %get3A = arith.constant 0 : index
    %get3A_0 = arith.constant 0 : index
    %get3A_1 = arith.constant 0 : index
    %get3A_2 = vector.load %arg2[%get3A, %get3A_0, %get3A_1] : memref<1x1x5000xi32, #tpu.memory_space<vmem>>, vector<1x1x5000xi32>
    %get3A_3 = vector.shape_cast %get3A_2 : vector<1x1x5000xi32> to vector<5000xi32>
    %iota3A = tpu.iota {dimensions = array<i32: 0>} : vector<256x5000xi32>
    %broadcast_in_dim3A = vector.shape_cast %get3A_3 : vector<5000xi32> to vector<1x5000xi32>
    %eq3A = vector.broadcast %broadcast_in_dim3A : vector<1x5000xi32> to vector<256x5000xi32>
    %eq3A_4 = arith.cmpi eq, %iota3A, %eq3A : vector<256x5000xi32>
    %convert_element_type3A = arith.extui %eq3A_4 : vector<256x5000xi1> to vector<256x5000xi32>
    %convert_element_type3A_5 = arith.sitofp %convert_element_type3A : vector<256x5000xi32> to vector<256x5000xf32>
    %get3A_6 = arith.constant 0 : index
    %get3A_7 = arith.constant 0 : index
    %get3A_8 = vector.load %arg5[%get3A_6, %get3A_7] : memref<256x256xf32, #tpu.memory_space<vmem>>, vector<256x256xf32>
    %dot_general3A = arith.constant dense<0.000000e+00> : vector<5000x256xf32>
    %dot_general3A_9 = tpu.matmul %convert_element_type3A_5, %get3A_8, %dot_general3A {dimension_numbers = #tpu.dot_dimension_numbers<[0], [0], [1], [1], [0, 1, 1, 1], [], []>, transpose_lhs_hint = false} : vector<256x5000xf32>, vector<256x256xf32>, vector<5000x256xf32> -> vector<5000x256xf32>
    %get3A_10 = arith.constant 0 : index
    %get3A_11 = arith.constant 0 : index
    %get3A_12 = vector.load %arg1[%get3A_10, %get3A_11] : memref<5000x256xf32, #tpu.memory_space<vmem>>, vector<5000x256xf32>
    %get3A_13 = arith.constant 0 : index
    %get3A_14 = arith.constant 0 : index
    %get3A_15 = vector.load %arg3[%get3A_13, %get3A_14] : memref<256x256xf32, #tpu.memory_space<vmem>>, vector<256x256xf32>
    %dot_general3A_16 = arith.constant dense<0.000000e+00> : vector<5000x256xf32>
    %dot_general3A_17 = tpu.matmul %get3A_12, %get3A_15, %dot_general3A_16 {dimension_numbers = #tpu.dot_dimension_numbers<[1], [1], [0], [0], [0, 0, 1, 0], [], []>, transpose_lhs_hint = false} : vector<5000x256xf32>, vector<256x256xf32>, vector<5000x256xf32> -> vector<5000x256xf32>
    %add3A = arith.addf %dot_general3A_17, %dot_general3A_9 : vector<5000x256xf32>
    %get3A_18 = arith.constant 0 : index
    %get3A_19 = arith.constant 0 : index
    %get3A_20 = vector.load %arg4[%get3A_18, %get3A_19] : memref<1x256xf32, #tpu.memory_space<vmem>>, vector<1x256xf32>
    %add3A_21 = vector.broadcast %get3A_20 : vector<1x256xf32> to vector<5000x256xf32>
    %add3A_22 = arith.addf %add3A, %add3A_21 : vector<5000x256xf32>
    %swap3A = arith.constant 0 : index
    %swap3A_23 = arith.constant 0 : index
    %swap3A_24 = vector.load %arg6[%swap3A, %swap3A_23] : memref<5000x256xf32, #tpu.memory_space<vmem>>, vector<5000x256xf32>
    tpu.vector_store %arg6[%swap3A, %swap3A_23], %add3A_22 {strides = array<i32>} : memref<5000x256xf32, #tpu.memory_space<vmem>>, vector<5000x256xf32>,
    return
  }
  func.func @transform_0(%arg0: i32) -> (i32, i32) {
    %c0_i32 = arith.constant 0 : i32
    %c0_i32_0 = arith.constant 0 : i32
    return %arg0, %c0_i32 : i32, i32
  }
  func.func @transform_1(%arg0: i32) -> (i32, i32, i32) {
    %c0_i32 = arith.constant 0 : i32
    %c0_i32_0 = arith.constant 0 : i32
    %c0_i32_1 = arith.constant 0 : i32
    return %arg0, %c0_i32, %c0_i32_0 : i32, i32, i32
  }
  func.func @transform_2(%arg0: i32) -> (i32, i32) {
    %c0_i32 = arith.constant 0 : i32
    %c0_i32_0 = arith.constant 0 : i32
    %c0_i32_1 = arith.constant 0 : i32
    return %c0_i32, %c0_i32_0 : i32, i32
  }
  func.func @transform_3(%arg0: i32) -> (i32, i32) {
    %c0_i32 = arith.constant 0 : i32
    %c0_i32_0 = arith.constant 0 : i32
    %c0_i32_1 = arith.constant 0 : i32
    return %c0_i32, %c0_i32_0 : i32, i32
  }
  func.func @transform_4(%arg0: i32) -> (i32, i32) {
    %c0_i32 = arith.constant 0 : i32
    %c0_i32_0 = arith.constant 0 : i32
    %c0_i32_1 = arith.constant 0 : i32
    return %c0_i32, %c0_i32_0 : i32, i32
  }
  func.func @transform_5(%arg0: i32) -> (i32, i32) {
    %c0_i32 = arith.constant 0 : i32
    %c0_i32_0 = arith.constant 0 : i32
    return %arg0, %c0_i32 : i32, i32
  }
}

</mosaic_0001>

<sc_bundles>
// kernel: kernel.4.cloned.1.call-start
scs
__scs_entry_jumppad:
0x0: {  	(pc) =	sbr.rel $0x88, $3  }
0x1: {  	(tag) =	ssettag $0x0;
	lr =	simm.s32 $0x1  }
0x2: {  	[smem:$0x3F9C] =	sst lr;
	_ =	strace $0xD0000000  }
0x3: {  	_ = 	snop  }
0x4: {  	_ = 	snop  }
0x5: {  	_ = 	snop  }
0x6: {  	_ = 	snop  }
0x7: {  	_ = 	snop  }
__scs_overlays_trampoline_lowered:
0x8: {  	[smem:$0x3FAB] =	sst s0  }
0x9: {  	[smem:$0x3FAC] =	sst s1  }
0xa: {  	[smem:$0x3FAD] =	sst s2  }
0xb: {  	[smem:$0x3FAE] =	sst s3  }
0xc: {  	[smem:$0x3FAF] =	sst s4  }
0xd: {  	[smem:$0x3FB0] =	sst s5  }
0xe: {  	[smem:$0x3FB1] =	sst s6  }
0xf: {  	[smem:$0x3FB2] =	sst s7  }
0x10: {  	[smem:$0x3FB3] =	sst s8  }
0x11: {  	[smem:$0x3FB4] =	sst s9;
	s0 =	simm.s32 @!p0 $0x0  }
0x12: {  	s1 =	sld [smem:$0x3F9A];
	s0 =	simm.s32 @p0 $0x1  }
0x13: {  	[smem:$0x3FB5] =	sst s0;
	s0 =	simm.s32 @!p1 $0x0  }
0x14: {  	s2 =	sld [smem:$0x3F99];
	s0 =	simm.s32 @p1 $0x1  }
0x15: {  	[smem:$0x3FB6] =	sst s0;
	s0 =	simm.s32 @!p2 $0x0  }
0x16: {  	s3 =	sld [smem:$0x3FDB];
	s0 =	simm.s32 @p2 $0x1  }
0x17: {  	s4 =	simm.s32 $0x1BF5;
	[smem:$0x3FB8] =	sst s0  }
0x18: {  	s0 =	sld [smem:$0x3F9B];
	_ =	swait.ge [sflag:s4], $0x0  }
0x19: {  	s7 =	sld [smem:$0x3F9C]  }
0x1a: {  	s8 =	sadd.s32 $0xFFFFE003, lr  }
0x1b: {  	s9 =	sadd.s32 $0xFFFFFEF7, lr;
	s5 =	simm.s32 $0xFFFFFFFF;
	p2 =	slt.u32 s8, $0xFFFFF086  }
0x1c: {  	p1 =	slt.u32 s9, $0xF7A;
	s5 =	simm.s32 @!p2 $0x0  }
0x1d: {  	s5 =	simm.s32 @p1 $0x1;
	p0 =	seq.s32 s7, s2  }
0x1e: {  	s7 =	smul.u32 @!p0 $0xF7A, s2;
	p2 =	seq.s32 @!p0 s5, $0x0  }
0x1f: {  	s9 =	smul.u32 $0xF7A, s1;
	s8 =	simm.s32 @!p0 $0x1BF5;
	p2 =	por !p2, p0  }
0x20: {  	[sflag:s8] =	ssyncset.s32 @!p0 $0xFFFFF086;
	s6 =	sadd.s32 @!p0 s3, s7;
	s7 =	simm.s32 @!p0 $0x108  }
0x21: {  	s3 =	sadd.s32 s3, s9;
	s6 =	sadd.s32 @!p0 $0x88, s6;
	s7 =	simm.s32 @p2 $0x1082  }
0x22: {  	[simem:s7], [sflag:s8] =	dma.local @!p0 [hbm:s6], $0xF7A  }
0x23: {  	s9 =	sor.u32 $0xD0000000, s2;
	s6 =	simm.s32 $0x108;
	_ =	swait.ge @!p0 [sflag:s8], $0x0  }
0x24: {  	s3 =	sadd.s32 $0x88, s3;
	s6 =	simm.s32 @!p1 $0x1082;
	[sflag:s4] =	ssyncset.s32 $0xFFFFF086  }
0x25: {  	[simem:s6], [sflag:s4] =	dma.local [hbm:s3], $0xF7A  }
0x26: {  	[smem:$0x3F9C] =	sst s1;
	(tag) =	ssettag s2;
	_ =	strace s9  }
0x27: {  	s1 =	sld [smem:$0x3FAC]  }
0x28: {  	s2 =	sld [smem:$0x3FAD]  }
0x29: {  	s4 =	sld [smem:$0x3FAF]  }
0x2a: {  	p0 =	seq.s32 s5, $0x0;
	s5 =	sld [smem:$0x3FB0]  }
0x2b: {  	s6 =	sld [smem:$0x3FB1]  }
0x2c: {  	s7 =	sld [smem:$0x3FB2]  }
0x2d: {  	s3 =	simm.s32 $0x108;
	s8 =	sld [smem:$0x3FB3]  }
0x2e: {  	s3 =	simm.s32 @!p0 $0x1082;
	s9 =	sld [smem:$0x3FB4]  }
0x2f: {  	lr =	sadd.s32 s0, s3;
	s0 =	sld [smem:$0x3FAB]  }
0x30: {  	s3 =	sld [smem:$0x3FAE]  }
0x31: {  	[smem:$0x3FB7] =	sst s10  }
0x32: {  	s10 =	sld [smem:$0x3FB5];
	_ =	sdelay $0x3  }
0x33: {  	p0 =	seq.s32 s10, $0x1;
	s10 =	sld [smem:$0x3FB7];
	_ =	sdelay $0x3  }
0x34: {  	[smem:$0x3FB7] =	sst s10  }
0x35: {  	s10 =	sld [smem:$0x3FB6];
	_ =	sdelay $0x3  }
0x36: {  	p1 =	seq.s32 s10, $0x1;
	s10 =	sld [smem:$0x3FB7];
	_ =	sdelay $0x3  }
0x37: {  	[smem:$0x3FB7] =	sst s10  }
0x38: {  	s10 =	sld [smem:$0x3FB8]  }
0x39: {  	_ = 	snop;
	(pc) =	sbr.ind lr, $3  }
0x3a: {  	_ = 	snop  }
0x3b: {  	_ = 	snop  }
0x3c: {  	p2 =	seq.s32 s10, $0x1;
	s10 =	sld [smem:$0x3FB7]  }
0x3d: {  	_ =	shalt  }
0x3e: {  	_ =	shalt  }
0x3f: {  	_ =	shalt  }
0x40: {  	_ =	shalt  }
0x41: {  	_ =	shalt  }
0x42: {  	_ =	shalt  }
0x43: {  	_ =	shalt  }
0x44: {  	_ =	shalt  }
0x45: {  	_ =	shalt  }
0x46: {  	_ =	shalt  }
0x47: {  	_ =	shalt  }
0x48: {  	_ =	shalt  }
0x49: {  	_ =	shalt  }
0x4a: {  	_ =	shalt  }
0x4b: {  	_ =	shalt  }
0x4c: {  	_ =	shalt  }
0x4d: {  	_ =	shalt  }
0x4e: {  	_ =	shalt  }
0x4f: {  	_ =	shalt  }
0x50: {  	_ =	shalt  }
0x51: {  	_ =	shalt  }
0x52: {  	_ =	shalt  }
0x53: {  	_ =	shalt  }
0x54: {  	_ =	shalt  }
0x55: {  	_ =	shalt  }
0x56: {  	_ =	shalt  }
0x57: {  	_ =	shalt  }
0x58: {  	_ =	shalt  }
0x59: {  	_ =	shalt  }
0x5a: {  	_ =	shalt  }
0x5b: {  	_ =	shalt  }
0x5c: {  	_ =	shalt  }
0x5d: {  	_ =	shalt  }
0x5e: {  	_ =	shalt  }
0x5f: {  	_ =	shalt  }
0x60: {  	_ =	shalt  }
0x61: {  	_ =	shalt  }
0x62: {  	_ =	shalt  }
0x63: {  	_ =	shalt  }
0x64: {  	_ =	shalt  }
0x65: {  	_ =	shalt  }
0x66: {  	_ =	shalt  }
0x67: {  	_ =	shalt  }
0x68: {  	_ =	shalt  }
0x69: {  	_ =	shalt  }
0x6a: {  	_ =	shalt  }
0x6b: {  	_ =	shalt  }
0x6c: {  	_ =	shalt  }
0x6d: {  	_ =	shalt  }
0x6e: {  	_ =	shalt  }
0x6f: {  	_ =	shalt  }
0x70: {  	_ =	shalt  }
0x71: {  	_ =	shalt  }
0x72: {  	_ =	shalt  }
0x73: {  	_ =	shalt  }
0x74: {  	_ =	shalt  }
0x75: {  	_ =	shalt  }
0x76: {  	_ =	shalt  }
0x77: {  	_ =	shalt  }
0x78: {  	_ =	shalt  }
0x79: {  	_ =	shalt  }
0x7a: {  	_ =	shalt  }
0x7b: {  	_ =	shalt  }
0x7c: {  	_ =	shalt  }
0x7d: {  	_ =	shalt  }
0x7e: {  	_ =	shalt  }
0x7f: {  	_ =	shalt  }
0x80: {  	_ =	shalt  }
0x81: {  	_ =	shalt  }
0x82: {  	_ =	shalt  }
0x83: {  	_ =	shalt  }
0x84: {  	_ =	shalt  }
0x85: {  	_ =	shalt  }
0x86: {  	_ =	shalt  }
0x87: {  	_ =	shalt  }
.Lfunc_end0:
.L_simem_size_0:
called_computation_lowered:
.L_overlay_start_0:
0x88: {  	s2 =	sld [smem:$0x3FD9]  }
0x89: {  	s3 =	sld [smem:$0x3FFE];
	_ =	sdelay $0x1  }
0x8a: {  	s1 =	srdreg.scid  }
0x8b: {  	s0 =	sand.u32 $0x1, s1  }
0x8c: {  	s18 =	sshll.u32 s0, $0xA;
	s2 =	sadd.s32 s3, s2  }
0x8d: {  	s2 =	sadd.s32 s2, s18  }
0x8e: {  	[smem:$0x3FC3] =	sst s2  }
0x8f: {  	_ = 	snop  }
0x90: {  	s2 =	sld [smem:$0x3FC8]  }
0x91: {  	s19 =	sld [smem:$0x3FD0];
	(tm) =	ssettm $0x1  }
0x92: {  	s4 =	sld [smem:$0x3FFB];
	_ =	sdelay $0x3  }
0x93: {  	_ =	strace s4  }
0x94: {  	s4 =	sld [smem:$0x3FFC];
	_ =	sdelay $0x3  }
0x95: {  	_ =	strace s4  }
0x96: {  	s4 =	sld [smem:$0x3FFD];
	_ =	sdelay $0x3  }
0x97: {  	_ =	strace s4  }
0x98: {  	_ =	strace $0x8FFFFFFF  }
0x99: {  	s20 =	sld [smem:$0x3FDB];
	_ =	sdelay $0x1  }
0x9a: {  	s5 =	simm.s32 $_scs_section_size  }
0x9b: {  	s6 =	simm.s32 $_size__tile_overlayer_lowered;
	s7 =	simm.s32 $_tile_overlayer_lowered  }
0x9c: {  	s23 =	simm.s32 $0x1BFF;
	s22 =	sshll.u32 s7, $0x1;
	s4 =	sadd.s32 s5, s20  }
0x9d: {  	s8 =	simm.s32 $0x0;
	s21 =	sshll.u32 s6, $0x1;
	s6 =	sadd.s32 s22, s4  }
0x9e: {  	[timem:s8], [sflag:s23] =	dma.local [hbm:s6], s21  }
0x9f: {  	_ =	swait.ge [sflag:s23], s21  }
0xa0: {  	s5 =	ssub.s32 $0x0, s21;
	[sflag:s23] =	ssyncset.done $0x0  }
0xa1: {  	[sflag:s23] =	ssyncadd.s32 s5;
	_ =	sdelay $0x1  }
0xa2: {  	s24 =	simm.s32 $0x1B8B  }
0xa3: {  	_ =	swait.ge [sflag:s24], $0x1  }
0xa4: {  	[sflag:s24] =	ssyncset.done $0x0  }
0xa5: {  	s25 =	simm.s32 $0x1B8E;
	[sflag:s24] =	ssyncadd.s32 $0xFFFFFFFF  }
0xa6: {  	s26 =	simm.s32 $execute0_lowered;
	[smem:$0x3FD2] =	sst s25  }
0xa7: {  	s5 =	sshll.u32 s26, $0x1;
	_ =	strace $0x80000046;
	[dreg:$0x1] =	wrdreg $0xFFFFFFFF  }
0xa8: {  	s28 =	simm.s32 $_size_execute0_lowered;
	s4 =	sadd.s32 s4, s5;
	[dreg:$0x0] =	wrdreg $0x0  }
0xa9: {  	s5 =	sshll.u32 s28, $0x1;
	[dreg:$0x2] =	wrdreg s4  }
0xaa: {  	[dreg:$0x3] =	wrdreg s5  }
0xab: {  	[dreg:$0x4] =	wrdreg $0xC0  }
0xac: {  	_ =	task [dreg:s8], $0x5FFFF  }
0xad: {  	[dreg:$0x1] =	wrdreg $0xFFFFFFFF  }
0xae: {  	[dreg:$0x0] =	wrdreg $0x60  }
0xaf: {  	[dreg:$0x2] =	wrdreg s2  }
0xb0: {  	[dreg:$0x3] =	wrdreg s19  }
0xb1: {  	[dreg:$0x4] =	wrdreg $0x50800  }
0xb2: {  	[dreg:$0x5] =	wrdreg $0x9  }
0xb3: {  	_ =	task.clear_ibuf [dreg:s8], $0x6FFFF;
	_ =	strace $0x90000046  }
0xb4: {  	s29 =	simm.s32 $0x9;
	_ =	strace $0x80000048  }
0xb5: {  	_ =	swait.ge [sflag:s29], $0x1  }
0xb6: {  	[sflag:s29] =	ssyncadd.s32 $0xFFFFFFFF  }
0xb7: {  	_ =	strace $0x90000048  }
0xb8: {  	_ =	sfence  }
0xb9: {  	s30 =	sld [smem:$0x0];
	_ =	sdelay $0x2  }
0xba: {  	s31 =	sshll.u32 s1, $0xD;
	s1 =	sshrl.u32 s1, $0x2  }
0xbb: {  	s3 =	sand.u32 $0x4000, s31;
	s1 =	sadd.s32 s1, s30  }
0xbc: {  	s0 =	sor.u32 s3, s0;
	s1 =	sshll.u32 s1, $0x11  }
0xbd: {  	s0 =	sor.u32 s1, s0  }
0xbe: {  	s0 =	sadd.s32 $0x8F2B, s0  }
0xbf: {  	[sflag:s0] =	ssyncadd.remote.s32 $0x1  }
0xc0: {  	_ =	sfence.sel $0xFFFF  }
0xc1: {  	[dreg:$0x0] =	wrdreg $0xFFFFFFFF;
	(pc) =	sbr.abs _section_cstart, $3  }
0xc2: {  	[dreg:$0x1] =	wrdreg $0xFFFFFFFF  }
0xc3: {  	_ =	task.clear_ibuf [dreg:s8], $0x2FFFF;
	_ =	strace $0x9FFFFFFF  }
0xc4: {  	(tm) =	ssettm $0x7FFFFFFF  }
0xc5: {  	_ =	shalt  }
tec
execute0_lowered:
.L_overlay_start_1:
0x0: {  	(tag) =	ssettag $0x1  }
0x1: {  	s1 =	srdreg.scid;
	s3 =	stileid.u32  }
0x2: {  	s0 =	rddreg [dreg:$0x0];
	s5 =	sand.u32 $0x1, s1;
	s2 =	sshll.u32 s3, $0x1  }
0x3: {  	s4 =	rddreg [dreg:$0x1];
	s6 =	sor.u32 s5, s2;
	s21 =	smul.u32 $0x500, s5  }
0x4: {  	s1 =	rddreg [dreg:$0x2];
	s2 =	simm.s32 $0x0;
	s7 =	smul.u32 $0x2700, s6  }
0x5: {  	[smem:$0x7FF] =	sst s2;
	s6 =	smul.u32 $0x4E0, s6  }
0x6: {  	_ =	strace $0x80000047;
	s24 =	sadd.s32 s4, s21;
	s7 =	sshrl.u32 s7, $0x3  }
0x7: {  	s6 =	sadd.s32 s0, s6;
	[dreg:$0x15] =	wrdreg s24;
	s13 =	sadd.s32 s0, s7  }
0x8: {  	s8 =	ssub.s32 $0x2, s5;
	[dreg:$0x4] =	wrdreg s6;
	s26 =	sadd.s32 $0x20, s13  }
0x9: {  	s9 =	sshrl.u32 s8, $0x1;
	s7 =	sadd.s32 $0x40, s13;
	[dreg:$0x5] =	wrdreg s26  }
0xa: {  	s15 =	ssub.s32 s8, s9;
	s8 =	sadd.s32 $0x60, s13;
	[dreg:$0x6] =	wrdreg s7  }
0xb: {  	s9 =	sadd.s32 $0x80, s13;
	[dreg:$0x7] =	wrdreg s8  }
0xc: {  	p0 =	sne.s32 s3, $0x0;
	s10 =	sadd.s32 $0xA0, s13;
	[dreg:$0x8] =	wrdreg s9  }
0xd: {  	s5 =	sshll.u32 s5, $0x5;
	s11 =	sadd.s32 $0xC0, s13;
	[dreg:$0x9] =	wrdreg s10  }
0xe: {  	s15 =	smax.u32 s15, $0x1;
	s12 =	sadd.s32 $0xE0, s13;
	[dreg:$0xa] =	wrdreg s11  }
0xf: {  	s14 =	sadd.s32 $0x100, s13;
	s16 =	sadd.s32 $0x120, s13;
	[dreg:$0xb] =	wrdreg s12  }
0x10: {  	s17 =	sadd.s32 $0x140, s13;
	s18 =	sadd.s32 $0x160, s13;
	[dreg:$0xc] =	wrdreg s14  }
0x11: {  	s19 =	sadd.s32 $0x180, s13;
	s20 =	sadd.s32 $0x1A0, s13;
	[dreg:$0xd] =	wrdreg s16  }
0x12: {  	s22 =	sadd.s32 $0x1E0, s13;
	s23 =	sadd.s32 $0x200, s13;
	[dreg:$0xe] =	wrdreg s17  }
0x13: {  	s25 =	sadd.s32 $0x220, s13;
	s24 =	sadd.s32 $0x280, s13;
	[dreg:$0xf] =	wrdreg s18  }
0x14: {  	s28 =	sadd.s32 $0x2E0, s13;
	s29 =	sadd.s32 $0x300, s13;
	[dreg:$0x10] =	wrdreg s19  }
0x15: {  	s30 =	sadd.s32 $0x320, s13;
	s31 =	sadd.s32 $0x340, s13;
	[dreg:$0x11] =	wrdreg s20  }
0x16: {  	s3 =	sadd.s32 $0x380, s13;
	s4 =	sadd.s32 $0x3A0, s13;
	[dreg:$0x13] =	wrdreg s22  }
0x17: {  	s6 =	sadd.s32 $0x3E0, s13;
	s7 =	sadd.s32 $0x1C0, s13;
	[dreg:$0x14] =	wrdreg s23  }
0x18: {  	s14 =	sadd.s32 s5, s0;
	[dreg:$0x16] =	wrdreg s25;
	s26 =	sadd.s32 $0x240, s13  }
0x19: {  	s23 =	sadd.s32 $0x260, s13;
	s25 =	sadd.s32 $0x2A0, s13;
	s0 =	sadd.s32 $0x360, s13  }
0x1a: {  	s5 =	sadd.s32 $0x3C0, s13;
	s8 =	sadd.s32 $0x420, s13;
	s9 =	sadd.s32 $0x440, s13  }
0x1b: {  	s10 =	sadd.s32 $0x460, s13;
	s11 =	sadd.s32 $0x480, s13;
	s12 =	sadd.s32 $0x4A0, s13  }
0x1c: {  	v0 =	vlaneseq.u32;
	s16 =	simm.s32 $0x1;
	s17 =	simm.s32 $0x2800;
	[dreg:$0x12] =	wrdreg s7  }
0x1d: {  	v1 =	vimm.s32 $0x0;
	v6 =	vimm.s32 $0x1;
	v2 =	vor.u32 $0x10, v0;
	s18 =	simm.s32 $0x0;
	[dreg:$0x17] =	wrdreg s26;
	s26 =	sadd.s32 $0x2C0, s13  }
0x1e: {  	v3 =	vor.u32 $0x20, v0;
	v4 =	vor.u32 $0x30, v0;
	v5 =	vor.u32 $0x40, v0;
	s7 =	sadd.s32 $0x400, s13;
	s13 =	sadd.s32 $0x4C0, s13;
	s14 =	sadd.s32 $0x9C00, s14  }
.LBB2_1:
0x1f: {  	s19 =	rddreg [dreg:$0x4]  }
0x20: {  	[tilespmem:s2], [sflag:$0x1] =	stream.linear.gather [hbm4b:s19+s2], $0x100, $0x38;
	[tilespmem:$0x5300] =	vst v63  }
0x21: {  	s22 =	rddreg [dreg:$0x5];
	s20 =	simm.s32 $0x100  }
0x22: {  	[tilespmem:s20], [sflag:$0x1] =	stream.linear.gather [hbm4b:s22+s2], $0x100, $0x38;
	[tilespmem:$0x5300] =	vst v63  }
0x23: {  	s21 =	rddreg [dreg:$0x6];
	s22 =	simm.s32 $0x200  }
0x24: {  	[tilespmem:s22], [sflag:$0x1] =	stream.linear.gather [hbm4b:s21+s2], $0x100, $0x38;
	[tilespmem:$0x5300] =	vst v63  }
0x25: {  	s21 =	rddreg [dreg:$0x7];
	s22 =	simm.s32 $0x300  }
0x26: {  	[tilespmem:s22], [sflag:$0x1] =	stream.linear.gather [hbm4b:s21+s2], $0x100, $0x38;
	[tilespmem:$0x5300] =	vst v63  }
0x27: {  	s21 =	rddreg [dreg:$0x8];
	s22 =	simm.s32 $0x400  }
0x28: {  	[tilespmem:s22], [sflag:$0x1] =	stream.linear.gather [hbm4b:s21+s2], $0x100, $0x38;
	[tilespmem:$0x5300] =	vst v63  }
0x29: {  	s21 =	rddreg [dreg:$0x9];
	s22 =	simm.s32 $0x500  }
0x2a: {  	[tilespmem:s22], [sflag:$0x1] =	stream.linear.gather [hbm4b:s21+s2], $0x100, $0x38;
	[tilespmem:$0x5300] =	vst v63  }
0x2b: {  	s21 =	rddreg [dreg:$0xa];
	s22 =	simm.s32 $0x600  }
0x2c: {  	[tilespmem:s22], [sflag:$0x1] =	stream.linear.gather [hbm4b:s21+s2], $0x100, $0x38;
	[tilespmem:$0x5300] =	vst v63  }
0x2d: {  	s21 =	rddreg [dreg:$0xb];
	s22 =	simm.s32 $0x700  }
0x2e: {  	[tilespmem:s22], [sflag:$0x1] =	stream.linear.gather [hbm4b:s21+s2], $0x100, $0x38;
	[tilespmem:$0x5300] =	vst v63  }
0x2f: {  	s21 =	rddreg [dreg:$0xc];
	s22 =	simm.s32 $0x800  }
0x30: {  	[tilespmem:s22], [sflag:$0x1] =	stream.linear.gather [hbm4b:s21+s2], $0x100, $0x38;
	[tilespmem:$0x5300] =	vst v63  }
0x31: {  	s21 =	rddreg [dreg:$0xd];
	s22 =	simm.s32 $0x900  }
0x32: {  	[tilespmem:s22], [sflag:$0x1] =	stream.linear.gather [hbm4b:s21+s2], $0x100, $0x38;
	[tilespmem:$0x5300] =	vst v63  }
0x33: {  	s21 =	rddreg [dreg:$0xe];
	s22 =	simm.s32 $0xA00  }
0x34: {  	[tilespmem:s22], [sflag:$0x1] =	stream.linear.gather [hbm4b:s21+s2], $0x100, $0x38;
	[tilespmem:$0x5300] =	vst v63  }
0x35: {  	s21 =	rddreg [dreg:$0xf];
	s22 =	simm.s32 $0xB00  }
0x36: {  	[tilespmem:s22], [sflag:$0x1] =	stream.linear.gather [hbm4b:s21+s2], $0x100, $0x38;
	[tilespmem:$0x5300] =	vst v63  }
0x37: {  	s21 =	rddreg [dreg:$0x10];
	s22 =	simm.s32 $0xC00  }
0x38: {  	[tilespmem:s22], [sflag:$0x1] =	stream.linear.gather [hbm4b:s21+s2], $0x100, $0x38;
	[tilespmem:$0x5300] =	vst v63  }
0x39: {  	s21 =	rddreg [dreg:$0x11];
	s22 =	simm.s32 $0xD00  }
0x3a: {  	[tilespmem:s22], [sflag:$0x1] =	stream.linear.gather [hbm4b:s21+s2], $0x100, $0x38;
	[tilespmem:$0x5300] =	vst v63  }
0x3b: {  	s21 =	rddreg [dreg:$0x12];
	s22 =	simm.s32 $0xE00  }
0x3c: {  	[tilespmem:s22], [sflag:$0x1] =	stream.linear.gather [hbm4b:s21+s2], $0x100, $0x38;
	[tilespmem:$0x5300] =	vst v63  }
0x3d: {  	s21 =	rddreg [dreg:$0x13];
	s22 =	simm.s32 $0xF00  }
0x3e: {  	[tilespmem:s22], [sflag:$0x1] =	stream.linear.gather [hbm4b:s21+s2], $0x100, $0x38;
	[tilespmem:$0x5300] =	vst v63  }
0x3f: {  	s21 =	rddreg [dreg:$0x14];
	s22 =	simm.s32 $0x1000  }
0x40: {  	[tilespmem:s22], [sflag:$0x1] =	stream.linear.gather [hbm4b:s21+s2], $0x100, $0x38;
	[tilespmem:$0x5300] =	vst v63  }
0x41: {  	s21 =	rddreg [dreg:$0x16];
	s22 =	simm.s32 $0x1100  }
0x42: {  	[tilespmem:s22], [sflag:$0x1] =	stream.linear.gather [hbm4b:s21+s2], $0x100, $0x38;
	[tilespmem:$0x5300] =	vst v63  }
0x43: {  	s21 =	rddreg [dreg:$0x17];
	s22 =	simm.s32 $0x1200  }
0x44: {  	[tilespmem:s22], [sflag:$0x1] =	stream.linear.gather [hbm4b:s21+s2], $0x100, $0x38;
	[tilespmem:$0x5300] =	vst v63  }
0x45: {  	s21 =	simm.s32 $0x1300  }
0x46: {  	[tilespmem:s21], [sflag:$0x1] =	stream.linear.gather [hbm4b:s23+s2], $0x100, $0x38;
	[tilespmem:$0x5300] =	vst v63  }
0x47: {  	s22 =	simm.s32 $0x1400  }
0x48: {  	[tilespmem:s22], [sflag:$0x1] =	stream.linear.gather [hbm4b:s24+s2], $0x100, $0x38;
	[tilespmem:$0x5300] =	vst v63  }
0x49: {  	s20 =	simm.s32 $0x1500  }
0x4a: {  	[tilespmem:s20], [sflag:$0x1] =	stream.linear.gather [hbm4b:s25+s2], $0x100, $0x38;
	[tilespmem:$0x5300] =	vst v63  }
0x4b: {  	s21 =	simm.s32 $0x1600  }
0x4c: {  	[tilespmem:s21], [sflag:$0x1] =	stream.linear.gather [hbm4b:s26+s2], $0x100, $0x38;
	[tilespmem:$0x5300] =	vst v63  }
0x4d: {  	s22 =	simm.s32 $0x1700  }
0x4e: {  	[tilespmem:s22], [sflag:$0x1] =	stream.linear.gather [hbm4b:s28+s2], $0x100, $0x38;
	[tilespmem:$0x5300] =	vst v63  }
0x4f: {  	s20 =	simm.s32 $0x1800  }
0x50: {  	[tilespmem:s20], [sflag:$0x1] =	stream.linear.gather [hbm4b:s29+s2], $0x100, $0x38;
	[tilespmem:$0x5300] =	vst v63  }
0x51: {  	s21 =	simm.s32 $0x1900  }
0x52: {  	[tilespmem:s21], [sflag:$0x1] =	stream.linear.gather [hbm4b:s30+s2], $0x100, $0x38;
	[tilespmem:$0x5300] =	vst v63  }
0x53: {  	s22 =	simm.s32 $0x1A00  }
0x54: {  	[tilespmem:s22], [sflag:$0x1] =	stream.linear.gather [hbm4b:s31+s2], $0x100, $0x38;
	[tilespmem:$0x5300] =	vst v63  }
0x55: {  	s20 =	simm.s32 $0x1B00  }
0x56: {  	[tilespmem:s20], [sflag:$0x1] =	stream.linear.gather [hbm4b:s0+s2], $0x100, $0x38;
	[tilespmem:$0x5300] =	vst v63  }
0x57: {  	s21 =	simm.s32 $0x1C00  }
0x58: {  	[tilespmem:s21], [sflag:$0x1] =	stream.linear.gather [hbm4b:s3+s2], $0x100, $0x38;
	[tilespmem:$0x5300] =	vst v63  }
0x59: {  	s22 =	simm.s32 $0x1D00  }
0x5a: {  	[tilespmem:s22], [sflag:$0x1] =	stream.linear.gather [hbm4b:s4+s2], $0x100, $0x38;
	[tilespmem:$0x5300] =	vst v63  }
0x5b: {  	s20 =	simm.s32 $0x1E00  }
0x5c: {  	[tilespmem:s20], [sflag:$0x1] =	stream.linear.gather [hbm4b:s5+s2], $0x100, $0x38;
	[tilespmem:$0x5300] =	vst v63  }
0x5d: {  	s21 =	simm.s32 $0x1F00  }
0x5e: {  	[tilespmem:s21], [sflag:$0x1] =	stream.linear.gather [hbm4b:s6+s2], $0x100, $0x38;
	[tilespmem:$0x5300] =	vst v63  }
0x5f: {  	s22 =	simm.s32 $0x2000  }
0x60: {  	[tilespmem:s22], [sflag:$0x1] =	stream.linear.gather [hbm4b:s7+s2], $0x100, $0x38;
	[tilespmem:$0x5300] =	vst v63  }
0x61: {  	s20 =	simm.s32 $0x2100  }
0x62: {  	[tilespmem:s20], [sflag:$0x1] =	stream.linear.gather [hbm4b:s8+s2], $0x100, $0x38;
	[tilespmem:$0x5300] =	vst v63  }
0x63: {  	s21 =	simm.s32 $0x2200  }
0x64: {  	[tilespmem:s21], [sflag:$0x1] =	stream.linear.gather [hbm4b:s9+s2], $0x100, $0x38;
	[tilespmem:$0x5300] =	vst v63  }
0x65: {  	s22 =	simm.s32 $0x2300  }
0x66: {  	[tilespmem:s22], [sflag:$0x1] =	stream.linear.gather [hbm4b:s10+s2], $0x100, $0x38;
	[tilespmem:$0x5300] =	vst v63  }
0x67: {  	s20 =	simm.s32 $0x2400  }
0x68: {  	[tilespmem:s20], [sflag:$0x1] =	stream.linear.gather [hbm4b:s11+s2], $0x100, $0x38;
	[tilespmem:$0x5300] =	vst v63  }
0x69: {  	s21 =	simm.s32 $0x2500  }
0x6a: {  	[tilespmem:s21], [sflag:$0x1] =	stream.linear.gather [hbm4b:s12+s2], $0x100, $0x38;
	[tilespmem:$0x5300] =	vst v63  }
0x6b: {  	s22 =	simm.s32 $0x2600  }
0x6c: {  	[tilespmem:s22], [sflag:$0x1] =	stream.linear.gather [hbm4b:s13+s2], $0x100, $0x38;
	[tilespmem:$0x5300] =	vst v63  }
0x6d: {  	s19 =	simm.s32 @!p0 $0x0;
	s20 =	simm.s32 @!p0 $0x2700  }
0x6e: {  	[tilespmem:s20], [sflag:$0x1] =	stream.linear.gather @!p0 [hbm4b:s14+s19], $0x100, $0x38;
	[tilespmem:$0x5300] =	vst v63  }
0x6f: {  	s19 =	simm.s32 $0x0;
	s20 =	simm.s32 $0x200  }
.LBB2_2:
0x70: {  	p1 =	sne.s32 s20, $0x9E00;
	[tilespmem:s19+$0x2870] =	vst v1  }
0x71: {  	[tilespmem:s19+$0x2800] =	vst v1  }
0x72: {  	[tilespmem:s19+$0x2810] =	vst v1  }
.Ltmp0:
0x73: {  	[tilespmem:s19+$0x2820] =	vst v1;
	(pc) =	sbr.rel @p1 .LBB2_2-.Ltmp0, $4  }
0x74: {  	[tilespmem:s19+$0x2830] =	vst v1  }
0x75: {  	[tilespmem:s19+$0x2840] =	vst v1  }
0x76: {  	[tilespmem:s19+$0x2850] =	vst v1  }
0x77: {  	[tilespmem:s19+$0x2860] =	vst v1;
	s19 =	sshra.s32 s20, $0x2;
	s20 =	sadd.s32 $0x200, s20  }
0x78: {  	[tilespmem:s19+$0x2870] =	vst v1  }
0x79: {  	[tilespmem:s19+$0x2800] =	vst v1  }
0x7a: {  	[tilespmem:s19+$0x2810] =	vst v1  }
0x7b: {  	[tilespmem:s19+$0x2820] =	vst v1  }
0x7c: {  	[tilespmem:s19+$0x2830] =	vst v1  }
0x7d: {  	[tilespmem:s19+$0x2840] =	vst v1  }
0x7e: {  	[tilespmem:s19+$0x2850] =	vst v1  }
0x7f: {  	[tilespmem:s19+$0x2860] =	vst v1  }
0x80: {  	[tilespmem:$0x5000] =	vst v0  }
0x81: {  	[tilespmem:$0x5010] =	vst v2  }
0x82: {  	[tilespmem:$0x5020] =	vst v3  }
0x83: {  	[tilespmem:$0x5030] =	vst v4  }
0x84: {  	s19 =	simm.s32 @!p0 $0x2800;
	[tilespmem:$0x5040] =	vst v5  }
0x85: {  	[spmem:s1] =	stream.linear.scatter @!p0 [tilespmem:s19], [sflag:$0x2], $0x2800, $0x38;
	[tilespmem:$0x5300] =	vst v63  }
0x86: {  	s19 =	simm.s32 @!p0 $0x2  }
0x87: {  	_ =	swait.ge @!p0 [sflag:s19], $0x2800  }
0x88: {  	[sflag:s19] =	ssyncset.done @!p0 $0x0  }
0x89: {  	[sflag:s19] =	ssyncadd.s32 @!p0 $0xFFFFD800  }
0x8a: {  	[bflag:$0x0] =	sbarrier.arrive $0xFFFF  }
0x8b: {  	_ =	swait.ge [sflag:s16], $0x100  }
0x8c: {  	[sflag:s16] =	ssyncset.done $0x0  }
0x8d: {  	[sflag:s16] =	ssyncadd.s32 $0xFFFFFF00  }
0x8e: {  	_ =	swait.ge [sflag:s16], $0x100  }
0x8f: {  	[sflag:s16] =	ssyncset.done $0x0  }
0x90: {  	[sflag:s16] =	ssyncadd.s32 $0xFFFFFF00  }
0x91: {  	_ =	swait.ge [sflag:s16], $0x100  }
0x92: {  	[sflag:s16] =	ssyncset.done $0x0  }
0x93: {  	[sflag:s16] =	ssyncadd.s32 $0xFFFFFF00  }
0x94: {  	_ =	swait.ge [sflag:s16], $0x100  }
0x95: {  	[sflag:s16] =	ssyncset.done $0x0  }
0x96: {  	[sflag:s16] =	ssyncadd.s32 $0xFFFFFF00  }
0x97: {  	_ =	swait.ge [sflag:s16], $0x100  }
0x98: {  	[sflag:s16] =	ssyncset.done $0x0  }
0x99: {  	[sflag:s16] =	ssyncadd.s32 $0xFFFFFF00  }
0x9a: {  	_ =	swait.ge [sflag:s16], $0x100  }
0x9b: {  	[sflag:s16] =	ssyncset.done $0x0  }
0x9c: {  	[sflag:s16] =	ssyncadd.s32 $0xFFFFFF00  }
0x9d: {  	_ =	swait.ge [sflag:s16], $0x100  }
0x9e: {  	[sflag:s16] =	ssyncset.done $0x0  }
0x9f: {  	[sflag:s16] =	ssyncadd.s32 $0xFFFFFF00  }
0xa0: {  	_ =	swait.ge [sflag:s16], $0x100  }
0xa1: {  	[sflag:s16] =	ssyncset.done $0x0  }
0xa2: {  	[sflag:s16] =	ssyncadd.s32 $0xFFFFFF00  }
0xa3: {  	_ =	swait.ge [sflag:s16], $0x100  }
0xa4: {  	[sflag:s16] =	ssyncset.done $0x0  }
0xa5: {  	[sflag:s16] =	ssyncadd.s32 $0xFFFFFF00  }
0xa6: {  	_ =	swait.ge [sflag:s16], $0x100  }
0xa7: {  	[sflag:s16] =	ssyncset.done $0x0  }
0xa8: {  	[sflag:s16] =	ssyncadd.s32 $0xFFFFFF00  }
0xa9: {  	_ =	swait.ge [sflag:s16], $0x100  }
0xaa: {  	[sflag:s16] =	ssyncset.done $0x0  }
0xab: {  	[sflag:s16] =	ssyncadd.s32 $0xFFFFFF00  }
0xac: {  	_ =	swait.ge [sflag:s16], $0x100  }
0xad: {  	[sflag:s16] =	ssyncset.done $0x0  }
0xae: {  	[sflag:s16] =	ssyncadd.s32 $0xFFFFFF00  }
0xaf: {  	_ =	swait.ge [sflag:s16], $0x100  }
0xb0: {  	[sflag:s16] =	ssyncset.done $0x0  }
0xb1: {  	[sflag:s16] =	ssyncadd.s32 $0xFFFFFF00  }
0xb2: {  	_ =	swait.ge [sflag:s16], $0x100  }
0xb3: {  	[sflag:s16] =	ssyncset.done $0x0  }
0xb4: {  	[sflag:s16] =	ssyncadd.s32 $0xFFFFFF00  }
0xb5: {  	_ =	swait.ge [sflag:s16], $0x100  }
0xb6: {  	[sflag:s16] =	ssyncset.done $0x0  }
0xb7: {  	[sflag:s16] =	ssyncadd.s32 $0xFFFFFF00  }
0xb8: {  	_ =	swait.ge [sflag:s16], $0x100  }
0xb9: {  	[sflag:s16] =	ssyncset.done $0x0  }
0xba: {  	[sflag:s16] =	ssyncadd.s32 $0xFFFFFF00  }
0xbb: {  	_ =	swait.ge [sflag:s16], $0x100  }
0xbc: {  	[sflag:s16] =	ssyncset.done $0x0  }
0xbd: {  	[sflag:s16] =	ssyncadd.s32 $0xFFFFFF00  }
0xbe: {  	_ =	swait.ge [sflag:s16], $0x100  }
0xbf: {  	[sflag:s16] =	ssyncset.done $0x0  }
0xc0: {  	[sflag:s16] =	ssyncadd.s32 $0xFFFFFF00  }
0xc1: {  	_ =	swait.ge [sflag:s16], $0x100  }
0xc2: {  	[sflag:s16] =	ssyncset.done $0x0  }
0xc3: {  	[sflag:s16] =	ssyncadd.s32 $0xFFFFFF00  }
0xc4: {  	_ =	swait.ge [sflag:s16], $0x100  }
0xc5: {  	[sflag:s16] =	ssyncset.done $0x0  }
0xc6: {  	[sflag:s16] =	ssyncadd.s32 $0xFFFFFF00  }
0xc7: {  	_ =	swait.ge [sflag:s16], $0x100  }
0xc8: {  	[sflag:s16] =	ssyncset.done $0x0  }
0xc9: {  	[sflag:s16] =	ssyncadd.s32 $0xFFFFFF00  }
0xca: {  	_ =	swait.ge [sflag:s16], $0x100  }
0xcb: {  	[sflag:s16] =	ssyncset.done $0x0  }
0xcc: {  	[sflag:s16] =	ssyncadd.s32 $0xFFFFFF00  }
0xcd: {  	_ =	swait.ge [sflag:s16], $0x100  }
0xce: {  	[sflag:s16] =	ssyncset.done $0x0  }
0xcf: {  	[sflag:s16] =	ssyncadd.s32 $0xFFFFFF00  }
0xd0: {  	_ =	swait.ge [sflag:s16], $0x100  }
0xd1: {  	[sflag:s16] =	ssyncset.done $0x0  }
0xd2: {  	[sflag:s16] =	ssyncadd.s32 $0xFFFFFF00  }
0xd3: {  	_ =	swait.ge [sflag:s16], $0x100  }
0xd4: {  	[sflag:s16] =	ssyncset.done $0x0  }
0xd5: {  	[sflag:s16] =	ssyncadd.s32 $0xFFFFFF00  }
0xd6: {  	_ =	swait.ge [sflag:s16], $0x100  }
0xd7: {  	[sflag:s16] =	ssyncset.done $0x0  }
0xd8: {  	[sflag:s16] =	ssyncadd.s32 $0xFFFFFF00  }
0xd9: {  	_ =	swait.ge [sflag:s16], $0x100  }
0xda: {  	[sflag:s16] =	ssyncset.done $0x0  }
0xdb: {  	[sflag:s16] =	ssyncadd.s32 $0xFFFFFF00  }
0xdc: {  	_ =	swait.ge [sflag:s16], $0x100  }
0xdd: {  	[sflag:s16] =	ssyncset.done $0x0  }
0xde: {  	[sflag:s16] =	ssyncadd.s32 $0xFFFFFF00  }
0xdf: {  	_ =	swait.ge [sflag:s16], $0x100  }
0xe0: {  	[sflag:s16] =	ssyncset.done $0x0  }
0xe1: {  	[sflag:s16] =	ssyncadd.s32 $0xFFFFFF00  }
0xe2: {  	_ =	swait.ge [sflag:s16], $0x100  }
0xe3: {  	[sflag:s16] =	ssyncset.done $0x0  }
0xe4: {  	[sflag:s16] =	ssyncadd.s32 $0xFFFFFF00  }
0xe5: {  	_ =	swait.ge [sflag:s16], $0x100  }
0xe6: {  	[sflag:s16] =	ssyncset.done $0x0  }
0xe7: {  	[sflag:s16] =	ssyncadd.s32 $0xFFFFFF00  }
0xe8: {  	_ =	swait.ge [sflag:s16], $0x100  }
0xe9: {  	[sflag:s16] =	ssyncset.done $0x0  }
0xea: {  	[sflag:s16] =	ssyncadd.s32 $0xFFFFFF00  }
0xeb: {  	_ =	swait.ge [sflag:s16], $0x100  }
0xec: {  	[sflag:s16] =	ssyncset.done $0x0  }
0xed: {  	[sflag:s16] =	ssyncadd.s32 $0xFFFFFF00  }
0xee: {  	_ =	swait.ge [sflag:s16], $0x100  }
0xef: {  	[sflag:s16] =	ssyncset.done $0x0  }
0xf0: {  	[sflag:s16] =	ssyncadd.s32 $0xFFFFFF00  }
0xf1: {  	_ =	swait.ge [sflag:s16], $0x100  }
0xf2: {  	[sflag:s16] =	ssyncset.done $0x0  }
0xf3: {  	[sflag:s16] =	ssyncadd.s32 $0xFFFFFF00  }
0xf4: {  	_ =	swait.ge [sflag:s16], $0x100  }
0xf5: {  	[sflag:s16] =	ssyncset.done $0x0  }
0xf6: {  	[sflag:s16] =	ssyncadd.s32 $0xFFFFFF00  }
0xf7: {  	_ =	swait.ge [sflag:s16], $0x100  }
0xf8: {  	[sflag:s16] =	ssyncset.done $0x0  }
0xf9: {  	[sflag:s16] =	ssyncadd.s32 $0xFFFFFF00  }
0xfa: {  	_ =	swait.ge [sflag:s16], $0x100  }
0xfb: {  	[sflag:s16] =	ssyncset.done $0x0  }
0xfc: {  	[sflag:s16] =	ssyncadd.s32 $0xFFFFFF00  }
0xfd: {  	_ =	swait.ge [sflag:s16], $0x100  }
0xfe: {  	[sflag:s16] =	ssyncset.done $0x0  }
0xff: {  	s19 =	simm.s32 $0x3C0;
	[sflag:s16] =	ssyncadd.s32 $0xFFFFFF00  }
.LBB2_4:
0x100: {  	s20 =	sshra.s32 s19, $0x2  }
0x101: {  	v7 =	vld [tilespmem:s20+$0xFFFFFF90];
	_ =	sdelay $0x7  }
0x102: {  	[tilespmem:v7+s17+$0x0] =	vst.idx.add.s32.msk $0xffff, v6  }
0x103: {  	v7 =	vld [tilespmem:s20+$0xFFFFFFA0];
	_ =	sdelay $0x7  }
0x104: {  	[tilespmem:v7+s17+$0x0] =	vst.idx.add.s32.msk $0xffff, v6  }
0x105: {  	v7 =	vld [tilespmem:s20+$0xFFFFFFB0];
	_ =	sdelay $0x7  }
0x106: {  	[tilespmem:v7+s17+$0x0] =	vst.idx.add.s32.msk $0xffff, v6  }
0x107: {  	v7 =	vld [tilespmem:s20+$0xFFFFFFC0];
	_ =	sdelay $0x7  }
0x108: {  	[tilespmem:v7+s17+$0x0] =	vst.idx.add.s32.msk $0xffff, v6  }
0x109: {  	v7 =	vld [tilespmem:s20+$0xFFFFFFD0];
	_ =	sdelay $0x7  }
0x10a: {  	[tilespmem:v7+s17+$0x0] =	vst.idx.add.s32.msk $0xffff, v6  }
0x10b: {  	v7 =	vld [tilespmem:s20+$0xFFFFFFE0];
	_ =	sdelay $0x7  }
0x10c: {  	[tilespmem:v7+s17+$0x0] =	vst.idx.add.s32.msk $0xffff, v6  }
0x10d: {  	v7 =	vld [tilespmem:s20+$0xFFFFFFF0];
	_ =	sdelay $0x7  }
0x10e: {  	[tilespmem:v7+s17+$0x0] =	vst.idx.add.s32.msk $0xffff, v6  }
0x10f: {  	v7 =	vld [tilespmem:s20+$0x0];
	_ =	sdelay $0x2  }
0x110: {  	p1 =	sne.s32 s19, $0x9BC0  }
.Ltmp1:
0x111: {  	_ = 	snop;
	(pc) =	sbr.rel @p1 .LBB2_4-.Ltmp1, $2  }
0x112: {  	_ =	sdelay $0x2  }
0x113: {  	s19 =	sadd.s32 $0x400, s19;
	[tilespmem:v7+s17+$0x0] =	vst.idx.add.s32.msk $0xffff, v6  }
0x114: {  	s19 =	simm.s32 @p0 $0x50;
	s20 =	simm.s32 @p0 $0x5000;
	s21 =	simm.s32 @p0 $0x2800  }
0x115: {  	[spmem:s1] =	stream.indirect.scatter.add.s32 @p0 [tilespmem:s21], [sflag:$0x2], $0x80, s20, s19, $0xb8;
	[tilespmem:$0x5300] =	vst v63  }
0x116: {  	s19 =	simm.s32 @p0 $0x2  }
0x117: {  	_ =	swait.ge @p0 [sflag:s19], $0x2800  }
0x118: {  	[sflag:s19] =	ssyncset.done @p0 $0x0  }
0x119: {  	[sflag:s19] =	ssyncadd.s32 @p0 $0xFFFFD800  }
0x11a: {  	s19 =	simm.s32 @!p0 $0x1;
	[bflag:$0x0] =	sbarrier.arrive @p0 $0xFFFF  }
0x11b: {  	_ =	swait.ge @!p0 [sflag:s19], $0x100  }
0x11c: {  	[sflag:s19] =	ssyncset.done @!p0 $0x0  }
0x11d: {  	[sflag:s19] =	ssyncadd.s32 @!p0 $0xFFFFFF00  }
0x11e: {  	v7 =	vld @!p0 [tilespmem:$0x2780];
	_ =	sdelay $0x6  }
0x11f: {  	v8 =	vimm.s32 @!p0 $0x1;
	s19 =	simm.s32 @!p0 $0x2800  }
0x120: {  	[tilespmem:v7+s19+$0x0] =	vst.idx.add.s32.msk @!p0 $0xffff, v8  }
0x121: {  	v7 =	vld @!p0 [tilespmem:$0x2790];
	_ =	sdelay $0x7  }
0x122: {  	[tilespmem:v7+s19+$0x0] =	vst.idx.add.s32.msk @!p0 $0xffff, v8  }
0x123: {  	v7 =	vld @!p0 [tilespmem:$0x27A0];
	_ =	sdelay $0x7  }
0x124: {  	[tilespmem:v7+s19+$0x0] =	vst.idx.add.s32.msk @!p0 $0xffff, v8  }
0x125: {  	v7 =	vld @!p0 [tilespmem:$0x27B0];
	_ =	sdelay $0x7  }
0x126: {  	[tilespmem:v7+s19+$0x0] =	vst.idx.add.s32.msk @!p0 $0xffff, v8  }
0x127: {  	v7 =	vld @!p0 [tilespmem:$0x27C0];
	_ =	sdelay $0x7  }
0x128: {  	[tilespmem:v7+s19+$0x0] =	vst.idx.add.s32.msk @!p0 $0xffff, v8  }
0x129: {  	v7 =	vld @!p0 [tilespmem:$0x27D0];
	_ =	sdelay $0x7  }
0x12a: {  	[tilespmem:v7+s19+$0x0] =	vst.idx.add.s32.msk @!p0 $0xffff, v8  }
0x12b: {  	v7 =	vld @!p0 [tilespmem:$0x27E0];
	_ =	sdelay $0x7  }
0x12c: {  	[tilespmem:v7+s19+$0x0] =	vst.idx.add.s32.msk @!p0 $0xffff, v8  }
0x12d: {  	v7 =	vld @!p0 [tilespmem:$0x27F0];
	_ =	sdelay $0x7  }
0x12e: {  	s20 =	simm.s32 @!p0 $0x50;
	s21 =	simm.s32 @!p0 $0x5000;
	[tilespmem:v7+s19+$0x0] =	vst.idx.add.s32.msk @!p0 $0xffff, v8  }
0x12f: {  	[spmem:s1] =	stream.indirect.scatter.add.s32 @!p0 [tilespmem:s19], [sflag:$0x2], $0x80, s21, s20, $0xb8;
	[tilespmem:$0x5300] =	vst v63  }
0x130: {  	s19 =	simm.s32 @!p0 $0x2  }
0x131: {  	_ =	swait.ge @!p0 [sflag:s19], $0x2800  }
0x132: {  	[sflag:s19] =	ssyncset.done @!p0 $0x0  }
0x133: {  	s18 =	sadd.s32 $0x1, s18;
	[sflag:s19] =	ssyncadd.s32 @!p0 $0xFFFFD800  }
0x134: {  	p1 =	sne.s32 s18, s15;
	s20 =	sshrl.u32 @!p0 s1, $0x3;
	[bflag:$0x0] =	sbarrier.arrive @!p0 $0xFFFF  }
.Ltmp2:
0x135: {  	s21 =	simm.s32 @!p0 $0x1C02;
	s22 =	rddreg [dreg:$0x15];
	(pc) =	sbr.rel @p1 .LBB2_1-.Ltmp2, $4  }
0x136: {  	[hbm:s22], [sflag:s21] =	dma.local @!p0 [spmem:s20], $0x500  }
0x137: {  	_ =	swait.ge @!p0 [sflag:s19], $0x500  }
0x138: {  	[sflag:s19] =	ssyncset.done @!p0 $0x0  }
0x139: {  	[sflag:s19] =	ssyncadd.s32 @!p0 $0xFFFFFB00  }
0x13a: {  	_ =	sfence.sel $0x180000  }
0x13b: {  	[bflag:$0x0] =	sbarrier.arrive $0xFFFF  }
0x13c: {  	_ =	strace $0x90000047  }
0x13d: {  	[bflag:$0x2] =	sbarrier.arrive $0xFFFF  }
0x13e: {  	s0 =	rddreg [dreg:$0x3]  }
0x13f: {  	s0 =	sadd.s32 @!p0 $0x100000, s0  }
0x140: {  	[sflag:s0] =	ssyncadd.tile.s32 @!p0 $0x1;
	_ =	shalt  }
.Lfunc_end2:
_tile_overlayer_lowered:
.L_overlay_start_2:
0x141: {  	(tag) =	ssettag $0x2  }
0x142: {  	s0 =	rddreg [dreg:$0x0];
	s2 =	stileid.u32  }
0x143: {  	s1 =	rddreg [dreg:$0x1];
	p0 =	sne.s32 s2, $0x0  }
0x144: {  	s3 =	rddreg [dreg:$0x2];
	[bflag:$0x3] =	sbarrier.arrive $0xFFFF;
	s2 =	simm.s32 @!p0 $0x1C02  }
0x145: {  	[timem:s3], [sflag:s2] =	dma.local @!p0 [hbm:s0], s1  }
0x146: {  	s0 =	simm.s32 @!p0 $0x2  }
0x147: {  	_ =	swait.ge @!p0 [sflag:s0], s1  }
0x148: {  	s1 =	ssub.s32 @!p0 $0x0, s1;
	[sflag:s0] =	ssyncset.done @!p0 $0x0  }
0x149: {  	[sflag:s0] =	ssyncadd.s32 @!p0 s1  }
0x14a: {  	[bflag:$0x3] =	sbarrier.arrive $0xFFFF  }
0x14b: {  	_ =	shalt  }

</sc_bundles>
